<compile_context>
chip_gen: v7x
topology: tpu7x:2x2x1
jax: 0.10.2.dev20260603
libtpu: 0.0.44.dev20260713+nightly
codegen_flags: <defaults>
</compile_context>

<pallas_src>
import functools

import jax
import jax.numpy as jnp
from jax import lax
from jax.experimental import pallas as pl
from jax.experimental.pallas import tpu as pltpu
from jax.experimental.pallas import tpu_sc as plsc

_N = 10000
_D = 128
_E = 320000
_NC = 2
_NS = 16
_NW = _NC * _NS
_CHUNK = 128
_CPW = 80
_HCPW = _CPW // 2
_EPAD = _NW * _CPW * _CHUNK
_NPAD = 10240
_RPT = _NPAD // _NS
_DEGW = 128

_vector_mesh = plsc.VectorSubcoreMesh(core_axis_name="c", subcore_axis_name="s")


@functools.partial(
    pl.kernel,
    out_type=jax.ShapeDtypeStruct((_NC, _NPAD, _DEGW), jnp.float32),
    mesh=_vector_mesh,
    scratch_types=[
        pltpu.VMEM((_CPW, _CHUNK), jnp.int32),
        pltpu.VMEM((_CHUNK, _DEGW), jnp.float32),
        pltpu.VMEM_SHARED((_NPAD, _DEGW), jnp.float32),
    ],
)
def _sc_degree(dst_hbm, ones_hbm, zeros_hbm, out_hbm, dst_c, ones_v, acc_sh):
    cid = lax.axis_index("c")
    sid = lax.axis_index("s")
    wid = sid * _NC + cid
    row0 = sid * _RPT
    pltpu.sync_copy(dst_hbm.at[wid], dst_c)
    for b in range(_RPT // _CHUNK):
        pltpu.sync_copy(zeros_hbm, acc_sh.at[pl.ds(row0 + b * _CHUNK, _CHUNK)])
    pltpu.sync_copy(ones_hbm, ones_v)
    plsc.subcore_barrier()

    @pl.loop(0, _CPW)
    def _(j):
        pltpu.sync_copy(ones_v, acc_sh.at[dst_c.at[j]], add=True)

    plsc.subcore_barrier()
    pltpu.sync_copy(acc_sh.at[pl.ds(row0, _RPT)],
                    out_hbm.at[cid, pl.ds(row0, _RPT)])


@functools.partial(
    pl.kernel,
    out_type=jax.ShapeDtypeStruct((_NC, _NPAD, _D), jnp.float32),
    mesh=_vector_mesh,
    scratch_types=[
        pltpu.VMEM((_HCPW, _CHUNK), jnp.int32),
        pltpu.VMEM((_HCPW, _CHUNK), jnp.int32),
        pltpu.VMEM((_CHUNK, _D), jnp.float32),
        pltpu.VMEM((_CHUNK, _D), jnp.float32),
        pltpu.VMEM_SHARED((_NPAD, _D), jnp.float32),
        pltpu.SemaphoreType.DMA,
        pltpu.SemaphoreType.DMA,
    ],
)
def _sc_scatter(src_hbm, dst_hbm, g_hbm, zeros_hbm, out_hbm,
                src_c, dst_c, rows_a, rows_b, acc_sh, sem_a, sem_b):
    cid = lax.axis_index("c")
    sid = lax.axis_index("s")
    wid = sid * _NC + cid
    row0 = sid * _RPT
    for b in range(_RPT // _CHUNK):
        pltpu.sync_copy(zeros_hbm, acc_sh.at[pl.ds(row0 + b * _CHUNK, _CHUNK)])
    plsc.subcore_barrier()

    for h in range(2):
        base = h * _HCPW
        pltpu.sync_copy(src_hbm.at[wid, pl.ds(base, _HCPW)], src_c)
        pltpu.sync_copy(dst_hbm.at[wid, pl.ds(base, _HCPW)], dst_c)
        pltpu.async_copy(g_hbm.at[src_c.at[0]], rows_a, sem_a)

        @pl.loop(0, _HCPW // 2 - 1)
        def _(p):
            j = 2 * p
            pltpu.async_copy(g_hbm.at[src_c.at[j + 1]], rows_b, sem_b)
            pltpu.make_async_copy(g_hbm.at[src_c.at[j]], rows_a, sem_a).wait()
            pltpu.sync_copy(rows_a, acc_sh.at[dst_c.at[j]], add=True)
            pltpu.async_copy(g_hbm.at[src_c.at[j + 2]], rows_a, sem_a)
            pltpu.make_async_copy(g_hbm.at[src_c.at[j + 1]], rows_b,
                                  sem_b).wait()
            pltpu.sync_copy(rows_b, acc_sh.at[dst_c.at[j + 1]], add=True)

        pltpu.async_copy(g_hbm.at[src_c.at[_HCPW - 1]], rows_b, sem_b)
        pltpu.make_async_copy(g_hbm.at[src_c.at[_HCPW - 2]], rows_a,
                              sem_a).wait()
        pltpu.sync_copy(rows_a, acc_sh.at[dst_c.at[_HCPW - 2]], add=True)
        pltpu.make_async_copy(g_hbm.at[src_c.at[_HCPW - 1]], rows_b,
                              sem_b).wait()
        pltpu.sync_copy(rows_b, acc_sh.at[dst_c.at[_HCPW - 1]], add=True)

    plsc.subcore_barrier()
    pltpu.sync_copy(acc_sh.at[pl.ds(row0, _RPT)],
                    out_hbm.at[cid, pl.ds(row0, _RPT)])


_RB = 1000


def _dinv_from(dp):
    deg = dp[0, :, 0:1] + dp[1, :, 0:1] + 1.0
    return lax.rsqrt(deg)


def _mm1_body(dp_ref, x_ref, w_ref, o_ref):
    dinv = _dinv_from(dp_ref[...])
    h = jnp.dot(x_ref[...], w_ref[...], preferred_element_type=jnp.float32)
    o_ref[...] = h * dinv


def _mid_body(dp_ref, sp_ref, g1_ref, b1_ref, w2_ref, o_ref):
    dinv = _dinv_from(dp_ref[...])
    s = sp_ref[0] + sp_ref[1]
    a = jnp.maximum(dinv * (s + g1_ref[...]) + b1_ref[...], 0.0)
    o_ref[...] = jnp.dot(a, w2_ref[...],
                         preferred_element_type=jnp.float32) * dinv


def _fin_body(dp_ref, sp_ref, g2_ref, b2_ref, o_ref):
    dinv = _dinv_from(dp_ref[...])
    o_ref[...] = dinv * (sp_ref[0] + sp_ref[1] + g2_ref[...]) + b2_ref[...]


_DPB = 16
_dp_spec = pl.BlockSpec((2, _RB, _DPB), lambda i: (0, i, 0))
_sp_spec = pl.BlockSpec((2, _RB, _D), lambda i: (0, i, 0))
_row_spec = pl.BlockSpec((_RB, _D), lambda i: (i, 0))
_w_spec = pl.BlockSpec((_D, _D), lambda i: (0, 0))
_b_spec = pl.BlockSpec((1, _D), lambda i: (0, 0))
_out_shape = jax.ShapeDtypeStruct((_N, _D), jnp.float32)

_mm1 = pl.pallas_call(
    _mm1_body, grid=(_N // _RB,),
    in_specs=[_dp_spec, _row_spec, _w_spec],
    out_specs=_row_spec, out_shape=_out_shape)

_mid = pl.pallas_call(
    _mid_body, grid=(_N // _RB,),
    in_specs=[_dp_spec, _sp_spec, _row_spec, _b_spec, _w_spec],
    out_specs=_row_spec, out_shape=_out_shape)

_fin = pl.pallas_call(
    _fin_body, grid=(_N // _RB,),
    in_specs=[_dp_spec, _sp_spec, _row_spec, _b_spec],
    out_specs=_row_spec, out_shape=_out_shape)


def kernel(x, edge_index, W1, b1, W2, b2):
    src = edge_index[0].astype(jnp.int32)
    dst = edge_index[1].astype(jnp.int32)
    pad = _EPAD - _E
    ar = jnp.arange(pad, dtype=jnp.int32)
    src_p = jnp.concatenate([src, ar % _N]).reshape(_NW, _CPW, _CHUNK)
    dst_p = jnp.concatenate([dst, _N + (ar % (_NPAD - _N))]
                            ).reshape(_NW, _CPW, _CHUNK)
    ones16 = jnp.ones((_CHUNK, _DEGW), jnp.float32)
    zeros16 = jnp.zeros((_CHUNK, _DEGW), jnp.float32)
    zerosD = jnp.zeros((_CHUNK, _D), jnp.float32)
    b1r = b1.reshape(1, _D)
    b2r = b2.reshape(1, _D)

    dp = _sc_degree(dst_p, ones16, zeros16)[:, :, :_DPB]
    g1 = _mm1(dp, x, W1)
    s1 = _sc_scatter(src_p, dst_p, g1, zerosD)
    g2 = _mid(dp, s1, g1, b1r, W2)
    s2 = _sc_scatter(src_p, dst_p, g2, zerosD)
    out = _fin(dp, s2, g2, b2r)
    return out

# --- scband reference (transcript-rebuilt; emitter-appended) ---
"""Pipeline reference for scband-gcn-81389630259483 (READ-ONLY COPY).

The authoritative reference and input builder live on the scoring server;
editing this copy changes nothing except your own understanding.
"""

import jax, jax.numpy as jnp
import numpy as np

N = 10000
E = 320000
D_IN = 128
D_H = 128
D_OUT = 128


def setup_inputs(seed: int = 0) -> dict:
    key = jax.random.key(seed)
    k1, k2, k3, k4 = jax.random.split(key, 4)
    x = jax.random.normal(k1, (N, D_IN), dtype=jnp.float32)
    edge_index = jax.random.randint(k2, (2, E), 0, N, dtype=jnp.int32)
    W1 = jax.random.normal(k3, (D_IN, D_H), dtype=jnp.float32) * 0.05
    b1 = jnp.zeros((D_H,), dtype=jnp.float32)
    W2 = jax.random.normal(k4, (D_H, D_OUT), dtype=jnp.float32) * 0.05
    b2 = jnp.zeros((D_OUT,), dtype=jnp.float32)
    return {"x": x, "edge_index": edge_index, "W1": W1, "b1": b1, "W2": W2, "b2": b2}


def gcn_conv(x, edge_index, W, b):
    # PyG GCNConv: add self-loops, symmetric normalization D^-1/2 (A+I) D^-1/2, then linear
    n = x.shape[0]
    loop = jnp.arange(n, dtype=edge_index.dtype)
    src = jnp.concatenate([edge_index[0], loop])
    dst = jnp.concatenate([edge_index[1], loop])
    deg = jnp.zeros((n,), dtype=x.dtype).at[dst].add(1.0)
    dinv = jax.lax.rsqrt(jnp.maximum(deg, 1e-12))
    norm = dinv[src] * dinv[dst]
    h = x @ W
    msg = h[src] * norm[:, None]
    out = jnp.zeros((n, W.shape[1]), dtype=x.dtype).at[dst].add(msg)
    return out + b


def reference(x, edge_index, W1, b1, W2, b2):
    h = gcn_conv(x, edge_index, W1, b1)
    h = jax.nn.relu(h)
    # dropout is identity in eval mode
    out = gcn_conv(h, edge_index, W2, b2)
    return out

if __name__ == "__main__":
    import jax
    _d = setup_inputs()
    print(jax.jit(kernel)(*tuple(_d.values())))

</pallas_src>

<mosaic_0001>
#map = affine_map<(d0, d1) -> (0, 0, 0)>
#map1 = affine_map<(d0, d1) -> (0, 0)>
module attributes {stable_mosaic.version = 14 : i64} {
  func.func @_sc_scatter(%arg0: i32, %arg1: i32, %arg2: memref<32x80x128xi32, #tpu.memory_space<hbm>>, %arg3: memref<32x80x128xi32, #tpu.memory_space<hbm>>, %arg4: memref<10000x128xf32, #tpu.memory_space<hbm>>, %arg5: memref<128x128xf32, #tpu.memory_space<hbm>>, %arg6: memref<2x10240x128xf32, #tpu.memory_space<hbm>>, %arg7: memref<40x128xi32, #tpu.memory_space<vmem>>, %arg8: memref<40x128xi32, #tpu.memory_space<vmem>>, %arg9: memref<128x128xf32, #tpu.memory_space<vmem>>, %arg10: memref<128x128xf32, #tpu.memory_space<vmem>>, %arg11: memref<10240x128xf32, #tpu.memory_space<vmem_shared>>, %arg12: memref<!tpu.dma_semaphore, #tpu.memory_space<semaphore_mem>>, %arg13: memref<!tpu.dma_semaphore, #tpu.memory_space<semaphore_mem>>) attributes {dimension_semantics = [#tpu.dimension_semantics<core_parallel>, #tpu.dimension_semantics<subcore_parallel>], iteration_bounds = array<i64: 2, 16>, scalar_prefetch = 0 : i64, scratch_operands = 7 : i64, tpu.core_type = #tpu.core_type<sc_vector_subcore>, window_params = [{transform_indices = #map}, {transform_indices = #map}, {transform_indices = #map1}, {transform_indices = #map1}, {transform_indices = #map}]} {
    %mul3A = arith.constant 2 : i32
    %mul3A_0 = arith.muli %arg1, %mul3A : i32
    %add3A = arith.addi %mul3A_0, %arg0 : i32
    %mul3A_1 = arith.constant 640 : i32
    %mul3A_2 = arith.muli %arg1, %mul3A_1 : i32
    %add3A_3 = arith.constant 0 : i32
    %add3A_4 = arith.addi %mul3A_2, %add3A_3 : i32
    "tpu.region"() ({
      %run_scoped3A_80 = tpu.sem_alloc : memref<!tpu.dma_semaphore, #tpu.memory_space<semaphore_mem>>
      %dma_start3A_81 = arith.constant 0 : i32
      %dma_start3A_82 = tpu.memref_slice %arg11[%add3A_4, %dma_start3A_81] : memref<10240x128xf32, #tpu.memory_space<vmem_shared>> -> memref<128x128xf32, #tpu.memory_space<vmem_shared>>
      tpu.enqueue_dma source(%arg5 : memref<128x128xf32, #tpu.memory_space<hbm>>) target(%dma_start3A_82 : memref<128x128xf32, #tpu.memory_space<vmem_shared>>) target_semaphore(%run_scoped3A_80 : memref<!tpu.dma_semaphore, #tpu.memory_space<semaphore_mem>>)
      %dma_wait3A_83 = arith.constant 0 : i32
      %dma_wait3A_84 = tpu.memref_slice %arg11[%add3A_4, %dma_wait3A_83] : memref<10240x128xf32, #tpu.memory_space<vmem_shared>> -> memref<128x128xf32, #tpu.memory_space<vmem_shared>>
      tpu.wait_dma2 semaphore(%run_scoped3A_80 : memref<!tpu.dma_semaphore, #tpu.memory_space<semaphore_mem>>) src(%arg5 : memref<128x128xf32, #tpu.memory_space<hbm>>) dst(%dma_wait3A_84 : memref<128x128xf32, #tpu.memory_space<vmem_shared>>)
      tpu.yield
    }) : () -> ()
    %add3A_5 = arith.constant 128 : i32
    %add3A_6 = arith.addi %mul3A_2, %add3A_5 : i32
    "tpu.region"() ({
      %run_scoped3A_80 = tpu.sem_alloc : memref<!tpu.dma_semaphore, #tpu.memory_space<semaphore_mem>>
      %dma_start3A_81 = arith.constant 0 : i32
      %dma_start3A_82 = tpu.memref_slice %arg11[%add3A_6, %dma_start3A_81] : memref<10240x128xf32, #tpu.memory_space<vmem_shared>> -> memref<128x128xf32, #tpu.memory_space<vmem_shared>>
      tpu.enqueue_dma source(%arg5 : memref<128x128xf32, #tpu.memory_space<hbm>>) target(%dma_start3A_82 : memref<128x128xf32, #tpu.memory_space<vmem_shared>>) target_semaphore(%run_scoped3A_80 : memref<!tpu.dma_semaphore, #tpu.memory_space<semaphore_mem>>)
      %dma_wait3A_83 = arith.constant 0 : i32
      %dma_wait3A_84 = tpu.memref_slice %arg11[%add3A_6, %dma_wait3A_83] : memref<10240x128xf32, #tpu.memory_space<vmem_shared>> -> memref<128x128xf32, #tpu.memory_space<vmem_shared>>
      tpu.wait_dma2 semaphore(%run_scoped3A_80 : memref<!tpu.dma_semaphore, #tpu.memory_space<semaphore_mem>>) src(%arg5 : memref<128x128xf32, #tpu.memory_space<hbm>>) dst(%dma_wait3A_84 : memref<128x128xf32, #tpu.memory_space<vmem_shared>>)
      tpu.yield
    }) : () -> ()
    %add3A_7 = arith.constant 256 : i32
    %add3A_8 = arith.addi %mul3A_2, %add3A_7 : i32
    "tpu.region"() ({
      %run_scoped3A_80 = tpu.sem_alloc : memref<!tpu.dma_semaphore, #tpu.memory_space<semaphore_mem>>
      %dma_start3A_81 = arith.constant 0 : i32
      %dma_start3A_82 = tpu.memref_slice %arg11[%add3A_8, %dma_start3A_81] : memref<10240x128xf32, #tpu.memory_space<vmem_shared>> -> memref<128x128xf32, #tpu.memory_space<vmem_shared>>
      tpu.enqueue_dma source(%arg5 : memref<128x128xf32, #tpu.memory_space<hbm>>) target(%dma_start3A_82 : memref<128x128xf32, #tpu.memory_space<vmem_shared>>) target_semaphore(%run_scoped3A_80 : memref<!tpu.dma_semaphore, #tpu.memory_space<semaphore_mem>>)
      %dma_wait3A_83 = arith.constant 0 : i32
      %dma_wait3A_84 = tpu.memref_slice %arg11[%add3A_8, %dma_wait3A_83] : memref<10240x128xf32, #tpu.memory_space<vmem_shared>> -> memref<128x128xf32, #tpu.memory_space<vmem_shared>>
      tpu.wait_dma2 semaphore(%run_scoped3A_80 : memref<!tpu.dma_semaphore, #tpu.memory_space<semaphore_mem>>) src(%arg5 : memref<128x128xf32, #tpu.memory_space<hbm>>) dst(%dma_wait3A_84 : memref<128x128xf32, #tpu.memory_space<vmem_shared>>)
      tpu.yield
    }) : () -> ()
    %add3A_9 = arith.constant 384 : i32
    %add3A_10 = arith.addi %mul3A_2, %add3A_9 : i32
    "tpu.region"() ({
      %run_scoped3A_80 = tpu.sem_alloc : memref<!tpu.dma_semaphore, #tpu.memory_space<semaphore_mem>>
      %dma_start3A_81 = arith.constant 0 : i32
      %dma_start3A_82 = tpu.memref_slice %arg11[%add3A_10, %dma_start3A_81] : memref<10240x128xf32, #tpu.memory_space<vmem_shared>> -> memref<128x128xf32, #tpu.memory_space<vmem_shared>>
      tpu.enqueue_dma source(%arg5 : memref<128x128xf32, #tpu.memory_space<hbm>>) target(%dma_start3A_82 : memref<128x128xf32, #tpu.memory_space<vmem_shared>>) target_semaphore(%run_scoped3A_80 : memref<!tpu.dma_semaphore, #tpu.memory_space<semaphore_mem>>)
      %dma_wait3A_83 = arith.constant 0 : i32
      %dma_wait3A_84 = tpu.memref_slice %arg11[%add3A_10, %dma_wait3A_83] : memref<10240x128xf32, #tpu.memory_space<vmem_shared>> -> memref<128x128xf32, #tpu.memory_space<vmem_shared>>
      tpu.wait_dma2 semaphore(%run_scoped3A_80 : memref<!tpu.dma_semaphore, #tpu.memory_space<semaphore_mem>>) src(%arg5 : memref<128x128xf32, #tpu.memory_space<hbm>>) dst(%dma_wait3A_84 : memref<128x128xf32, #tpu.memory_space<vmem_shared>>)
      tpu.yield
    }) : () -> ()
    %add3A_11 = arith.constant 512 : i32
    %add3A_12 = arith.addi %mul3A_2, %add3A_11 : i32
    "tpu.region"() ({
      %run_scoped3A_80 = tpu.sem_alloc : memref<!tpu.dma_semaphore, #tpu.memory_space<semaphore_mem>>
      %dma_start3A_81 = arith.constant 0 : i32
      %dma_start3A_82 = tpu.memref_slice %arg11[%add3A_12, %dma_start3A_81] : memref<10240x128xf32, #tpu.memory_space<vmem_shared>> -> memref<128x128xf32, #tpu.memory_space<vmem_shared>>
      tpu.enqueue_dma source(%arg5 : memref<128x128xf32, #tpu.memory_space<hbm>>) target(%dma_start3A_82 : memref<128x128xf32, #tpu.memory_space<vmem_shared>>) target_semaphore(%run_scoped3A_80 : memref<!tpu.dma_semaphore, #tpu.memory_space<semaphore_mem>>)
      %dma_wait3A_83 = arith.constant 0 : i32
      %dma_wait3A_84 = tpu.memref_slice %arg11[%add3A_12, %dma_wait3A_83] : memref<10240x128xf32, #tpu.memory_space<vmem_shared>> -> memref<128x128xf32, #tpu.memory_space<vmem_shared>>
      tpu.wait_dma2 semaphore(%run_scoped3A_80 : memref<!tpu.dma_semaphore, #tpu.memory_space<semaphore_mem>>) src(%arg5 : memref<128x128xf32, #tpu.memory_space<hbm>>) dst(%dma_wait3A_84 : memref<128x128xf32, #tpu.memory_space<vmem_shared>>)
      tpu.yield
    }) : () -> ()
    %barrier3A = arith.constant 0 : index
    tpu.barrier barrier_id(%barrier3A)
    "tpu.region"() ({
      %run_scoped3A_80 = tpu.sem_alloc : memref<!tpu.dma_semaphore, #tpu.memory_space<semaphore_mem>>
      %dma_start3A_81 = arith.constant 0 : i32
      %dma_start3A_82 = arith.constant 0 : i32
      %dma_start3A_83 = tpu.memref_slice %arg2[%add3A, %dma_start3A_81, %dma_start3A_82] : memref<32x80x128xi32, #tpu.memory_space<hbm>> -> memref<1x40x128xi32, #tpu.memory_space<hbm>>
      %dma_start3A_84 = tpu.memref_squeeze %dma_start3A_83 : memref<1x40x128xi32, #tpu.memory_space<hbm>> -> memref<40x128xi32, #tpu.memory_space<hbm>>
      %dma_start3A_85 = arith.constant 0 : i32
      %dma_start3A_86 = arith.constant 0 : i32
      %dma_start3A_87 = tpu.memref_slice %arg2[%add3A, %dma_start3A_85, %dma_start3A_86] : memref<32x80x128xi32, #tpu.memory_space<hbm>> -> memref<1x40x128xi32, #tpu.memory_space<hbm>>
      %dma_start3A_88 = tpu.memref_squeeze %dma_start3A_87 : memref<1x40x128xi32, #tpu.memory_space<hbm>> -> memref<40x128xi32, #tpu.memory_space<hbm>>
      tpu.enqueue_dma source(%dma_start3A_88 : memref<40x128xi32, #tpu.memory_space<hbm>>) target(%arg7 : memref<40x128xi32, #tpu.memory_space<vmem>>) target_semaphore(%run_scoped3A_80 : memref<!tpu.dma_semaphore, #tpu.memory_space<semaphore_mem>>)
      %dma_wait3A_89 = arith.constant 0 : i32
      %dma_wait3A_90 = arith.constant 0 : i32
      %dma_wait3A_91 = tpu.memref_slice %arg2[%add3A, %dma_wait3A_89, %dma_wait3A_90] : memref<32x80x128xi32, #tpu.memory_space<hbm>> -> memref<1x40x128xi32, #tpu.memory_space<hbm>>
      %dma_wait3A_92 = tpu.memref_squeeze %dma_wait3A_91 : memref<1x40x128xi32, #tpu.memory_space<hbm>> -> memref<40x128xi32, #tpu.memory_space<hbm>>
      %dma_wait3A_93 = arith.constant 0 : i32
      %dma_wait3A_94 = arith.constant 0 : i32
      %dma_wait3A_95 = tpu.memref_slice %arg2[%add3A, %dma_wait3A_93, %dma_wait3A_94] : memref<32x80x128xi32, #tpu.memory_space<hbm>> -> memref<1x40x128xi32, #tpu.memory_space<hbm>>
      %dma_wait3A_96 = tpu.memref_squeeze %dma_wait3A_95 : memref<1x40x128xi32, #tpu.memory_space<hbm>> -> memref<40x128xi32, #tpu.memory_space<hbm>>
      tpu.wait_dma2 semaphore(%run_scoped3A_80 : memref<!tpu.dma_semaphore, #tpu.memory_space<semaphore_mem>>) src(%dma_wait3A_96 : memref<40x128xi32, #tpu.memory_space<hbm>>) dst(%arg7 : memref<40x128xi32, #tpu.memory_space<vmem>>)
      tpu.yield
    }) : () -> ()
    "tpu.region"() ({
      %run_scoped3A_80 = tpu.sem_alloc : memref<!tpu.dma_semaphore, #tpu.memory_space<semaphore_mem>>
      %dma_start3A_81 = arith.constant 0 : i32
      %dma_start3A_82 = arith.constant 0 : i32
      %dma_start3A_83 = tpu.memref_slice %arg3[%add3A, %dma_start3A_81, %dma_start3A_82] : memref<32x80x128xi32, #tpu.memory_space<hbm>> -> memref<1x40x128xi32, #tpu.memory_space<hbm>>
      %dma_start3A_84 = tpu.memref_squeeze %dma_start3A_83 : memref<1x40x128xi32, #tpu.memory_space<hbm>> -> memref<40x128xi32, #tpu.memory_space<hbm>>
      %dma_start3A_85 = arith.constant 0 : i32
      %dma_start3A_86 = arith.constant 0 : i32
      %dma_start3A_87 = tpu.memref_slice %arg3[%add3A, %dma_start3A_85, %dma_start3A_86] : memref<32x80x128xi32, #tpu.memory_space<hbm>> -> memref<1x40x128xi32, #tpu.memory_space<hbm>>
      %dma_start3A_88 = tpu.memref_squeeze %dma_start3A_87 : memref<1x40x128xi32, #tpu.memory_space<hbm>> -> memref<40x128xi32, #tpu.memory_space<hbm>>
      tpu.enqueue_dma source(%dma_start3A_88 : memref<40x128xi32, #tpu.memory_space<hbm>>) target(%arg8 : memref<40x128xi32, #tpu.memory_space<vmem>>) target_semaphore(%run_scoped3A_80 : memref<!tpu.dma_semaphore, #tpu.memory_space<semaphore_mem>>)
      %dma_wait3A_89 = arith.constant 0 : i32
      %dma_wait3A_90 = arith.constant 0 : i32
      %dma_wait3A_91 = tpu.memref_slice %arg3[%add3A, %dma_wait3A_89, %dma_wait3A_90] : memref<32x80x128xi32, #tpu.memory_space<hbm>> -> memref<1x40x128xi32, #tpu.memory_space<hbm>>
      %dma_wait3A_92 = tpu.memref_squeeze %dma_wait3A_91 : memref<1x40x128xi32, #tpu.memory_space<hbm>> -> memref<40x128xi32, #tpu.memory_space<hbm>>
      %dma_wait3A_93 = arith.constant 0 : i32
      %dma_wait3A_94 = arith.constant 0 : i32
      %dma_wait3A_95 = tpu.memref_slice %arg3[%add3A, %dma_wait3A_93, %dma_wait3A_94] : memref<32x80x128xi32, #tpu.memory_space<hbm>> -> memref<1x40x128xi32, #tpu.memory_space<hbm>>
      %dma_wait3A_96 = tpu.memref_squeeze %dma_wait3A_95 : memref<1x40x128xi32, #tpu.memory_space<hbm>> -> memref<40x128xi32, #tpu.memory_space<hbm>>
      tpu.wait_dma2 semaphore(%run_scoped3A_80 : memref<!tpu.dma_semaphore, #tpu.memory_space<semaphore_mem>>) src(%dma_wait3A_96 : memref<40x128xi32, #tpu.memory_space<hbm>>) dst(%arg8 : memref<40x128xi32, #tpu.memory_space<vmem>>)
      tpu.yield
    }) : () -> ()
    %dma_start3A = arith.constant 0 : i32
    %dma_start3A_13 = arith.constant 0 : i32
    %dma_start3A_14 = tpu.memref_slice %arg7[%dma_start3A, %dma_start3A_13] : memref<40x128xi32, #tpu.memory_space<vmem>> -> memref<1x128xi32, #tpu.memory_space<vmem>>
    %dma_start3A_15 = tpu.memref_squeeze %dma_start3A_14 : memref<1x128xi32, #tpu.memory_space<vmem>> -> memref<128xi32, #tpu.memory_space<vmem>>
    %dma_start3A_16 = arith.constant 0 : i32
    %dma_start3A_17 = arith.constant 0 : i32
    %dma_start3A_18 = tpu.memref_slice %arg4[%dma_start3A_16, %dma_start3A_17] : memref<10000x128xf32, #tpu.memory_space<hbm>> -> memref<10000x128xf32, #tpu.memory_space<hbm>>
    tpu.enqueue_indirect_dma source(%dma_start3A_18 : memref<10000x128xf32, #tpu.memory_space<hbm>>) target(%arg9 : memref<128x128xf32, #tpu.memory_space<vmem>>) offsets(%dma_start3A_15 : memref<128xi32, #tpu.memory_space<vmem>>) semaphore(%arg12 : memref<!tpu.dma_semaphore, #tpu.memory_space<semaphore_mem>>)
    %scan3A = arith.constant 0 : i32
    %scan3A_19 = arith.constant 19 : i32
    %scan3A_20 = arith.addi %scan3A, %scan3A_19 : i32
    %scan3A_21 = arith.constant 1 : i32
    scf.for %scan3A_80 = %scan3A to %scan3A_20 step %scan3A_21  : i32 {
      %mul3A_81 = arith.constant 1 : i32
      %mul3A_82 = arith.muli %scan3A_80, %mul3A_81 : i32
      %add3A_83 = arith.constant 0 : i32
      %add3A_84 = arith.addi %add3A_83, %mul3A_82 : i32
      %mul3A_85 = arith.constant 2 : i32
      %mul3A_86 = arith.muli %mul3A_85, %add3A_84 : i32
      %add3A_87 = arith.constant 1 : i32
      %add3A_88 = arith.addi %mul3A_86, %add3A_87 : i32
      %dma_start3A_89 = arith.constant 0 : i32
      %dma_start3A_90 = tpu.memref_slice %arg7[%add3A_88, %dma_start3A_89] : memref<40x128xi32, #tpu.memory_space<vmem>> -> memref<1x128xi32, #tpu.memory_space<vmem>>
      %dma_start3A_91 = tpu.memref_squeeze %dma_start3A_90 : memref<1x128xi32, #tpu.memory_space<vmem>> -> memref<128xi32, #tpu.memory_space<vmem>>
      %dma_start3A_92 = arith.constant 0 : i32
      %dma_start3A_93 = arith.constant 0 : i32
      %dma_start3A_94 = tpu.memref_slice %arg4[%dma_start3A_92, %dma_start3A_93] : memref<10000x128xf32, #tpu.memory_space<hbm>> -> memref<10000x128xf32, #tpu.memory_space<hbm>>
      tpu.enqueue_indirect_dma source(%dma_start3A_94 : memref<10000x128xf32, #tpu.memory_space<hbm>>) target(%arg10 : memref<128x128xf32, #tpu.memory_space<vmem>>) offsets(%dma_start3A_91 : memref<128xi32, #tpu.memory_space<vmem>>) semaphore(%arg13 : memref<!tpu.dma_semaphore, #tpu.memory_space<semaphore_mem>>)
      %dma_wait3A_95 = arith.constant 0 : i32
      %dma_wait3A_96 = tpu.memref_slice %arg7[%mul3A_86, %dma_wait3A_95] : memref<40x128xi32, #tpu.memory_space<vmem>> -> memref<1x128xi32, #tpu.memory_space<vmem>>
      %dma_wait3A_97 = tpu.memref_squeeze %dma_wait3A_96 : memref<1x128xi32, #tpu.memory_space<vmem>> -> memref<128xi32, #tpu.memory_space<vmem>>
      %dma_wait3A_98 = arith.constant 0 : i32
      %dma_wait3A_99 = arith.constant 0 : i32
      %dma_wait3A_100 = tpu.memref_slice %arg4[%dma_wait3A_98, %dma_wait3A_99] : memref<10000x128xf32, #tpu.memory_space<hbm>> -> memref<10000x128xf32, #tpu.memory_space<hbm>>
      tpu.wait_indirect_dma semaphore(%arg12 : memref<!tpu.dma_semaphore, #tpu.memory_space<semaphore_mem>>) src(%dma_wait3A_100 : memref<10000x128xf32, #tpu.memory_space<hbm>>) dst(%arg9 : memref<128x128xf32, #tpu.memory_space<vmem>>)
      "tpu.region"() ({
        %run_scoped3A_119 = tpu.sem_alloc : memref<!tpu.dma_semaphore, #tpu.memory_space<semaphore_mem>>
        %dma_start3A_120 = arith.constant 0 : i32
        %dma_start3A_121 = tpu.memref_slice %arg8[%mul3A_86, %dma_start3A_120] : memref<40x128xi32, #tpu.memory_space<vmem>> -> memref<1x128xi32, #tpu.memory_space<vmem>>
        %dma_start3A_122 = tpu.memref_squeeze %dma_start3A_121 : memref<1x128xi32, #tpu.memory_space<vmem>> -> memref<128xi32, #tpu.memory_space<vmem>>
        %dma_start3A_123 = arith.constant 0 : i32
        %dma_start3A_124 = arith.constant 0 : i32
        %dma_start3A_125 = tpu.memref_slice %arg11[%dma_start3A_123, %dma_start3A_124] : memref<10240x128xf32, #tpu.memory_space<vmem_shared>> -> memref<10240x128xf32, #tpu.memory_space<vmem_shared>>
        tpu.enqueue_indirect_dma source(%arg9 : memref<128x128xf32, #tpu.memory_space<vmem>>) target(%dma_start3A_125 : memref<10240x128xf32, #tpu.memory_space<vmem_shared>>) offsets(%dma_start3A_122 : memref<128xi32, #tpu.memory_space<vmem>>) semaphore(%run_scoped3A_119 : memref<!tpu.dma_semaphore, #tpu.memory_space<semaphore_mem>>) {add = true}
        %dma_wait3A_126 = arith.constant 0 : i32
        %dma_wait3A_127 = tpu.memref_slice %arg8[%mul3A_86, %dma_wait3A_126] : memref<40x128xi32, #tpu.memory_space<vmem>> -> memref<1x128xi32, #tpu.memory_space<vmem>>
        %dma_wait3A_128 = tpu.memref_squeeze %dma_wait3A_127 : memref<1x128xi32, #tpu.memory_space<vmem>> -> memref<128xi32, #tpu.memory_space<vmem>>
        %dma_wait3A_129 = arith.constant 0 : i32
        %dma_wait3A_130 = arith.constant 0 : i32
        %dma_wait3A_131 = tpu.memref_slice %arg11[%dma_wait3A_129, %dma_wait3A_130] : memref<10240x128xf32, #tpu.memory_space<vmem_shared>> -> memref<10240x128xf32, #tpu.memory_space<vmem_shared>>
        tpu.wait_indirect_dma semaphore(%run_scoped3A_119 : memref<!tpu.dma_semaphore, #tpu.memory_space<semaphore_mem>>) src(%arg9 : memref<128x128xf32, #tpu.memory_space<vmem>>) dst(%dma_wait3A_131 : memref<10240x128xf32, #tpu.memory_space<vmem_shared>>)
        tpu.yield
      }) : () -> ()
      %add3A_101 = arith.constant 2 : i32
      %add3A_102 = arith.addi %mul3A_86, %add3A_101 : i32
      %dma_start3A_103 = arith.constant 0 : i32
      %dma_start3A_104 = tpu.memref_slice %arg7[%add3A_102, %dma_start3A_103] : memref<40x128xi32, #tpu.memory_space<vmem>> -> memref<1x128xi32, #tpu.memory_space<vmem>>
      %dma_start3A_105 = tpu.memref_squeeze %dma_start3A_104 : memref<1x128xi32, #tpu.memory_space<vmem>> -> memref<128xi32, #tpu.memory_space<vmem>>
      %dma_start3A_106 = arith.constant 0 : i32
      %dma_start3A_107 = arith.constant 0 : i32
      %dma_start3A_108 = tpu.memref_slice %arg4[%dma_start3A_106, %dma_start3A_107] : memref<10000x128xf32, #tpu.memory_space<hbm>> -> memref<10000x128xf32, #tpu.memory_space<hbm>>
      tpu.enqueue_indirect_dma source(%dma_start3A_108 : memref<10000x128xf32, #tpu.memory_space<hbm>>) target(%arg9 : memref<128x128xf32, #tpu.memory_space<vmem>>) offsets(%dma_start3A_105 : memref<128xi32, #tpu.memory_space<vmem>>) semaphore(%arg12 : memref<!tpu.dma_semaphore, #tpu.memory_space<semaphore_mem>>)
      %add3A_109 = arith.constant 1 : i32
      %add3A_110 = arith.addi %mul3A_86, %add3A_109 : i32
      %dma_wait3A_111 = arith.constant 0 : i32
      %dma_wait3A_112 = tpu.memref_slice %arg7[%add3A_110, %dma_wait3A_111] : memref<40x128xi32, #tpu.memory_space<vmem>> -> memref<1x128xi32, #tpu.memory_space<vmem>>
      %dma_wait3A_113 = tpu.memref_squeeze %dma_wait3A_112 : memref<1x128xi32, #tpu.memory_space<vmem>> -> memref<128xi32, #tpu.memory_space<vmem>>
      %dma_wait3A_114 = arith.constant 0 : i32
      %dma_wait3A_115 = arith.constant 0 : i32
      %dma_wait3A_116 = tpu.memref_slice %arg4[%dma_wait3A_114, %dma_wait3A_115] : memref<10000x128xf32, #tpu.memory_space<hbm>> -> memref<10000x128xf32, #tpu.memory_space<hbm>>
      tpu.wait_indirect_dma semaphore(%arg13 : memref<!tpu.dma_semaphore, #tpu.memory_space<semaphore_mem>>) src(%dma_wait3A_116 : memref<10000x128xf32, #tpu.memory_space<hbm>>) dst(%arg10 : memref<128x128xf32, #tpu.memory_space<vmem>>)
      %add3A_117 = arith.constant 1 : i32
      %add3A_118 = arith.addi %mul3A_86, %add3A_117 : i32
      "tpu.region"() ({
        %run_scoped3A_119 = tpu.sem_alloc : memref<!tpu.dma_semaphore, #tpu.memory_space<semaphore_mem>>
        %dma_start3A_120 = arith.constant 0 : i32
        %dma_start3A_121 = tpu.memref_slice %arg8[%add3A_118, %dma_start3A_120] : memref<40x128xi32, #tpu.memory_space<vmem>> -> memref<1x128xi32, #tpu.memory_space<vmem>>
        %dma_start3A_122 = tpu.memref_squeeze %dma_start3A_121 : memref<1x128xi32, #tpu.memory_space<vmem>> -> memref<128xi32, #tpu.memory_space<vmem>>
        %dma_start3A_123 = arith.constant 0 : i32
        %dma_start3A_124 = arith.constant 0 : i32
        %dma_start3A_125 = tpu.memref_slice %arg11[%dma_start3A_123, %dma_start3A_124] : memref<10240x128xf32, #tpu.memory_space<vmem_shared>> -> memref<10240x128xf32, #tpu.memory_space<vmem_shared>>
        tpu.enqueue_indirect_dma source(%arg10 : memref<128x128xf32, #tpu.memory_space<vmem>>) target(%dma_start3A_125 : memref<10240x128xf32, #tpu.memory_space<vmem_shared>>) offsets(%dma_start3A_122 : memref<128xi32, #tpu.memory_space<vmem>>) semaphore(%run_scoped3A_119 : memref<!tpu.dma_semaphore, #tpu.memory_space<semaphore_mem>>) {add = true}
        %dma_wait3A_126 = arith.constant 0 : i32
        %dma_wait3A_127 = tpu.memref_slice %arg8[%add3A_118, %dma_wait3A_126] : memref<40x128xi32, #tpu.memory_space<vmem>> -> memref<1x128xi32, #tpu.memory_space<vmem>>
        %dma_wait3A_128 = tpu.memref_squeeze %dma_wait3A_127 : memref<1x128xi32, #tpu.memory_space<vmem>> -> memref<128xi32, #tpu.memory_space<vmem>>
        %dma_wait3A_129 = arith.constant 0 : i32
        %dma_wait3A_130 = arith.constant 0 : i32
        %dma_wait3A_131 = tpu.memref_slice %arg11[%dma_wait3A_129, %dma_wait3A_130] : memref<10240x128xf32, #tpu.memory_space<vmem_shared>> -> memref<10240x128xf32, #tpu.memory_space<vmem_shared>>
        tpu.wait_indirect_dma semaphore(%run_scoped3A_119 : memref<!tpu.dma_semaphore, #tpu.memory_space<semaphore_mem>>) src(%arg10 : memref<128x128xf32, #tpu.memory_space<vmem>>) dst(%dma_wait3A_131 : memref<10240x128xf32, #tpu.memory_space<vmem_shared>>)
        tpu.yield
      }) : () -> ()
    }
    %scan3A_22 = arith.constant 19 : i32
    %dma_start3A_23 = arith.constant 39 : i32
    %dma_start3A_24 = arith.constant 0 : i32
    %dma_start3A_25 = tpu.memref_slice %arg7[%dma_start3A_23, %dma_start3A_24] : memref<40x128xi32, #tpu.memory_space<vmem>> -> memref<1x128xi32, #tpu.memory_space<vmem>>
    %dma_start3A_26 = tpu.memref_squeeze %dma_start3A_25 : memref<1x128xi32, #tpu.memory_space<vmem>> -> memref<128xi32, #tpu.memory_space<vmem>>
    %dma_start3A_27 = arith.constant 0 : i32
    %dma_start3A_28 = arith.constant 0 : i32
    %dma_start3A_29 = tpu.memref_slice %arg4[%dma_start3A_27, %dma_start3A_28] : memref<10000x128xf32, #tpu.memory_space<hbm>> -> memref<10000x128xf32, #tpu.memory_space<hbm>>
    tpu.enqueue_indirect_dma source(%dma_start3A_29 : memref<10000x128xf32, #tpu.memory_space<hbm>>) target(%arg10 : memref<128x128xf32, #tpu.memory_space<vmem>>) offsets(%dma_start3A_26 : memref<128xi32, #tpu.memory_space<vmem>>) semaphore(%arg13 : memref<!tpu.dma_semaphore, #tpu.memory_space<semaphore_mem>>)
    %dma_wait3A = arith.constant 38 : i32
    %dma_wait3A_30 = arith.constant 0 : i32
    %dma_wait3A_31 = tpu.memref_slice %arg7[%dma_wait3A, %dma_wait3A_30] : memref<40x128xi32, #tpu.memory_space<vmem>> -> memref<1x128xi32, #tpu.memory_space<vmem>>
    %dma_wait3A_32 = tpu.memref_squeeze %dma_wait3A_31 : memref<1x128xi32, #tpu.memory_space<vmem>> -> memref<128xi32, #tpu.memory_space<vmem>>
    %dma_wait3A_33 = arith.constant 0 : i32
    %dma_wait3A_34 = arith.constant 0 : i32
    %dma_wait3A_35 = tpu.memref_slice %arg4[%dma_wait3A_33, %dma_wait3A_34] : memref<10000x128xf32, #tpu.memory_space<hbm>> -> memref<10000x128xf32, #tpu.memory_space<hbm>>
    tpu.wait_indirect_dma semaphore(%arg12 : memref<!tpu.dma_semaphore, #tpu.memory_space<semaphore_mem>>) src(%dma_wait3A_35 : memref<10000x128xf32, #tpu.memory_space<hbm>>) dst(%arg9 : memref<128x128xf32, #tpu.memory_space<vmem>>)
    %run_scoped3A = arith.constant 38 : i32
    "tpu.region"() ({
      %run_scoped3A_80 = tpu.sem_alloc : memref<!tpu.dma_semaphore, #tpu.memory_space<semaphore_mem>>
      %dma_start3A_81 = arith.constant 0 : i32
      %dma_start3A_82 = tpu.memref_slice %arg8[%run_scoped3A, %dma_start3A_81] : memref<40x128xi32, #tpu.memory_space<vmem>> -> memref<1x128xi32, #tpu.memory_space<vmem>>
      %dma_start3A_83 = tpu.memref_squeeze %dma_start3A_82 : memref<1x128xi32, #tpu.memory_space<vmem>> -> memref<128xi32, #tpu.memory_space<vmem>>
      %dma_start3A_84 = arith.constant 0 : i32
      %dma_start3A_85 = arith.constant 0 : i32
      %dma_start3A_86 = tpu.memref_slice %arg11[%dma_start3A_84, %dma_start3A_85] : memref<10240x128xf32, #tpu.memory_space<vmem_shared>> -> memref<10240x128xf32, #tpu.memory_space<vmem_shared>>
      tpu.enqueue_indirect_dma source(%arg9 : memref<128x128xf32, #tpu.memory_space<vmem>>) target(%dma_start3A_86 : memref<10240x128xf32, #tpu.memory_space<vmem_shared>>) offsets(%dma_start3A_83 : memref<128xi32, #tpu.memory_space<vmem>>) semaphore(%run_scoped3A_80 : memref<!tpu.dma_semaphore, #tpu.memory_space<semaphore_mem>>) {add = true}
      %dma_wait3A_87 = arith.constant 0 : i32
      %dma_wait3A_88 = tpu.memref_slice %arg8[%run_scoped3A, %dma_wait3A_87] : memref<40x128xi32, #tpu.memory_space<vmem>> -> memref<1x128xi32, #tpu.memory_space<vmem>>
      %dma_wait3A_89 = tpu.memref_squeeze %dma_wait3A_88 : memref<1x128xi32, #tpu.memory_space<vmem>> -> memref<128xi32, #tpu.memory_space<vmem>>
      %dma_wait3A_90 = arith.constant 0 : i32
      %dma_wait3A_91 = arith.constant 0 : i32
      %dma_wait3A_92 = tpu.memref_slice %arg11[%dma_wait3A_90, %dma_wait3A_91] : memref<10240x128xf32, #tpu.memory_space<vmem_shared>> -> memref<10240x128xf32, #tpu.memory_space<vmem_shared>>
      tpu.wait_indirect_dma semaphore(%run_scoped3A_80 : memref<!tpu.dma_semaphore, #tpu.memory_space<semaphore_mem>>) src(%arg9 : memref<128x128xf32, #tpu.memory_space<vmem>>) dst(%dma_wait3A_92 : memref<10240x128xf32, #tpu.memory_space<vmem_shared>>)
      tpu.yield
    }) : () -> ()
    %dma_wait3A_36 = arith.constant 39 : i32
    %dma_wait3A_37 = arith.constant 0 : i32
    %dma_wait3A_38 = tpu.memref_slice %arg7[%dma_wait3A_36, %dma_wait3A_37] : memref<40x128xi32, #tpu.memory_space<vmem>> -> memref<1x128xi32, #tpu.memory_space<vmem>>
    %dma_wait3A_39 = tpu.memref_squeeze %dma_wait3A_38 : memref<1x128xi32, #tpu.memory_space<vmem>> -> memref<128xi32, #tpu.memory_space<vmem>>
    %dma_wait3A_40 = arith.constant 0 : i32
    %dma_wait3A_41 = arith.constant 0 : i32
    %dma_wait3A_42 = tpu.memref_slice %arg4[%dma_wait3A_40, %dma_wait3A_41] : memref<10000x128xf32, #tpu.memory_space<hbm>> -> memref<10000x128xf32, #tpu.memory_space<hbm>>
    tpu.wait_indirect_dma semaphore(%arg13 : memref<!tpu.dma_semaphore, #tpu.memory_space<semaphore_mem>>) src(%dma_wait3A_42 : memref<10000x128xf32, #tpu.memory_space<hbm>>) dst(%arg10 : memref<128x128xf32, #tpu.memory_space<vmem>>)
    %run_scoped3A_43 = arith.constant 39 : i32
    "tpu.region"() ({
      %run_scoped3A_80 = tpu.sem_alloc : memref<!tpu.dma_semaphore, #tpu.memory_space<semaphore_mem>>
      %dma_start3A_81 = arith.constant 0 : i32
      %dma_start3A_82 = tpu.memref_slice %arg8[%run_scoped3A_43, %dma_start3A_81] : memref<40x128xi32, #tpu.memory_space<vmem>> -> memref<1x128xi32, #tpu.memory_space<vmem>>
      %dma_start3A_83 = tpu.memref_squeeze %dma_start3A_82 : memref<1x128xi32, #tpu.memory_space<vmem>> -> memref<128xi32, #tpu.memory_space<vmem>>
      %dma_start3A_84 = arith.constant 0 : i32
      %dma_start3A_85 = arith.constant 0 : i32
      %dma_start3A_86 = tpu.memref_slice %arg11[%dma_start3A_84, %dma_start3A_85] : memref<10240x128xf32, #tpu.memory_space<vmem_shared>> -> memref<10240x128xf32, #tpu.memory_space<vmem_shared>>
      tpu.enqueue_indirect_dma source(%arg10 : memref<128x128xf32, #tpu.memory_space<vmem>>) target(%dma_start3A_86 : memref<10240x128xf32, #tpu.memory_space<vmem_shared>>) offsets(%dma_start3A_83 : memref<128xi32, #tpu.memory_space<vmem>>) semaphore(%run_scoped3A_80 : memref<!tpu.dma_semaphore, #tpu.memory_space<semaphore_mem>>) {add = true}
      %dma_wait3A_87 = arith.constant 0 : i32
      %dma_wait3A_88 = tpu.memref_slice %arg8[%run_scoped3A_43, %dma_wait3A_87] : memref<40x128xi32, #tpu.memory_space<vmem>> -> memref<1x128xi32, #tpu.memory_space<vmem>>
      %dma_wait3A_89 = tpu.memref_squeeze %dma_wait3A_88 : memref<1x128xi32, #tpu.memory_space<vmem>> -> memref<128xi32, #tpu.memory_space<vmem>>
      %dma_wait3A_90 = arith.constant 0 : i32
      %dma_wait3A_91 = arith.constant 0 : i32
      %dma_wait3A_92 = tpu.memref_slice %arg11[%dma_wait3A_90, %dma_wait3A_91] : memref<10240x128xf32, #tpu.memory_space<vmem_shared>> -> memref<10240x128xf32, #tpu.memory_space<vmem_shared>>
      tpu.wait_indirect_dma semaphore(%run_scoped3A_80 : memref<!tpu.dma_semaphore, #tpu.memory_space<semaphore_mem>>) src(%arg10 : memref<128x128xf32, #tpu.memory_space<vmem>>) dst(%dma_wait3A_92 : memref<10240x128xf32, #tpu.memory_space<vmem_shared>>)
      tpu.yield
    }) : () -> ()
    "tpu.region"() ({
      %run_scoped3A_80 = tpu.sem_alloc : memref<!tpu.dma_semaphore, #tpu.memory_space<semaphore_mem>>
      %dma_start3A_81 = arith.constant 40 : i32
      %dma_start3A_82 = arith.constant 0 : i32
      %dma_start3A_83 = tpu.memref_slice %arg2[%add3A, %dma_start3A_81, %dma_start3A_82] : memref<32x80x128xi32, #tpu.memory_space<hbm>> -> memref<1x40x128xi32, #tpu.memory_space<hbm>>
      %dma_start3A_84 = tpu.memref_squeeze %dma_start3A_83 : memref<1x40x128xi32, #tpu.memory_space<hbm>> -> memref<40x128xi32, #tpu.memory_space<hbm>>
      %dma_start3A_85 = arith.constant 40 : i32
      %dma_start3A_86 = arith.constant 0 : i32
      %dma_start3A_87 = tpu.memref_slice %arg2[%add3A, %dma_start3A_85, %dma_start3A_86] : memref<32x80x128xi32, #tpu.memory_space<hbm>> -> memref<1x40x128xi32, #tpu.memory_space<hbm>>
      %dma_start3A_88 = tpu.memref_squeeze %dma_start3A_87 : memref<1x40x128xi32, #tpu.memory_space<hbm>> -> memref<40x128xi32, #tpu.memory_space<hbm>>
      tpu.enqueue_dma source(%dma_start3A_88 : memref<40x128xi32, #tpu.memory_space<hbm>>) target(%arg7 : memref<40x128xi32, #tpu.memory_space<vmem>>) target_semaphore(%run_scoped3A_80 : memref<!tpu.dma_semaphore, #tpu.memory_space<semaphore_mem>>)
      %dma_wait3A_89 = arith.constant 40 : i32
      %dma_wait3A_90 = arith.constant 0 : i32
      %dma_wait3A_91 = tpu.memref_slice %arg2[%add3A, %dma_wait3A_89, %dma_wait3A_90] : memref<32x80x128xi32, #tpu.memory_space<hbm>> -> memref<1x40x128xi32, #tpu.memory_space<hbm>>
      %dma_wait3A_92 = tpu.memref_squeeze %dma_wait3A_91 : memref<1x40x128xi32, #tpu.memory_space<hbm>> -> memref<40x128xi32, #tpu.memory_space<hbm>>
      %dma_wait3A_93 = arith.constant 40 : i32
      %dma_wait3A_94 = arith.constant 0 : i32
      %dma_wait3A_95 = tpu.memref_slice %arg2[%add3A, %dma_wait3A_93, %dma_wait3A_94] : memref<32x80x128xi32, #tpu.memory_space<hbm>> -> memref<1x40x128xi32, #tpu.memory_space<hbm>>
      %dma_wait3A_96 = tpu.memref_squeeze %dma_wait3A_95 : memref<1x40x128xi32, #tpu.memory_space<hbm>> -> memref<40x128xi32, #tpu.memory_space<hbm>>
      tpu.wait_dma2 semaphore(%run_scoped3A_80 : memref<!tpu.dma_semaphore, #tpu.memory_space<semaphore_mem>>) src(%dma_wait3A_96 : memref<40x128xi32, #tpu.memory_space<hbm>>) dst(%arg7 : memref<40x128xi32, #tpu.memory_space<vmem>>)
      tpu.yield
    }) : () -> ()
    "tpu.region"() ({
      %run_scoped3A_80 = tpu.sem_alloc : memref<!tpu.dma_semaphore, #tpu.memory_space<semaphore_mem>>
      %dma_start3A_81 = arith.constant 40 : i32
      %dma_start3A_82 = arith.constant 0 : i32
      %dma_start3A_83 = tpu.memref_slice %arg3[%add3A, %dma_start3A_81, %dma_start3A_82] : memref<32x80x128xi32, #tpu.memory_space<hbm>> -> memref<1x40x128xi32, #tpu.memory_space<hbm>>
      %dma_start3A_84 = tpu.memref_squeeze %dma_start3A_83 : memref<1x40x128xi32, #tpu.memory_space<hbm>> -> memref<40x128xi32, #tpu.memory_space<hbm>>
      %dma_start3A_85 = arith.constant 40 : i32
      %dma_start3A_86 = arith.constant 0 : i32
      %dma_start3A_87 = tpu.memref_slice %arg3[%add3A, %dma_start3A_85, %dma_start3A_86] : memref<32x80x128xi32, #tpu.memory_space<hbm>> -> memref<1x40x128xi32, #tpu.memory_space<hbm>>
      %dma_start3A_88 = tpu.memref_squeeze %dma_start3A_87 : memref<1x40x128xi32, #tpu.memory_space<hbm>> -> memref<40x128xi32, #tpu.memory_space<hbm>>
      tpu.enqueue_dma source(%dma_start3A_88 : memref<40x128xi32, #tpu.memory_space<hbm>>) target(%arg8 : memref<40x128xi32, #tpu.memory_space<vmem>>) target_semaphore(%run_scoped3A_80 : memref<!tpu.dma_semaphore, #tpu.memory_space<semaphore_mem>>)
      %dma_wait3A_89 = arith.constant 40 : i32
      %dma_wait3A_90 = arith.constant 0 : i32
      %dma_wait3A_91 = tpu.memref_slice %arg3[%add3A, %dma_wait3A_89, %dma_wait3A_90] : memref<32x80x128xi32, #tpu.memory_space<hbm>> -> memref<1x40x128xi32, #tpu.memory_space<hbm>>
      %dma_wait3A_92 = tpu.memref_squeeze %dma_wait3A_91 : memref<1x40x128xi32, #tpu.memory_space<hbm>> -> memref<40x128xi32, #tpu.memory_space<hbm>>
      %dma_wait3A_93 = arith.constant 40 : i32
      %dma_wait3A_94 = arith.constant 0 : i32
      %dma_wait3A_95 = tpu.memref_slice %arg3[%add3A, %dma_wait3A_93, %dma_wait3A_94] : memref<32x80x128xi32, #tpu.memory_space<hbm>> -> memref<1x40x128xi32, #tpu.memory_space<hbm>>
      %dma_wait3A_96 = tpu.memref_squeeze %dma_wait3A_95 : memref<1x40x128xi32, #tpu.memory_space<hbm>> -> memref<40x128xi32, #tpu.memory_space<hbm>>
      tpu.wait_dma2 semaphore(%run_scoped3A_80 : memref<!tpu.dma_semaphore, #tpu.memory_space<semaphore_mem>>) src(%dma_wait3A_96 : memref<40x128xi32, #tpu.memory_space<hbm>>) dst(%arg8 : memref<40x128xi32, #tpu.memory_space<vmem>>)
      tpu.yield
    }) : () -> ()
    %dma_start3A_44 = arith.constant 0 : i32
    %dma_start3A_45 = arith.constant 0 : i32
    %dma_start3A_46 = tpu.memref_slice %arg7[%dma_start3A_44, %dma_start3A_45] : memref<40x128xi32, #tpu.memory_space<vmem>> -> memref<1x128xi32, #tpu.memory_space<vmem>>
    %dma_start3A_47 = tpu.memref_squeeze %dma_start3A_46 : memref<1x128xi32, #tpu.memory_space<vmem>> -> memref<128xi32, #tpu.memory_space<vmem>>
    %dma_start3A_48 = arith.constant 0 : i32
    %dma_start3A_49 = arith.constant 0 : i32
    %dma_start3A_50 = tpu.memref_slice %arg4[%dma_start3A_48, %dma_start3A_49] : memref<10000x128xf32, #tpu.memory_space<hbm>> -> memref<10000x128xf32, #tpu.memory_space<hbm>>
    tpu.enqueue_indirect_dma source(%dma_start3A_50 : memref<10000x128xf32, #tpu.memory_space<hbm>>) target(%arg9 : memref<128x128xf32, #tpu.memory_space<vmem>>) offsets(%dma_start3A_47 : memref<128xi32, #tpu.memory_space<vmem>>) semaphore(%arg12 : memref<!tpu.dma_semaphore, #tpu.memory_space<semaphore_mem>>)
    %scan3A_51 = arith.constant 0 : i32
    %scan3A_52 = arith.constant 19 : i32
    %scan3A_53 = arith.addi %scan3A_51, %scan3A_52 : i32
    %scan3A_54 = arith.constant 1 : i32
    scf.for %scan3A_80 = %scan3A_51 to %scan3A_53 step %scan3A_54  : i32 {
      %mul3A_81 = arith.constant 1 : i32
      %mul3A_82 = arith.muli %scan3A_80, %mul3A_81 : i32
      %add3A_83 = arith.constant 0 : i32
      %add3A_84 = arith.addi %add3A_83, %mul3A_82 : i32
      %mul3A_85 = arith.constant 2 : i32
      %mul3A_86 = arith.muli %mul3A_85, %add3A_84 : i32
      %add3A_87 = arith.constant 1 : i32
      %add3A_88 = arith.addi %mul3A_86, %add3A_87 : i32
      %dma_start3A_89 = arith.constant 0 : i32
      %dma_start3A_90 = tpu.memref_slice %arg7[%add3A_88, %dma_start3A_89] : memref<40x128xi32, #tpu.memory_space<vmem>> -> memref<1x128xi32, #tpu.memory_space<vmem>>
      %dma_start3A_91 = tpu.memref_squeeze %dma_start3A_90 : memref<1x128xi32, #tpu.memory_space<vmem>> -> memref<128xi32, #tpu.memory_space<vmem>>
      %dma_start3A_92 = arith.constant 0 : i32
      %dma_start3A_93 = arith.constant 0 : i32
      %dma_start3A_94 = tpu.memref_slice %arg4[%dma_start3A_92, %dma_start3A_93] : memref<10000x128xf32, #tpu.memory_space<hbm>> -> memref<10000x128xf32, #tpu.memory_space<hbm>>
      tpu.enqueue_indirect_dma source(%dma_start3A_94 : memref<10000x128xf32, #tpu.memory_space<hbm>>) target(%arg10 : memref<128x128xf32, #tpu.memory_space<vmem>>) offsets(%dma_start3A_91 : memref<128xi32, #tpu.memory_space<vmem>>) semaphore(%arg13 : memref<!tpu.dma_semaphore, #tpu.memory_space<semaphore_mem>>)
      %dma_wait3A_95 = arith.constant 0 : i32
      %dma_wait3A_96 = tpu.memref_slice %arg7[%mul3A_86, %dma_wait3A_95] : memref<40x128xi32, #tpu.memory_space<vmem>> -> memref<1x128xi32, #tpu.memory_space<vmem>>
      %dma_wait3A_97 = tpu.memref_squeeze %dma_wait3A_96 : memref<1x128xi32, #tpu.memory_space<vmem>> -> memref<128xi32, #tpu.memory_space<vmem>>
      %dma_wait3A_98 = arith.constant 0 : i32
      %dma_wait3A_99 = arith.constant 0 : i32
      %dma_wait3A_100 = tpu.memref_slice %arg4[%dma_wait3A_98, %dma_wait3A_99] : memref<10000x128xf32, #tpu.memory_space<hbm>> -> memref<10000x128xf32, #tpu.memory_space<hbm>>
      tpu.wait_indirect_dma semaphore(%arg12 : memref<!tpu.dma_semaphore, #tpu.memory_space<semaphore_mem>>) src(%dma_wait3A_100 : memref<10000x128xf32, #tpu.memory_space<hbm>>) dst(%arg9 : memref<128x128xf32, #tpu.memory_space<vmem>>)
      "tpu.region"() ({
        %run_scoped3A_119 = tpu.sem_alloc : memref<!tpu.dma_semaphore, #tpu.memory_space<semaphore_mem>>
        %dma_start3A_120 = arith.constant 0 : i32
        %dma_start3A_121 = tpu.memref_slice %arg8[%mul3A_86, %dma_start3A_120] : memref<40x128xi32, #tpu.memory_space<vmem>> -> memref<1x128xi32, #tpu.memory_space<vmem>>
        %dma_start3A_122 = tpu.memref_squeeze %dma_start3A_121 : memref<1x128xi32, #tpu.memory_space<vmem>> -> memref<128xi32, #tpu.memory_space<vmem>>
        %dma_start3A_123 = arith.constant 0 : i32
        %dma_start3A_124 = arith.constant 0 : i32
        %dma_start3A_125 = tpu.memref_slice %arg11[%dma_start3A_123, %dma_start3A_124] : memref<10240x128xf32, #tpu.memory_space<vmem_shared>> -> memref<10240x128xf32, #tpu.memory_space<vmem_shared>>
        tpu.enqueue_indirect_dma source(%arg9 : memref<128x128xf32, #tpu.memory_space<vmem>>) target(%dma_start3A_125 : memref<10240x128xf32, #tpu.memory_space<vmem_shared>>) offsets(%dma_start3A_122 : memref<128xi32, #tpu.memory_space<vmem>>) semaphore(%run_scoped3A_119 : memref<!tpu.dma_semaphore, #tpu.memory_space<semaphore_mem>>) {add = true}
        %dma_wait3A_126 = arith.constant 0 : i32
        %dma_wait3A_127 = tpu.memref_slice %arg8[%mul3A_86, %dma_wait3A_126] : memref<40x128xi32, #tpu.memory_space<vmem>> -> memref<1x128xi32, #tpu.memory_space<vmem>>
        %dma_wait3A_128 = tpu.memref_squeeze %dma_wait3A_127 : memref<1x128xi32, #tpu.memory_space<vmem>> -> memref<128xi32, #tpu.memory_space<vmem>>
        %dma_wait3A_129 = arith.constant 0 : i32
        %dma_wait3A_130 = arith.constant 0 : i32
        %dma_wait3A_131 = tpu.memref_slice %arg11[%dma_wait3A_129, %dma_wait3A_130] : memref<10240x128xf32, #tpu.memory_space<vmem_shared>> -> memref<10240x128xf32, #tpu.memory_space<vmem_shared>>
        tpu.wait_indirect_dma semaphore(%run_scoped3A_119 : memref<!tpu.dma_semaphore, #tpu.memory_space<semaphore_mem>>) src(%arg9 : memref<128x128xf32, #tpu.memory_space<vmem>>) dst(%dma_wait3A_131 : memref<10240x128xf32, #tpu.memory_space<vmem_shared>>)
        tpu.yield
      }) : () -> ()
      %add3A_101 = arith.constant 2 : i32
      %add3A_102 = arith.addi %mul3A_86, %add3A_101 : i32
      %dma_start3A_103 = arith.constant 0 : i32
      %dma_start3A_104 = tpu.memref_slice %arg7[%add3A_102, %dma_start3A_103] : memref<40x128xi32, #tpu.memory_space<vmem>> -> memref<1x128xi32, #tpu.memory_space<vmem>>
      %dma_start3A_105 = tpu.memref_squeeze %dma_start3A_104 : memref<1x128xi32, #tpu.memory_space<vmem>> -> memref<128xi32, #tpu.memory_space<vmem>>
      %dma_start3A_106 = arith.constant 0 : i32
      %dma_start3A_107 = arith.constant 0 : i32
      %dma_start3A_108 = tpu.memref_slice %arg4[%dma_start3A_106, %dma_start3A_107] : memref<10000x128xf32, #tpu.memory_space<hbm>> -> memref<10000x128xf32, #tpu.memory_space<hbm>>
      tpu.enqueue_indirect_dma source(%dma_start3A_108 : memref<10000x128xf32, #tpu.memory_space<hbm>>) target(%arg9 : memref<128x128xf32, #tpu.memory_space<vmem>>) offsets(%dma_start3A_105 : memref<128xi32, #tpu.memory_space<vmem>>) semaphore(%arg12 : memref<!tpu.dma_semaphore, #tpu.memory_space<semaphore_mem>>)
      %add3A_109 = arith.constant 1 : i32
      %add3A_110 = arith.addi %mul3A_86, %add3A_109 : i32
      %dma_wait3A_111 = arith.constant 0 : i32
      %dma_wait3A_112 = tpu.memref_slice %arg7[%add3A_110, %dma_wait3A_111] : memref<40x128xi32, #tpu.memory_space<vmem>> -> memref<1x128xi32, #tpu.memory_space<vmem>>
      %dma_wait3A_113 = tpu.memref_squeeze %dma_wait3A_112 : memref<1x128xi32, #tpu.memory_space<vmem>> -> memref<128xi32, #tpu.memory_space<vmem>>
      %dma_wait3A_114 = arith.constant 0 : i32
      %dma_wait3A_115 = arith.constant 0 : i32
      %dma_wait3A_116 = tpu.memref_slice %arg4[%dma_wait3A_114, %dma_wait3A_115] : memref<10000x128xf32, #tpu.memory_space<hbm>> -> memref<10000x128xf32, #tpu.memory_space<hbm>>
      tpu.wait_indirect_dma semaphore(%arg13 : memref<!tpu.dma_semaphore, #tpu.memory_space<semaphore_mem>>) src(%dma_wait3A_116 : memref<10000x128xf32, #tpu.memory_space<hbm>>) dst(%arg10 : memref<128x128xf32, #tpu.memory_space<vmem>>)
      %add3A_117 = arith.constant 1 : i32
      %add3A_118 = arith.addi %mul3A_86, %add3A_117 : i32
      "tpu.region"() ({
        %run_scoped3A_119 = tpu.sem_alloc : memref<!tpu.dma_semaphore, #tpu.memory_space<semaphore_mem>>
        %dma_start3A_120 = arith.constant 0 : i32
        %dma_start3A_121 = tpu.memref_slice %arg8[%add3A_118, %dma_start3A_120] : memref<40x128xi32, #tpu.memory_space<vmem>> -> memref<1x128xi32, #tpu.memory_space<vmem>>
        %dma_start3A_122 = tpu.memref_squeeze %dma_start3A_121 : memref<1x128xi32, #tpu.memory_space<vmem>> -> memref<128xi32, #tpu.memory_space<vmem>>
        %dma_start3A_123 = arith.constant 0 : i32
        %dma_start3A_124 = arith.constant 0 : i32
        %dma_start3A_125 = tpu.memref_slice %arg11[%dma_start3A_123, %dma_start3A_124] : memref<10240x128xf32, #tpu.memory_space<vmem_shared>> -> memref<10240x128xf32, #tpu.memory_space<vmem_shared>>
        tpu.enqueue_indirect_dma source(%arg10 : memref<128x128xf32, #tpu.memory_space<vmem>>) target(%dma_start3A_125 : memref<10240x128xf32, #tpu.memory_space<vmem_shared>>) offsets(%dma_start3A_122 : memref<128xi32, #tpu.memory_space<vmem>>) semaphore(%run_scoped3A_119 : memref<!tpu.dma_semaphore, #tpu.memory_space<semaphore_mem>>) {add = true}
        %dma_wait3A_126 = arith.constant 0 : i32
        %dma_wait3A_127 = tpu.memref_slice %arg8[%add3A_118, %dma_wait3A_126] : memref<40x128xi32, #tpu.memory_space<vmem>> -> memref<1x128xi32, #tpu.memory_space<vmem>>
        %dma_wait3A_128 = tpu.memref_squeeze %dma_wait3A_127 : memref<1x128xi32, #tpu.memory_space<vmem>> -> memref<128xi32, #tpu.memory_space<vmem>>
        %dma_wait3A_129 = arith.constant 0 : i32
        %dma_wait3A_130 = arith.constant 0 : i32
        %dma_wait3A_131 = tpu.memref_slice %arg11[%dma_wait3A_129, %dma_wait3A_130] : memref<10240x128xf32, #tpu.memory_space<vmem_shared>> -> memref<10240x128xf32, #tpu.memory_space<vmem_shared>>
        tpu.wait_indirect_dma semaphore(%run_scoped3A_119 : memref<!tpu.dma_semaphore, #tpu.memory_space<semaphore_mem>>) src(%arg10 : memref<128x128xf32, #tpu.memory_space<vmem>>) dst(%dma_wait3A_131 : memref<10240x128xf32, #tpu.memory_space<vmem_shared>>)
        tpu.yield
      }) : () -> ()
    }
    %scan3A_55 = arith.constant 19 : i32
    %dma_start3A_56 = arith.constant 39 : i32
    %dma_start3A_57 = arith.constant 0 : i32
    %dma_start3A_58 = tpu.memref_slice %arg7[%dma_start3A_56, %dma_start3A_57] : memref<40x128xi32, #tpu.memory_space<vmem>> -> memref<1x128xi32, #tpu.memory_space<vmem>>
    %dma_start3A_59 = tpu.memref_squeeze %dma_start3A_58 : memref<1x128xi32, #tpu.memory_space<vmem>> -> memref<128xi32, #tpu.memory_space<vmem>>
    %dma_start3A_60 = arith.constant 0 : i32
    %dma_start3A_61 = arith.constant 0 : i32
    %dma_start3A_62 = tpu.memref_slice %arg4[%dma_start3A_60, %dma_start3A_61] : memref<10000x128xf32, #tpu.memory_space<hbm>> -> memref<10000x128xf32, #tpu.memory_space<hbm>>
    tpu.enqueue_indirect_dma source(%dma_start3A_62 : memref<10000x128xf32, #tpu.memory_space<hbm>>) target(%arg10 : memref<128x128xf32, #tpu.memory_space<vmem>>) offsets(%dma_start3A_59 : memref<128xi32, #tpu.memory_space<vmem>>) semaphore(%arg13 : memref<!tpu.dma_semaphore, #tpu.memory_space<semaphore_mem>>)
    %dma_wait3A_63 = arith.constant 38 : i32
    %dma_wait3A_64 = arith.constant 0 : i32
    %dma_wait3A_65 = tpu.memref_slice %arg7[%dma_wait3A_63, %dma_wait3A_64] : memref<40x128xi32, #tpu.memory_space<vmem>> -> memref<1x128xi32, #tpu.memory_space<vmem>>
    %dma_wait3A_66 = tpu.memref_squeeze %dma_wait3A_65 : memref<1x128xi32, #tpu.memory_space<vmem>> -> memref<128xi32, #tpu.memory_space<vmem>>
    %dma_wait3A_67 = arith.constant 0 : i32
    %dma_wait3A_68 = arith.constant 0 : i32
    %dma_wait3A_69 = tpu.memref_slice %arg4[%dma_wait3A_67, %dma_wait3A_68] : memref<10000x128xf32, #tpu.memory_space<hbm>> -> memref<10000x128xf32, #tpu.memory_space<hbm>>
    tpu.wait_indirect_dma semaphore(%arg12 : memref<!tpu.dma_semaphore, #tpu.memory_space<semaphore_mem>>) src(%dma_wait3A_69 : memref<10000x128xf32, #tpu.memory_space<hbm>>) dst(%arg9 : memref<128x128xf32, #tpu.memory_space<vmem>>)
    %run_scoped3A_70 = arith.constant 38 : i32
    "tpu.region"() ({
      %run_scoped3A_80 = tpu.sem_alloc : memref<!tpu.dma_semaphore, #tpu.memory_space<semaphore_mem>>
      %dma_start3A_81 = arith.constant 0 : i32
      %dma_start3A_82 = tpu.memref_slice %arg8[%run_scoped3A_70, %dma_start3A_81] : memref<40x128xi32, #tpu.memory_space<vmem>> -> memref<1x128xi32, #tpu.memory_space<vmem>>
      %dma_start3A_83 = tpu.memref_squeeze %dma_start3A_82 : memref<1x128xi32, #tpu.memory_space<vmem>> -> memref<128xi32, #tpu.memory_space<vmem>>
      %dma_start3A_84 = arith.constant 0 : i32
      %dma_start3A_85 = arith.constant 0 : i32
      %dma_start3A_86 = tpu.memref_slice %arg11[%dma_start3A_84, %dma_start3A_85] : memref<10240x128xf32, #tpu.memory_space<vmem_shared>> -> memref<10240x128xf32, #tpu.memory_space<vmem_shared>>
      tpu.enqueue_indirect_dma source(%arg9 : memref<128x128xf32, #tpu.memory_space<vmem>>) target(%dma_start3A_86 : memref<10240x128xf32, #tpu.memory_space<vmem_shared>>) offsets(%dma_start3A_83 : memref<128xi32, #tpu.memory_space<vmem>>) semaphore(%run_scoped3A_80 : memref<!tpu.dma_semaphore, #tpu.memory_space<semaphore_mem>>) {add = true}
      %dma_wait3A_87 = arith.constant 0 : i32
      %dma_wait3A_88 = tpu.memref_slice %arg8[%run_scoped3A_70, %dma_wait3A_87] : memref<40x128xi32, #tpu.memory_space<vmem>> -> memref<1x128xi32, #tpu.memory_space<vmem>>
      %dma_wait3A_89 = tpu.memref_squeeze %dma_wait3A_88 : memref<1x128xi32, #tpu.memory_space<vmem>> -> memref<128xi32, #tpu.memory_space<vmem>>
      %dma_wait3A_90 = arith.constant 0 : i32
      %dma_wait3A_91 = arith.constant 0 : i32
      %dma_wait3A_92 = tpu.memref_slice %arg11[%dma_wait3A_90, %dma_wait3A_91] : memref<10240x128xf32, #tpu.memory_space<vmem_shared>> -> memref<10240x128xf32, #tpu.memory_space<vmem_shared>>
      tpu.wait_indirect_dma semaphore(%run_scoped3A_80 : memref<!tpu.dma_semaphore, #tpu.memory_space<semaphore_mem>>) src(%arg9 : memref<128x128xf32, #tpu.memory_space<vmem>>) dst(%dma_wait3A_92 : memref<10240x128xf32, #tpu.memory_space<vmem_shared>>)
      tpu.yield
    }) : () -> ()
    %dma_wait3A_71 = arith.constant 39 : i32
    %dma_wait3A_72 = arith.constant 0 : i32
    %dma_wait3A_73 = tpu.memref_slice %arg7[%dma_wait3A_71, %dma_wait3A_72] : memref<40x128xi32, #tpu.memory_space<vmem>> -> memref<1x128xi32, #tpu.memory_space<vmem>>
    %dma_wait3A_74 = tpu.memref_squeeze %dma_wait3A_73 : memref<1x128xi32, #tpu.memory_space<vmem>> -> memref<128xi32, #tpu.memory_space<vmem>>
    %dma_wait3A_75 = arith.constant 0 : i32
    %dma_wait3A_76 = arith.constant 0 : i32
    %dma_wait3A_77 = tpu.memref_slice %arg4[%dma_wait3A_75, %dma_wait3A_76] : memref<10000x128xf32, #tpu.memory_space<hbm>> -> memref<10000x128xf32, #tpu.memory_space<hbm>>
    tpu.wait_indirect_dma semaphore(%arg13 : memref<!tpu.dma_semaphore, #tpu.memory_space<semaphore_mem>>) src(%dma_wait3A_77 : memref<10000x128xf32, #tpu.memory_space<hbm>>) dst(%arg10 : memref<128x128xf32, #tpu.memory_space<vmem>>)
    %run_scoped3A_78 = arith.constant 39 : i32
    "tpu.region"() ({
      %run_scoped3A_80 = tpu.sem_alloc : memref<!tpu.dma_semaphore, #tpu.memory_space<semaphore_mem>>
      %dma_start3A_81 = arith.constant 0 : i32
      %dma_start3A_82 = tpu.memref_slice %arg8[%run_scoped3A_78, %dma_start3A_81] : memref<40x128xi32, #tpu.memory_space<vmem>> -> memref<1x128xi32, #tpu.memory_space<vmem>>
      %dma_start3A_83 = tpu.memref_squeeze %dma_start3A_82 : memref<1x128xi32, #tpu.memory_space<vmem>> -> memref<128xi32, #tpu.memory_space<vmem>>
      %dma_start3A_84 = arith.constant 0 : i32
      %dma_start3A_85 = arith.constant 0 : i32
      %dma_start3A_86 = tpu.memref_slice %arg11[%dma_start3A_84, %dma_start3A_85] : memref<10240x128xf32, #tpu.memory_space<vmem_shared>> -> memref<10240x128xf32, #tpu.memory_space<vmem_shared>>
      tpu.enqueue_indirect_dma source(%arg10 : memref<128x128xf32, #tpu.memory_space<vmem>>) target(%dma_start3A_86 : memref<10240x128xf32, #tpu.memory_space<vmem_shared>>) offsets(%dma_start3A_83 : memref<128xi32, #tpu.memory_space<vmem>>) semaphore(%run_scoped3A_80 : memref<!tpu.dma_semaphore, #tpu.memory_space<semaphore_mem>>) {add = true}
      %dma_wait3A_87 = arith.constant 0 : i32
      %dma_wait3A_88 = tpu.memref_slice %arg8[%run_scoped3A_78, %dma_wait3A_87] : memref<40x128xi32, #tpu.memory_space<vmem>> -> memref<1x128xi32, #tpu.memory_space<vmem>>
      %dma_wait3A_89 = tpu.memref_squeeze %dma_wait3A_88 : memref<1x128xi32, #tpu.memory_space<vmem>> -> memref<128xi32, #tpu.memory_space<vmem>>
      %dma_wait3A_90 = arith.constant 0 : i32
      %dma_wait3A_91 = arith.constant 0 : i32
      %dma_wait3A_92 = tpu.memref_slice %arg11[%dma_wait3A_90, %dma_wait3A_91] : memref<10240x128xf32, #tpu.memory_space<vmem_shared>> -> memref<10240x128xf32, #tpu.memory_space<vmem_shared>>
      tpu.wait_indirect_dma semaphore(%run_scoped3A_80 : memref<!tpu.dma_semaphore, #tpu.memory_space<semaphore_mem>>) src(%arg10 : memref<128x128xf32, #tpu.memory_space<vmem>>) dst(%dma_wait3A_92 : memref<10240x128xf32, #tpu.memory_space<vmem_shared>>)
      tpu.yield
    }) : () -> ()
    %barrier3A_79 = arith.constant 0 : index
    tpu.barrier barrier_id(%barrier3A_79)
    "tpu.region"() ({
      %run_scoped3A_80 = tpu.sem_alloc : memref<!tpu.dma_semaphore, #tpu.memory_space<semaphore_mem>>
      %dma_start3A_81 = arith.constant 0 : i32
      %dma_start3A_82 = tpu.memref_slice %arg6[%arg0, %mul3A_2, %dma_start3A_81] : memref<2x10240x128xf32, #tpu.memory_space<hbm>> -> memref<1x640x128xf32, #tpu.memory_space<hbm>>
      %dma_start3A_83 = tpu.memref_squeeze %dma_start3A_82 : memref<1x640x128xf32, #tpu.memory_space<hbm>> -> memref<640x128xf32, #tpu.memory_space<hbm>>
      %dma_start3A_84 = arith.constant 0 : i32
      %dma_start3A_85 = tpu.memref_slice %arg11[%mul3A_2, %dma_start3A_84] : memref<10240x128xf32, #tpu.memory_space<vmem_shared>> -> memref<640x128xf32, #tpu.memory_space<vmem_shared>>
      tpu.enqueue_dma source(%dma_start3A_85 : memref<640x128xf32, #tpu.memory_space<vmem_shared>>) target(%dma_start3A_83 : memref<640x128xf32, #tpu.memory_space<hbm>>) target_semaphore(%run_scoped3A_80 : memref<!tpu.dma_semaphore, #tpu.memory_space<semaphore_mem>>)
      %dma_wait3A_86 = arith.constant 0 : i32
      %dma_wait3A_87 = tpu.memref_slice %arg6[%arg0, %mul3A_2, %dma_wait3A_86] : memref<2x10240x128xf32, #tpu.memory_space<hbm>> -> memref<1x640x128xf32, #tpu.memory_space<hbm>>
      %dma_wait3A_88 = tpu.memref_squeeze %dma_wait3A_87 : memref<1x640x128xf32, #tpu.memory_space<hbm>> -> memref<640x128xf32, #tpu.memory_space<hbm>>
      %dma_wait3A_89 = arith.constant 0 : i32
      %dma_wait3A_90 = tpu.memref_slice %arg11[%mul3A_2, %dma_wait3A_89] : memref<10240x128xf32, #tpu.memory_space<vmem_shared>> -> memref<640x128xf32, #tpu.memory_space<vmem_shared>>
      tpu.wait_dma2 semaphore(%run_scoped3A_80 : memref<!tpu.dma_semaphore, #tpu.memory_space<semaphore_mem>>) src(%dma_wait3A_90 : memref<640x128xf32, #tpu.memory_space<vmem_shared>>) dst(%dma_wait3A_88 : memref<640x128xf32, #tpu.memory_space<hbm>>)
      tpu.yield
    }) : () -> ()
    return
  }
}

#map = affine_map<(d0, d1) -> (0, 0, 0)>
#map1 = affine_map<(d0, d1) -> (0, 0)>
module attributes {stable_mosaic.version = 14 : i64} {
  func.func @_sc_degree(%arg0: i32, %arg1: i32, %arg2: memref<32x80x128xi32, #tpu.memory_space<hbm>>, %arg3: memref<128x128xf32, #tpu.memory_space<hbm>>, %arg4: memref<128x128xf32, #tpu.memory_space<hbm>>, %arg5: memref<2x10240x128xf32, #tpu.memory_space<hbm>>, %arg6: memref<80x128xi32, #tpu.memory_space<vmem>>, %arg7: memref<128x128xf32, #tpu.memory_space<vmem>>, %arg8: memref<10240x128xf32, #tpu.memory_space<vmem_shared>>) attributes {dimension_semantics = [#tpu.dimension_semantics<core_parallel>, #tpu.dimension_semantics<subcore_parallel>], iteration_bounds = array<i64: 2, 16>, scalar_prefetch = 0 : i64, scratch_operands = 3 : i64, tpu.core_type = #tpu.core_type<sc_vector_subcore>, window_params = [{transform_indices = #map}, {transform_indices = #map1}, {transform_indices = #map1}, {transform_indices = #map}]} {
    %mul3A = arith.constant 2 : i32
    %mul3A_0 = arith.muli %arg1, %mul3A : i32
    %add3A = arith.addi %mul3A_0, %arg0 : i32
    %mul3A_1 = arith.constant 640 : i32
    %mul3A_2 = arith.muli %arg1, %mul3A_1 : i32
    "tpu.region"() ({
      %run_scoped3A = tpu.sem_alloc : memref<!tpu.dma_semaphore, #tpu.memory_space<semaphore_mem>>
      %dma_start3A = arith.constant 0 : i32
      %dma_start3A_18 = arith.constant 0 : i32
      %dma_start3A_19 = tpu.memref_slice %arg2[%add3A, %dma_start3A, %dma_start3A_18] : memref<32x80x128xi32, #tpu.memory_space<hbm>> -> memref<1x80x128xi32, #tpu.memory_space<hbm>>
      %dma_start3A_20 = tpu.memref_squeeze %dma_start3A_19 : memref<1x80x128xi32, #tpu.memory_space<hbm>> -> memref<80x128xi32, #tpu.memory_space<hbm>>
      %dma_start3A_21 = arith.constant 0 : i32
      %dma_start3A_22 = arith.constant 0 : i32
      %dma_start3A_23 = tpu.memref_slice %arg2[%add3A, %dma_start3A_21, %dma_start3A_22] : memref<32x80x128xi32, #tpu.memory_space<hbm>> -> memref<1x80x128xi32, #tpu.memory_space<hbm>>
      %dma_start3A_24 = tpu.memref_squeeze %dma_start3A_23 : memref<1x80x128xi32, #tpu.memory_space<hbm>> -> memref<80x128xi32, #tpu.memory_space<hbm>>
      tpu.enqueue_dma source(%dma_start3A_24 : memref<80x128xi32, #tpu.memory_space<hbm>>) target(%arg6 : memref<80x128xi32, #tpu.memory_space<vmem>>) target_semaphore(%run_scoped3A : memref<!tpu.dma_semaphore, #tpu.memory_space<semaphore_mem>>)
      %dma_wait3A = arith.constant 0 : i32
      %dma_wait3A_25 = arith.constant 0 : i32
      %dma_wait3A_26 = tpu.memref_slice %arg2[%add3A, %dma_wait3A, %dma_wait3A_25] : memref<32x80x128xi32, #tpu.memory_space<hbm>> -> memref<1x80x128xi32, #tpu.memory_space<hbm>>
      %dma_wait3A_27 = tpu.memref_squeeze %dma_wait3A_26 : memref<1x80x128xi32, #tpu.memory_space<hbm>> -> memref<80x128xi32, #tpu.memory_space<hbm>>
      %dma_wait3A_28 = arith.constant 0 : i32
      %dma_wait3A_29 = arith.constant 0 : i32
      %dma_wait3A_30 = tpu.memref_slice %arg2[%add3A, %dma_wait3A_28, %dma_wait3A_29] : memref<32x80x128xi32, #tpu.memory_space<hbm>> -> memref<1x80x128xi32, #tpu.memory_space<hbm>>
      %dma_wait3A_31 = tpu.memref_squeeze %dma_wait3A_30 : memref<1x80x128xi32, #tpu.memory_space<hbm>> -> memref<80x128xi32, #tpu.memory_space<hbm>>
      tpu.wait_dma2 semaphore(%run_scoped3A : memref<!tpu.dma_semaphore, #tpu.memory_space<semaphore_mem>>) src(%dma_wait3A_31 : memref<80x128xi32, #tpu.memory_space<hbm>>) dst(%arg6 : memref<80x128xi32, #tpu.memory_space<vmem>>)
      tpu.yield
    }) : () -> ()
    %add3A_3 = arith.constant 0 : i32
    %add3A_4 = arith.addi %mul3A_2, %add3A_3 : i32
    "tpu.region"() ({
      %run_scoped3A = tpu.sem_alloc : memref<!tpu.dma_semaphore, #tpu.memory_space<semaphore_mem>>
      %dma_start3A = arith.constant 0 : i32
      %dma_start3A_18 = tpu.memref_slice %arg8[%add3A_4, %dma_start3A] : memref<10240x128xf32, #tpu.memory_space<vmem_shared>> -> memref<128x128xf32, #tpu.memory_space<vmem_shared>>
      tpu.enqueue_dma source(%arg4 : memref<128x128xf32, #tpu.memory_space<hbm>>) target(%dma_start3A_18 : memref<128x128xf32, #tpu.memory_space<vmem_shared>>) target_semaphore(%run_scoped3A : memref<!tpu.dma_semaphore, #tpu.memory_space<semaphore_mem>>)
      %dma_wait3A = arith.constant 0 : i32
      %dma_wait3A_19 = tpu.memref_slice %arg8[%add3A_4, %dma_wait3A] : memref<10240x128xf32, #tpu.memory_space<vmem_shared>> -> memref<128x128xf32, #tpu.memory_space<vmem_shared>>
      tpu.wait_dma2 semaphore(%run_scoped3A : memref<!tpu.dma_semaphore, #tpu.memory_space<semaphore_mem>>) src(%arg4 : memref<128x128xf32, #tpu.memory_space<hbm>>) dst(%dma_wait3A_19 : memref<128x128xf32, #tpu.memory_space<vmem_shared>>)
      tpu.yield
    }) : () -> ()
    %add3A_5 = arith.constant 128 : i32
    %add3A_6 = arith.addi %mul3A_2, %add3A_5 : i32
    "tpu.region"() ({
      %run_scoped3A = tpu.sem_alloc : memref<!tpu.dma_semaphore, #tpu.memory_space<semaphore_mem>>
      %dma_start3A = arith.constant 0 : i32
      %dma_start3A_18 = tpu.memref_slice %arg8[%add3A_6, %dma_start3A] : memref<10240x128xf32, #tpu.memory_space<vmem_shared>> -> memref<128x128xf32, #tpu.memory_space<vmem_shared>>
      tpu.enqueue_dma source(%arg4 : memref<128x128xf32, #tpu.memory_space<hbm>>) target(%dma_start3A_18 : memref<128x128xf32, #tpu.memory_space<vmem_shared>>) target_semaphore(%run_scoped3A : memref<!tpu.dma_semaphore, #tpu.memory_space<semaphore_mem>>)
      %dma_wait3A = arith.constant 0 : i32
      %dma_wait3A_19 = tpu.memref_slice %arg8[%add3A_6, %dma_wait3A] : memref<10240x128xf32, #tpu.memory_space<vmem_shared>> -> memref<128x128xf32, #tpu.memory_space<vmem_shared>>
      tpu.wait_dma2 semaphore(%run_scoped3A : memref<!tpu.dma_semaphore, #tpu.memory_space<semaphore_mem>>) src(%arg4 : memref<128x128xf32, #tpu.memory_space<hbm>>) dst(%dma_wait3A_19 : memref<128x128xf32, #tpu.memory_space<vmem_shared>>)
      tpu.yield
    }) : () -> ()
    %add3A_7 = arith.constant 256 : i32
    %add3A_8 = arith.addi %mul3A_2, %add3A_7 : i32
    "tpu.region"() ({
      %run_scoped3A = tpu.sem_alloc : memref<!tpu.dma_semaphore, #tpu.memory_space<semaphore_mem>>
      %dma_start3A = arith.constant 0 : i32
      %dma_start3A_18 = tpu.memref_slice %arg8[%add3A_8, %dma_start3A] : memref<10240x128xf32, #tpu.memory_space<vmem_shared>> -> memref<128x128xf32, #tpu.memory_space<vmem_shared>>
      tpu.enqueue_dma source(%arg4 : memref<128x128xf32, #tpu.memory_space<hbm>>) target(%dma_start3A_18 : memref<128x128xf32, #tpu.memory_space<vmem_shared>>) target_semaphore(%run_scoped3A : memref<!tpu.dma_semaphore, #tpu.memory_space<semaphore_mem>>)
      %dma_wait3A = arith.constant 0 : i32
      %dma_wait3A_19 = tpu.memref_slice %arg8[%add3A_8, %dma_wait3A] : memref<10240x128xf32, #tpu.memory_space<vmem_shared>> -> memref<128x128xf32, #tpu.memory_space<vmem_shared>>
      tpu.wait_dma2 semaphore(%run_scoped3A : memref<!tpu.dma_semaphore, #tpu.memory_space<semaphore_mem>>) src(%arg4 : memref<128x128xf32, #tpu.memory_space<hbm>>) dst(%dma_wait3A_19 : memref<128x128xf32, #tpu.memory_space<vmem_shared>>)
      tpu.yield
    }) : () -> ()
    %add3A_9 = arith.constant 384 : i32
    %add3A_10 = arith.addi %mul3A_2, %add3A_9 : i32
    "tpu.region"() ({
      %run_scoped3A = tpu.sem_alloc : memref<!tpu.dma_semaphore, #tpu.memory_space<semaphore_mem>>
      %dma_start3A = arith.constant 0 : i32
      %dma_start3A_18 = tpu.memref_slice %arg8[%add3A_10, %dma_start3A] : memref<10240x128xf32, #tpu.memory_space<vmem_shared>> -> memref<128x128xf32, #tpu.memory_space<vmem_shared>>
      tpu.enqueue_dma source(%arg4 : memref<128x128xf32, #tpu.memory_space<hbm>>) target(%dma_start3A_18 : memref<128x128xf32, #tpu.memory_space<vmem_shared>>) target_semaphore(%run_scoped3A : memref<!tpu.dma_semaphore, #tpu.memory_space<semaphore_mem>>)
      %dma_wait3A = arith.constant 0 : i32
      %dma_wait3A_19 = tpu.memref_slice %arg8[%add3A_10, %dma_wait3A] : memref<10240x128xf32, #tpu.memory_space<vmem_shared>> -> memref<128x128xf32, #tpu.memory_space<vmem_shared>>
      tpu.wait_dma2 semaphore(%run_scoped3A : memref<!tpu.dma_semaphore, #tpu.memory_space<semaphore_mem>>) src(%arg4 : memref<128x128xf32, #tpu.memory_space<hbm>>) dst(%dma_wait3A_19 : memref<128x128xf32, #tpu.memory_space<vmem_shared>>)
      tpu.yield
    }) : () -> ()
    %add3A_11 = arith.constant 512 : i32
    %add3A_12 = arith.addi %mul3A_2, %add3A_11 : i32
    "tpu.region"() ({
      %run_scoped3A = tpu.sem_alloc : memref<!tpu.dma_semaphore, #tpu.memory_space<semaphore_mem>>
      %dma_start3A = arith.constant 0 : i32
      %dma_start3A_18 = tpu.memref_slice %arg8[%add3A_12, %dma_start3A] : memref<10240x128xf32, #tpu.memory_space<vmem_shared>> -> memref<128x128xf32, #tpu.memory_space<vmem_shared>>
      tpu.enqueue_dma source(%arg4 : memref<128x128xf32, #tpu.memory_space<hbm>>) target(%dma_start3A_18 : memref<128x128xf32, #tpu.memory_space<vmem_shared>>) target_semaphore(%run_scoped3A : memref<!tpu.dma_semaphore, #tpu.memory_space<semaphore_mem>>)
      %dma_wait3A = arith.constant 0 : i32
      %dma_wait3A_19 = tpu.memref_slice %arg8[%add3A_12, %dma_wait3A] : memref<10240x128xf32, #tpu.memory_space<vmem_shared>> -> memref<128x128xf32, #tpu.memory_space<vmem_shared>>
      tpu.wait_dma2 semaphore(%run_scoped3A : memref<!tpu.dma_semaphore, #tpu.memory_space<semaphore_mem>>) src(%arg4 : memref<128x128xf32, #tpu.memory_space<hbm>>) dst(%dma_wait3A_19 : memref<128x128xf32, #tpu.memory_space<vmem_shared>>)
      tpu.yield
    }) : () -> ()
    "tpu.region"() ({
      %run_scoped3A = tpu.sem_alloc : memref<!tpu.dma_semaphore, #tpu.memory_space<semaphore_mem>>
      tpu.enqueue_dma source(%arg3 : memref<128x128xf32, #tpu.memory_space<hbm>>) target(%arg7 : memref<128x128xf32, #tpu.memory_space<vmem>>) target_semaphore(%run_scoped3A : memref<!tpu.dma_semaphore, #tpu.memory_space<semaphore_mem>>)
      tpu.wait_dma2 semaphore(%run_scoped3A : memref<!tpu.dma_semaphore, #tpu.memory_space<semaphore_mem>>) src(%arg3 : memref<128x128xf32, #tpu.memory_space<hbm>>) dst(%arg7 : memref<128x128xf32, #tpu.memory_space<vmem>>)
      tpu.yield
    }) : () -> ()
    %barrier3A = arith.constant 0 : index
    tpu.barrier barrier_id(%barrier3A)
    %scan3A = arith.constant 0 : i32
    %scan3A_13 = arith.constant 80 : i32
    %scan3A_14 = arith.addi %scan3A, %scan3A_13 : i32
    %scan3A_15 = arith.constant 1 : i32
    scf.for %scan3A_18 = %scan3A to %scan3A_14 step %scan3A_15  : i32 {
      %mul3A_19 = arith.constant 1 : i32
      %mul3A_20 = arith.muli %scan3A_18, %mul3A_19 : i32
      %add3A_21 = arith.constant 0 : i32
      %add3A_22 = arith.addi %add3A_21, %mul3A_20 : i32
      "tpu.region"() ({
        %run_scoped3A = tpu.sem_alloc : memref<!tpu.dma_semaphore, #tpu.memory_space<semaphore_mem>>
        %dma_start3A = arith.constant 0 : i32
        %dma_start3A_23 = tpu.memref_slice %arg6[%add3A_22, %dma_start3A] : memref<80x128xi32, #tpu.memory_space<vmem>> -> memref<1x128xi32, #tpu.memory_space<vmem>>
        %dma_start3A_24 = tpu.memref_squeeze %dma_start3A_23 : memref<1x128xi32, #tpu.memory_space<vmem>> -> memref<128xi32, #tpu.memory_space<vmem>>
        %dma_start3A_25 = arith.constant 0 : i32
        %dma_start3A_26 = arith.constant 0 : i32
        %dma_start3A_27 = tpu.memref_slice %arg8[%dma_start3A_25, %dma_start3A_26] : memref<10240x128xf32, #tpu.memory_space<vmem_shared>> -> memref<10240x128xf32, #tpu.memory_space<vmem_shared>>
        tpu.enqueue_indirect_dma source(%arg7 : memref<128x128xf32, #tpu.memory_space<vmem>>) target(%dma_start3A_27 : memref<10240x128xf32, #tpu.memory_space<vmem_shared>>) offsets(%dma_start3A_24 : memref<128xi32, #tpu.memory_space<vmem>>) semaphore(%run_scoped3A : memref<!tpu.dma_semaphore, #tpu.memory_space<semaphore_mem>>) {add = true}
        %dma_wait3A = arith.constant 0 : i32
        %dma_wait3A_28 = tpu.memref_slice %arg6[%add3A_22, %dma_wait3A] : memref<80x128xi32, #tpu.memory_space<vmem>> -> memref<1x128xi32, #tpu.memory_space<vmem>>
        %dma_wait3A_29 = tpu.memref_squeeze %dma_wait3A_28 : memref<1x128xi32, #tpu.memory_space<vmem>> -> memref<128xi32, #tpu.memory_space<vmem>>
        %dma_wait3A_30 = arith.constant 0 : i32
        %dma_wait3A_31 = arith.constant 0 : i32
        %dma_wait3A_32 = tpu.memref_slice %arg8[%dma_wait3A_30, %dma_wait3A_31] : memref<10240x128xf32, #tpu.memory_space<vmem_shared>> -> memref<10240x128xf32, #tpu.memory_space<vmem_shared>>
        tpu.wait_indirect_dma semaphore(%run_scoped3A : memref<!tpu.dma_semaphore, #tpu.memory_space<semaphore_mem>>) src(%arg7 : memref<128x128xf32, #tpu.memory_space<vmem>>) dst(%dma_wait3A_32 : memref<10240x128xf32, #tpu.memory_space<vmem_shared>>)
        tpu.yield
      }) : () -> ()
    }
    %scan3A_16 = arith.constant 80 : i32
    %barrier3A_17 = arith.constant 0 : index
    tpu.barrier barrier_id(%barrier3A_17)
    "tpu.region"() ({
      %run_scoped3A = tpu.sem_alloc : memref<!tpu.dma_semaphore, #tpu.memory_space<semaphore_mem>>
      %dma_start3A = arith.constant 0 : i32
      %dma_start3A_18 = tpu.memref_slice %arg5[%arg0, %mul3A_2, %dma_start3A] : memref<2x10240x128xf32, #tpu.memory_space<hbm>> -> memref<1x640x128xf32, #tpu.memory_space<hbm>>
      %dma_start3A_19 = tpu.memref_squeeze %dma_start3A_18 : memref<1x640x128xf32, #tpu.memory_space<hbm>> -> memref<640x128xf32, #tpu.memory_space<hbm>>
      %dma_start3A_20 = arith.constant 0 : i32
      %dma_start3A_21 = tpu.memref_slice %arg8[%mul3A_2, %dma_start3A_20] : memref<10240x128xf32, #tpu.memory_space<vmem_shared>> -> memref<640x128xf32, #tpu.memory_space<vmem_shared>>
      tpu.enqueue_dma source(%dma_start3A_21 : memref<640x128xf32, #tpu.memory_space<vmem_shared>>) target(%dma_start3A_19 : memref<640x128xf32, #tpu.memory_space<hbm>>) target_semaphore(%run_scoped3A : memref<!tpu.dma_semaphore, #tpu.memory_space<semaphore_mem>>)
      %dma_wait3A = arith.constant 0 : i32
      %dma_wait3A_22 = tpu.memref_slice %arg5[%arg0, %mul3A_2, %dma_wait3A] : memref<2x10240x128xf32, #tpu.memory_space<hbm>> -> memref<1x640x128xf32, #tpu.memory_space<hbm>>
      %dma_wait3A_23 = tpu.memref_squeeze %dma_wait3A_22 : memref<1x640x128xf32, #tpu.memory_space<hbm>> -> memref<640x128xf32, #tpu.memory_space<hbm>>
      %dma_wait3A_24 = arith.constant 0 : i32
      %dma_wait3A_25 = tpu.memref_slice %arg8[%mul3A_2, %dma_wait3A_24] : memref<10240x128xf32, #tpu.memory_space<vmem_shared>> -> memref<640x128xf32, #tpu.memory_space<vmem_shared>>
      tpu.wait_dma2 semaphore(%run_scoped3A : memref<!tpu.dma_semaphore, #tpu.memory_space<semaphore_mem>>) src(%dma_wait3A_25 : memref<640x128xf32, #tpu.memory_space<vmem_shared>>) dst(%dma_wait3A_23 : memref<640x128xf32, #tpu.memory_space<hbm>>)
      tpu.yield
    }) : () -> ()
    return
  }
}

#map = affine_map<(d0, d1) -> (0, 0, 0)>
#map1 = affine_map<(d0, d1) -> (0, 0)>
module attributes {stable_mosaic.version = 14 : i64} {
  func.func @_sc_scatter(%arg0: i32, %arg1: i32, %arg2: memref<32x80x128xi32, #tpu.memory_space<hbm>>, %arg3: memref<32x80x128xi32, #tpu.memory_space<hbm>>, %arg4: memref<10000x128xf32, #tpu.memory_space<hbm>>, %arg5: memref<128x128xf32, #tpu.memory_space<hbm>>, %arg6: memref<2x10240x128xf32, #tpu.memory_space<hbm>>, %arg7: memref<40x128xi32, #tpu.memory_space<vmem>>, %arg8: memref<40x128xi32, #tpu.memory_space<vmem>>, %arg9: memref<128x128xf32, #tpu.memory_space<vmem>>, %arg10: memref<128x128xf32, #tpu.memory_space<vmem>>, %arg11: memref<10240x128xf32, #tpu.memory_space<vmem_shared>>, %arg12: memref<!tpu.dma_semaphore, #tpu.memory_space<semaphore_mem>>, %arg13: memref<!tpu.dma_semaphore, #tpu.memory_space<semaphore_mem>>) attributes {dimension_semantics = [#tpu.dimension_semantics<core_parallel>, #tpu.dimension_semantics<subcore_parallel>], iteration_bounds = array<i64: 2, 16>, scalar_prefetch = 0 : i64, scratch_operands = 7 : i64, tpu.core_type = #tpu.core_type<sc_vector_subcore>, window_params = [{transform_indices = #map}, {transform_indices = #map}, {transform_indices = #map1}, {transform_indices = #map1}, {transform_indices = #map}]} {
    %mul3A = arith.constant 2 : i32
    %mul3A_0 = arith.muli %arg1, %mul3A : i32
    %add3A = arith.addi %mul3A_0, %arg0 : i32
    %mul3A_1 = arith.constant 640 : i32
    %mul3A_2 = arith.muli %arg1, %mul3A_1 : i32
    %add3A_3 = arith.constant 0 : i32
    %add3A_4 = arith.addi %mul3A_2, %add3A_3 : i32
    "tpu.region"() ({
      %run_scoped3A_80 = tpu.sem_alloc : memref<!tpu.dma_semaphore, #tpu.memory_space<semaphore_mem>>
      %dma_start3A_81 = arith.constant 0 : i32
      %dma_start3A_82 = tpu.memref_slice %arg11[%add3A_4, %dma_start3A_81] : memref<10240x128xf32, #tpu.memory_space<vmem_shared>> -> memref<128x128xf32, #tpu.memory_space<vmem_shared>>
      tpu.enqueue_dma source(%arg5 : memref<128x128xf32, #tpu.memory_space<hbm>>) target(%dma_start3A_82 : memref<128x128xf32, #tpu.memory_space<vmem_shared>>) target_semaphore(%run_scoped3A_80 : memref<!tpu.dma_semaphore, #tpu.memory_space<semaphore_mem>>)
      %dma_wait3A_83 = arith.constant 0 : i32
      %dma_wait3A_84 = tpu.memref_slice %arg11[%add3A_4, %dma_wait3A_83] : memref<10240x128xf32, #tpu.memory_space<vmem_shared>> -> memref<128x128xf32, #tpu.memory_space<vmem_shared>>
      tpu.wait_dma2 semaphore(%run_scoped3A_80 : memref<!tpu.dma_semaphore, #tpu.memory_space<semaphore_mem>>) src(%arg5 : memref<128x128xf32, #tpu.memory_space<hbm>>) dst(%dma_wait3A_84 : memref<128x128xf32, #tpu.memory_space<vmem_shared>>)
      tpu.yield
    }) : () -> ()
    %add3A_5 = arith.constant 128 : i32
    %add3A_6 = arith.addi %mul3A_2, %add3A_5 : i32
    "tpu.region"() ({
      %run_scoped3A_80 = tpu.sem_alloc : memref<!tpu.dma_semaphore, #tpu.memory_space<semaphore_mem>>
      %dma_start3A_81 = arith.constant 0 : i32
      %dma_start3A_82 = tpu.memref_slice %arg11[%add3A_6, %dma_start3A_81] : memref<10240x128xf32, #tpu.memory_space<vmem_shared>> -> memref<128x128xf32, #tpu.memory_space<vmem_shared>>
      tpu.enqueue_dma source(%arg5 : memref<128x128xf32, #tpu.memory_space<hbm>>) target(%dma_start3A_82 : memref<128x128xf32, #tpu.memory_space<vmem_shared>>) target_semaphore(%run_scoped3A_80 : memref<!tpu.dma_semaphore, #tpu.memory_space<semaphore_mem>>)
      %dma_wait3A_83 = arith.constant 0 : i32
      %dma_wait3A_84 = tpu.memref_slice %arg11[%add3A_6, %dma_wait3A_83] : memref<10240x128xf32, #tpu.memory_space<vmem_shared>> -> memref<128x128xf32, #tpu.memory_space<vmem_shared>>
      tpu.wait_dma2 semaphore(%run_scoped3A_80 : memref<!tpu.dma_semaphore, #tpu.memory_space<semaphore_mem>>) src(%arg5 : memref<128x128xf32, #tpu.memory_space<hbm>>) dst(%dma_wait3A_84 : memref<128x128xf32, #tpu.memory_space<vmem_shared>>)
      tpu.yield
    }) : () -> ()
    %add3A_7 = arith.constant 256 : i32
    %add3A_8 = arith.addi %mul3A_2, %add3A_7 : i32
    "tpu.region"() ({
      %run_scoped3A_80 = tpu.sem_alloc : memref<!tpu.dma_semaphore, #tpu.memory_space<semaphore_mem>>
      %dma_start3A_81 = arith.constant 0 : i32
      %dma_start3A_82 = tpu.memref_slice %arg11[%add3A_8, %dma_start3A_81] : memref<10240x128xf32, #tpu.memory_space<vmem_shared>> -> memref<128x128xf32, #tpu.memory_space<vmem_shared>>
      tpu.enqueue_dma source(%arg5 : memref<128x128xf32, #tpu.memory_space<hbm>>) target(%dma_start3A_82 : memref<128x128xf32, #tpu.memory_space<vmem_shared>>) target_semaphore(%run_scoped3A_80 : memref<!tpu.dma_semaphore, #tpu.memory_space<semaphore_mem>>)
      %dma_wait3A_83 = arith.constant 0 : i32
      %dma_wait3A_84 = tpu.memref_slice %arg11[%add3A_8, %dma_wait3A_83] : memref<10240x128xf32, #tpu.memory_space<vmem_shared>> -> memref<128x128xf32, #tpu.memory_space<vmem_shared>>
      tpu.wait_dma2 semaphore(%run_scoped3A_80 : memref<!tpu.dma_semaphore, #tpu.memory_space<semaphore_mem>>) src(%arg5 : memref<128x128xf32, #tpu.memory_space<hbm>>) dst(%dma_wait3A_84 : memref<128x128xf32, #tpu.memory_space<vmem_shared>>)
      tpu.yield
    }) : () -> ()
    %add3A_9 = arith.constant 384 : i32
    %add3A_10 = arith.addi %mul3A_2, %add3A_9 : i32
    "tpu.region"() ({
      %run_scoped3A_80 = tpu.sem_alloc : memref<!tpu.dma_semaphore, #tpu.memory_space<semaphore_mem>>
      %dma_start3A_81 = arith.constant 0 : i32
      %dma_start3A_82 = tpu.memref_slice %arg11[%add3A_10, %dma_start3A_81] : memref<10240x128xf32, #tpu.memory_space<vmem_shared>> -> memref<128x128xf32, #tpu.memory_space<vmem_shared>>
      tpu.enqueue_dma source(%arg5 : memref<128x128xf32, #tpu.memory_space<hbm>>) target(%dma_start3A_82 : memref<128x128xf32, #tpu.memory_space<vmem_shared>>) target_semaphore(%run_scoped3A_80 : memref<!tpu.dma_semaphore, #tpu.memory_space<semaphore_mem>>)
      %dma_wait3A_83 = arith.constant 0 : i32
      %dma_wait3A_84 = tpu.memref_slice %arg11[%add3A_10, %dma_wait3A_83] : memref<10240x128xf32, #tpu.memory_space<vmem_shared>> -> memref<128x128xf32, #tpu.memory_space<vmem_shared>>
      tpu.wait_dma2 semaphore(%run_scoped3A_80 : memref<!tpu.dma_semaphore, #tpu.memory_space<semaphore_mem>>) src(%arg5 : memref<128x128xf32, #tpu.memory_space<hbm>>) dst(%dma_wait3A_84 : memref<128x128xf32, #tpu.memory_space<vmem_shared>>)
      tpu.yield
    }) : () -> ()
    %add3A_11 = arith.constant 512 : i32
    %add3A_12 = arith.addi %mul3A_2, %add3A_11 : i32
    "tpu.region"() ({
      %run_scoped3A_80 = tpu.sem_alloc : memref<!tpu.dma_semaphore, #tpu.memory_space<semaphore_mem>>
      %dma_start3A_81 = arith.constant 0 : i32
      %dma_start3A_82 = tpu.memref_slice %arg11[%add3A_12, %dma_start3A_81] : memref<10240x128xf32, #tpu.memory_space<vmem_shared>> -> memref<128x128xf32, #tpu.memory_space<vmem_shared>>
      tpu.enqueue_dma source(%arg5 : memref<128x128xf32, #tpu.memory_space<hbm>>) target(%dma_start3A_82 : memref<128x128xf32, #tpu.memory_space<vmem_shared>>) target_semaphore(%run_scoped3A_80 : memref<!tpu.dma_semaphore, #tpu.memory_space<semaphore_mem>>)
      %dma_wait3A_83 = arith.constant 0 : i32
      %dma_wait3A_84 = tpu.memref_slice %arg11[%add3A_12, %dma_wait3A_83] : memref<10240x128xf32, #tpu.memory_space<vmem_shared>> -> memref<128x128xf32, #tpu.memory_space<vmem_shared>>
      tpu.wait_dma2 semaphore(%run_scoped3A_80 : memref<!tpu.dma_semaphore, #tpu.memory_space<semaphore_mem>>) src(%arg5 : memref<128x128xf32, #tpu.memory_space<hbm>>) dst(%dma_wait3A_84 : memref<128x128xf32, #tpu.memory_space<vmem_shared>>)
      tpu.yield
    }) : () -> ()
    %barrier3A = arith.constant 0 : index
    tpu.barrier barrier_id(%barrier3A)
    "tpu.region"() ({
      %run_scoped3A_80 = tpu.sem_alloc : memref<!tpu.dma_semaphore, #tpu.memory_space<semaphore_mem>>
      %dma_start3A_81 = arith.constant 0 : i32
      %dma_start3A_82 = arith.constant 0 : i32
      %dma_start3A_83 = tpu.memref_slice %arg2[%add3A, %dma_start3A_81, %dma_start3A_82] : memref<32x80x128xi32, #tpu.memory_space<hbm>> -> memref<1x40x128xi32, #tpu.memory_space<hbm>>
      %dma_start3A_84 = tpu.memref_squeeze %dma_start3A_83 : memref<1x40x128xi32, #tpu.memory_space<hbm>> -> memref<40x128xi32, #tpu.memory_space<hbm>>
      %dma_start3A_85 = arith.constant 0 : i32
      %dma_start3A_86 = arith.constant 0 : i32
      %dma_start3A_87 = tpu.memref_slice %arg2[%add3A, %dma_start3A_85, %dma_start3A_86] : memref<32x80x128xi32, #tpu.memory_space<hbm>> -> memref<1x40x128xi32, #tpu.memory_space<hbm>>
      %dma_start3A_88 = tpu.memref_squeeze %dma_start3A_87 : memref<1x40x128xi32, #tpu.memory_space<hbm>> -> memref<40x128xi32, #tpu.memory_space<hbm>>
      tpu.enqueue_dma source(%dma_start3A_88 : memref<40x128xi32, #tpu.memory_space<hbm>>) target(%arg7 : memref<40x128xi32, #tpu.memory_space<vmem>>) target_semaphore(%run_scoped3A_80 : memref<!tpu.dma_semaphore, #tpu.memory_space<semaphore_mem>>)
      %dma_wait3A_89 = arith.constant 0 : i32
      %dma_wait3A_90 = arith.constant 0 : i32
      %dma_wait3A_91 = tpu.memref_slice %arg2[%add3A, %dma_wait3A_89, %dma_wait3A_90] : memref<32x80x128xi32, #tpu.memory_space<hbm>> -> memref<1x40x128xi32, #tpu.memory_space<hbm>>
      %dma_wait3A_92 = tpu.memref_squeeze %dma_wait3A_91 : memref<1x40x128xi32, #tpu.memory_space<hbm>> -> memref<40x128xi32, #tpu.memory_space<hbm>>
      %dma_wait3A_93 = arith.constant 0 : i32
      %dma_wait3A_94 = arith.constant 0 : i32
      %dma_wait3A_95 = tpu.memref_slice %arg2[%add3A, %dma_wait3A_93, %dma_wait3A_94] : memref<32x80x128xi32, #tpu.memory_space<hbm>> -> memref<1x40x128xi32, #tpu.memory_space<hbm>>
      %dma_wait3A_96 = tpu.memref_squeeze %dma_wait3A_95 : memref<1x40x128xi32, #tpu.memory_space<hbm>> -> memref<40x128xi32, #tpu.memory_space<hbm>>
      tpu.wait_dma2 semaphore(%run_scoped3A_80 : memref<!tpu.dma_semaphore, #tpu.memory_space<semaphore_mem>>) src(%dma_wait3A_96 : memref<40x128xi32, #tpu.memory_space<hbm>>) dst(%arg7 : memref<40x128xi32, #tpu.memory_space<vmem>>)
      tpu.yield
    }) : () -> ()
    "tpu.region"() ({
      %run_scoped3A_80 = tpu.sem_alloc : memref<!tpu.dma_semaphore, #tpu.memory_space<semaphore_mem>>
      %dma_start3A_81 = arith.constant 0 : i32
      %dma_start3A_82 = arith.constant 0 : i32
      %dma_start3A_83 = tpu.memref_slice %arg3[%add3A, %dma_start3A_81, %dma_start3A_82] : memref<32x80x128xi32, #tpu.memory_space<hbm>> -> memref<1x40x128xi32, #tpu.memory_space<hbm>>
      %dma_start3A_84 = tpu.memref_squeeze %dma_start3A_83 : memref<1x40x128xi32, #tpu.memory_space<hbm>> -> memref<40x128xi32, #tpu.memory_space<hbm>>
      %dma_start3A_85 = arith.constant 0 : i32
      %dma_start3A_86 = arith.constant 0 : i32
      %dma_start3A_87 = tpu.memref_slice %arg3[%add3A, %dma_start3A_85, %dma_start3A_86] : memref<32x80x128xi32, #tpu.memory_space<hbm>> -> memref<1x40x128xi32, #tpu.memory_space<hbm>>
      %dma_start3A_88 = tpu.memref_squeeze %dma_start3A_87 : memref<1x40x128xi32, #tpu.memory_space<hbm>> -> memref<40x128xi32, #tpu.memory_space<hbm>>
      tpu.enqueue_dma source(%dma_start3A_88 : memref<40x128xi32, #tpu.memory_space<hbm>>) target(%arg8 : memref<40x128xi32, #tpu.memory_space<vmem>>) target_semaphore(%run_scoped3A_80 : memref<!tpu.dma_semaphore, #tpu.memory_space<semaphore_mem>>)
      %dma_wait3A_89 = arith.constant 0 : i32
      %dma_wait3A_90 = arith.constant 0 : i32
      %dma_wait3A_91 = tpu.memref_slice %arg3[%add3A, %dma_wait3A_89, %dma_wait3A_90] : memref<32x80x128xi32, #tpu.memory_space<hbm>> -> memref<1x40x128xi32, #tpu.memory_space<hbm>>
      %dma_wait3A_92 = tpu.memref_squeeze %dma_wait3A_91 : memref<1x40x128xi32, #tpu.memory_space<hbm>> -> memref<40x128xi32, #tpu.memory_space<hbm>>
      %dma_wait3A_93 = arith.constant 0 : i32
      %dma_wait3A_94 = arith.constant 0 : i32
      %dma_wait3A_95 = tpu.memref_slice %arg3[%add3A, %dma_wait3A_93, %dma_wait3A_94] : memref<32x80x128xi32, #tpu.memory_space<hbm>> -> memref<1x40x128xi32, #tpu.memory_space<hbm>>
      %dma_wait3A_96 = tpu.memref_squeeze %dma_wait3A_95 : memref<1x40x128xi32, #tpu.memory_space<hbm>> -> memref<40x128xi32, #tpu.memory_space<hbm>>
      tpu.wait_dma2 semaphore(%run_scoped3A_80 : memref<!tpu.dma_semaphore, #tpu.memory_space<semaphore_mem>>) src(%dma_wait3A_96 : memref<40x128xi32, #tpu.memory_space<hbm>>) dst(%arg8 : memref<40x128xi32, #tpu.memory_space<vmem>>)
      tpu.yield
    }) : () -> ()
    %dma_start3A = arith.constant 0 : i32
    %dma_start3A_13 = arith.constant 0 : i32
    %dma_start3A_14 = tpu.memref_slice %arg7[%dma_start3A, %dma_start3A_13] : memref<40x128xi32, #tpu.memory_space<vmem>> -> memref<1x128xi32, #tpu.memory_space<vmem>>
    %dma_start3A_15 = tpu.memref_squeeze %dma_start3A_14 : memref<1x128xi32, #tpu.memory_space<vmem>> -> memref<128xi32, #tpu.memory_space<vmem>>
    %dma_start3A_16 = arith.constant 0 : i32
    %dma_start3A_17 = arith.constant 0 : i32
    %dma_start3A_18 = tpu.memref_slice %arg4[%dma_start3A_16, %dma_start3A_17] : memref<10000x128xf32, #tpu.memory_space<hbm>> -> memref<10000x128xf32, #tpu.memory_space<hbm>>
    tpu.enqueue_indirect_dma source(%dma_start3A_18 : memref<10000x128xf32, #tpu.memory_space<hbm>>) target(%arg9 : memref<128x128xf32, #tpu.memory_space<vmem>>) offsets(%dma_start3A_15 : memref<128xi32, #tpu.memory_space<vmem>>) semaphore(%arg12 : memref<!tpu.dma_semaphore, #tpu.memory_space<semaphore_mem>>)
    %scan3A = arith.constant 0 : i32
    %scan3A_19 = arith.constant 19 : i32
    %scan3A_20 = arith.addi %scan3A, %scan3A_19 : i32
    %scan3A_21 = arith.constant 1 : i32
    scf.for %scan3A_80 = %scan3A to %scan3A_20 step %scan3A_21  : i32 {
      %mul3A_81 = arith.constant 1 : i32
      %mul3A_82 = arith.muli %scan3A_80, %mul3A_81 : i32
      %add3A_83 = arith.constant 0 : i32
      %add3A_84 = arith.addi %add3A_83, %mul3A_82 : i32
      %mul3A_85 = arith.constant 2 : i32
      %mul3A_86 = arith.muli %mul3A_85, %add3A_84 : i32
      %add3A_87 = arith.constant 1 : i32
      %add3A_88 = arith.addi %mul3A_86, %add3A_87 : i32
      %dma_start3A_89 = arith.constant 0 : i32
      %dma_start3A_90 = tpu.memref_slice %arg7[%add3A_88, %dma_start3A_89] : memref<40x128xi32, #tpu.memory_space<vmem>> -> memref<1x128xi32, #tpu.memory_space<vmem>>
      %dma_start3A_91 = tpu.memref_squeeze %dma_start3A_90 : memref<1x128xi32, #tpu.memory_space<vmem>> -> memref<128xi32, #tpu.memory_space<vmem>>
      %dma_start3A_92 = arith.constant 0 : i32
      %dma_start3A_93 = arith.constant 0 : i32
      %dma_start3A_94 = tpu.memref_slice %arg4[%dma_start3A_92, %dma_start3A_93] : memref<10000x128xf32, #tpu.memory_space<hbm>> -> memref<10000x128xf32, #tpu.memory_space<hbm>>
      tpu.enqueue_indirect_dma source(%dma_start3A_94 : memref<10000x128xf32, #tpu.memory_space<hbm>>) target(%arg10 : memref<128x128xf32, #tpu.memory_space<vmem>>) offsets(%dma_start3A_91 : memref<128xi32, #tpu.memory_space<vmem>>) semaphore(%arg13 : memref<!tpu.dma_semaphore, #tpu.memory_space<semaphore_mem>>)
      %dma_wait3A_95 = arith.constant 0 : i32
      %dma_wait3A_96 = tpu.memref_slice %arg7[%mul3A_86, %dma_wait3A_95] : memref<40x128xi32, #tpu.memory_space<vmem>> -> memref<1x128xi32, #tpu.memory_space<vmem>>
      %dma_wait3A_97 = tpu.memref_squeeze %dma_wait3A_96 : memref<1x128xi32, #tpu.memory_space<vmem>> -> memref<128xi32, #tpu.memory_space<vmem>>
      %dma_wait3A_98 = arith.constant 0 : i32
      %dma_wait3A_99 = arith.constant 0 : i32
      %dma_wait3A_100 = tpu.memref_slice %arg4[%dma_wait3A_98, %dma_wait3A_99] : memref<10000x128xf32, #tpu.memory_space<hbm>> -> memref<10000x128xf32, #tpu.memory_space<hbm>>
      tpu.wait_indirect_dma semaphore(%arg12 : memref<!tpu.dma_semaphore, #tpu.memory_space<semaphore_mem>>) src(%dma_wait3A_100 : memref<10000x128xf32, #tpu.memory_space<hbm>>) dst(%arg9 : memref<128x128xf32, #tpu.memory_space<vmem>>)
      "tpu.region"() ({
        %run_scoped3A_119 = tpu.sem_alloc : memref<!tpu.dma_semaphore, #tpu.memory_space<semaphore_mem>>
        %dma_start3A_120 = arith.constant 0 : i32
        %dma_start3A_121 = tpu.memref_slice %arg8[%mul3A_86, %dma_start3A_120] : memref<40x128xi32, #tpu.memory_space<vmem>> -> memref<1x128xi32, #tpu.memory_space<vmem>>
        %dma_start3A_122 = tpu.memref_squeeze %dma_start3A_121 : memref<1x128xi32, #tpu.memory_space<vmem>> -> memref<128xi32, #tpu.memory_space<vmem>>
        %dma_start3A_123 = arith.constant 0 : i32
        %dma_start3A_124 = arith.constant 0 : i32
        %dma_start3A_125 = tpu.memref_slice %arg11[%dma_start3A_123, %dma_start3A_124] : memref<10240x128xf32, #tpu.memory_space<vmem_shared>> -> memref<10240x128xf32, #tpu.memory_space<vmem_shared>>
        tpu.enqueue_indirect_dma source(%arg9 : memref<128x128xf32, #tpu.memory_space<vmem>>) target(%dma_start3A_125 : memref<10240x128xf32, #tpu.memory_space<vmem_shared>>) offsets(%dma_start3A_122 : memref<128xi32, #tpu.memory_space<vmem>>) semaphore(%run_scoped3A_119 : memref<!tpu.dma_semaphore, #tpu.memory_space<semaphore_mem>>) {add = true}
        %dma_wait3A_126 = arith.constant 0 : i32
        %dma_wait3A_127 = tpu.memref_slice %arg8[%mul3A_86, %dma_wait3A_126] : memref<40x128xi32, #tpu.memory_space<vmem>> -> memref<1x128xi32, #tpu.memory_space<vmem>>
        %dma_wait3A_128 = tpu.memref_squeeze %dma_wait3A_127 : memref<1x128xi32, #tpu.memory_space<vmem>> -> memref<128xi32, #tpu.memory_space<vmem>>
        %dma_wait3A_129 = arith.constant 0 : i32
        %dma_wait3A_130 = arith.constant 0 : i32
        %dma_wait3A_131 = tpu.memref_slice %arg11[%dma_wait3A_129, %dma_wait3A_130] : memref<10240x128xf32, #tpu.memory_space<vmem_shared>> -> memref<10240x128xf32, #tpu.memory_space<vmem_shared>>
        tpu.wait_indirect_dma semaphore(%run_scoped3A_119 : memref<!tpu.dma_semaphore, #tpu.memory_space<semaphore_mem>>) src(%arg9 : memref<128x128xf32, #tpu.memory_space<vmem>>) dst(%dma_wait3A_131 : memref<10240x128xf32, #tpu.memory_space<vmem_shared>>)
        tpu.yield
      }) : () -> ()
      %add3A_101 = arith.constant 2 : i32
      %add3A_102 = arith.addi %mul3A_86, %add3A_101 : i32
      %dma_start3A_103 = arith.constant 0 : i32
      %dma_start3A_104 = tpu.memref_slice %arg7[%add3A_102, %dma_start3A_103] : memref<40x128xi32, #tpu.memory_space<vmem>> -> memref<1x128xi32, #tpu.memory_space<vmem>>
      %dma_start3A_105 = tpu.memref_squeeze %dma_start3A_104 : memref<1x128xi32, #tpu.memory_space<vmem>> -> memref<128xi32, #tpu.memory_space<vmem>>
      %dma_start3A_106 = arith.constant 0 : i32
      %dma_start3A_107 = arith.constant 0 : i32
      %dma_start3A_108 = tpu.memref_slice %arg4[%dma_start3A_106, %dma_start3A_107] : memref<10000x128xf32, #tpu.memory_space<hbm>> -> memref<10000x128xf32, #tpu.memory_space<hbm>>
      tpu.enqueue_indirect_dma source(%dma_start3A_108 : memref<10000x128xf32, #tpu.memory_space<hbm>>) target(%arg9 : memref<128x128xf32, #tpu.memory_space<vmem>>) offsets(%dma_start3A_105 : memref<128xi32, #tpu.memory_space<vmem>>) semaphore(%arg12 : memref<!tpu.dma_semaphore, #tpu.memory_space<semaphore_mem>>)
      %add3A_109 = arith.constant 1 : i32
      %add3A_110 = arith.addi %mul3A_86, %add3A_109 : i32
      %dma_wait3A_111 = arith.constant 0 : i32
      %dma_wait3A_112 = tpu.memref_slice %arg7[%add3A_110, %dma_wait3A_111] : memref<40x128xi32, #tpu.memory_space<vmem>> -> memref<1x128xi32, #tpu.memory_space<vmem>>
      %dma_wait3A_113 = tpu.memref_squeeze %dma_wait3A_112 : memref<1x128xi32, #tpu.memory_space<vmem>> -> memref<128xi32, #tpu.memory_space<vmem>>
      %dma_wait3A_114 = arith.constant 0 : i32
      %dma_wait3A_115 = arith.constant 0 : i32
      %dma_wait3A_116 = tpu.memref_slice %arg4[%dma_wait3A_114, %dma_wait3A_115] : memref<10000x128xf32, #tpu.memory_space<hbm>> -> memref<10000x128xf32, #tpu.memory_space<hbm>>
      tpu.wait_indirect_dma semaphore(%arg13 : memref<!tpu.dma_semaphore, #tpu.memory_space<semaphore_mem>>) src(%dma_wait3A_116 : memref<10000x128xf32, #tpu.memory_space<hbm>>) dst(%arg10 : memref<128x128xf32, #tpu.memory_space<vmem>>)
      %add3A_117 = arith.constant 1 : i32
      %add3A_118 = arith.addi %mul3A_86, %add3A_117 : i32
      "tpu.region"() ({
        %run_scoped3A_119 = tpu.sem_alloc : memref<!tpu.dma_semaphore, #tpu.memory_space<semaphore_mem>>
        %dma_start3A_120 = arith.constant 0 : i32
        %dma_start3A_121 = tpu.memref_slice %arg8[%add3A_118, %dma_start3A_120] : memref<40x128xi32, #tpu.memory_space<vmem>> -> memref<1x128xi32, #tpu.memory_space<vmem>>
        %dma_start3A_122 = tpu.memref_squeeze %dma_start3A_121 : memref<1x128xi32, #tpu.memory_space<vmem>> -> memref<128xi32, #tpu.memory_space<vmem>>
        %dma_start3A_123 = arith.constant 0 : i32
        %dma_start3A_124 = arith.constant 0 : i32
        %dma_start3A_125 = tpu.memref_slice %arg11[%dma_start3A_123, %dma_start3A_124] : memref<10240x128xf32, #tpu.memory_space<vmem_shared>> -> memref<10240x128xf32, #tpu.memory_space<vmem_shared>>
        tpu.enqueue_indirect_dma source(%arg10 : memref<128x128xf32, #tpu.memory_space<vmem>>) target(%dma_start3A_125 : memref<10240x128xf32, #tpu.memory_space<vmem_shared>>) offsets(%dma_start3A_122 : memref<128xi32, #tpu.memory_space<vmem>>) semaphore(%run_scoped3A_119 : memref<!tpu.dma_semaphore, #tpu.memory_space<semaphore_mem>>) {add = true}
        %dma_wait3A_126 = arith.constant 0 : i32
        %dma_wait3A_127 = tpu.memref_slice %arg8[%add3A_118, %dma_wait3A_126] : memref<40x128xi32, #tpu.memory_space<vmem>> -> memref<1x128xi32, #tpu.memory_space<vmem>>
        %dma_wait3A_128 = tpu.memref_squeeze %dma_wait3A_127 : memref<1x128xi32, #tpu.memory_space<vmem>> -> memref<128xi32, #tpu.memory_space<vmem>>
        %dma_wait3A_129 = arith.constant 0 : i32
        %dma_wait3A_130 = arith.constant 0 : i32
        %dma_wait3A_131 = tpu.memref_slice %arg11[%dma_wait3A_129, %dma_wait3A_130] : memref<10240x128xf32, #tpu.memory_space<vmem_shared>> -> memref<10240x128xf32, #tpu.memory_space<vmem_shared>>
        tpu.wait_indirect_dma semaphore(%run_scoped3A_119 : memref<!tpu.dma_semaphore, #tpu.memory_space<semaphore_mem>>) src(%arg10 : memref<128x128xf32, #tpu.memory_space<vmem>>) dst(%dma_wait3A_131 : memref<10240x128xf32, #tpu.memory_space<vmem_shared>>)
        tpu.yield
      }) : () -> ()
    }
    %scan3A_22 = arith.constant 19 : i32
    %dma_start3A_23 = arith.constant 39 : i32
    %dma_start3A_24 = arith.constant 0 : i32
    %dma_start3A_25 = tpu.memref_slice %arg7[%dma_start3A_23, %dma_start3A_24] : memref<40x128xi32, #tpu.memory_space<vmem>> -> memref<1x128xi32, #tpu.memory_space<vmem>>
    %dma_start3A_26 = tpu.memref_squeeze %dma_start3A_25 : memref<1x128xi32, #tpu.memory_space<vmem>> -> memref<128xi32, #tpu.memory_space<vmem>>
    %dma_start3A_27 = arith.constant 0 : i32
    %dma_start3A_28 = arith.constant 0 : i32
    %dma_start3A_29 = tpu.memref_slice %arg4[%dma_start3A_27, %dma_start3A_28] : memref<10000x128xf32, #tpu.memory_space<hbm>> -> memref<10000x128xf32, #tpu.memory_space<hbm>>
    tpu.enqueue_indirect_dma source(%dma_start3A_29 : memref<10000x128xf32, #tpu.memory_space<hbm>>) target(%arg10 : memref<128x128xf32, #tpu.memory_space<vmem>>) offsets(%dma_start3A_26 : memref<128xi32, #tpu.memory_space<vmem>>) semaphore(%arg13 : memref<!tpu.dma_semaphore, #tpu.memory_space<semaphore_mem>>)
    %dma_wait3A = arith.constant 38 : i32
    %dma_wait3A_30 = arith.constant 0 : i32
    %dma_wait3A_31 = tpu.memref_slice %arg7[%dma_wait3A, %dma_wait3A_30] : memref<40x128xi32, #tpu.memory_space<vmem>> -> memref<1x128xi32, #tpu.memory_space<vmem>>
    %dma_wait3A_32 = tpu.memref_squeeze %dma_wait3A_31 : memref<1x128xi32, #tpu.memory_space<vmem>> -> memref<128xi32, #tpu.memory_space<vmem>>
    %dma_wait3A_33 = arith.constant 0 : i32
    %dma_wait3A_34 = arith.constant 0 : i32
    %dma_wait3A_35 = tpu.memref_slice %arg4[%dma_wait3A_33, %dma_wait3A_34] : memref<10000x128xf32, #tpu.memory_space<hbm>> -> memref<10000x128xf32, #tpu.memory_space<hbm>>
    tpu.wait_indirect_dma semaphore(%arg12 : memref<!tpu.dma_semaphore, #tpu.memory_space<semaphore_mem>>) src(%dma_wait3A_35 : memref<10000x128xf32, #tpu.memory_space<hbm>>) dst(%arg9 : memref<128x128xf32, #tpu.memory_space<vmem>>)
    %run_scoped3A = arith.constant 38 : i32
    "tpu.region"() ({
      %run_scoped3A_80 = tpu.sem_alloc : memref<!tpu.dma_semaphore, #tpu.memory_space<semaphore_mem>>
      %dma_start3A_81 = arith.constant 0 : i32
      %dma_start3A_82 = tpu.memref_slice %arg8[%run_scoped3A, %dma_start3A_81] : memref<40x128xi32, #tpu.memory_space<vmem>> -> memref<1x128xi32, #tpu.memory_space<vmem>>
      %dma_start3A_83 = tpu.memref_squeeze %dma_start3A_82 : memref<1x128xi32, #tpu.memory_space<vmem>> -> memref<128xi32, #tpu.memory_space<vmem>>
      %dma_start3A_84 = arith.constant 0 : i32
      %dma_start3A_85 = arith.constant 0 : i32
      %dma_start3A_86 = tpu.memref_slice %arg11[%dma_start3A_84, %dma_start3A_85] : memref<10240x128xf32, #tpu.memory_space<vmem_shared>> -> memref<10240x128xf32, #tpu.memory_space<vmem_shared>>
      tpu.enqueue_indirect_dma source(%arg9 : memref<128x128xf32, #tpu.memory_space<vmem>>) target(%dma_start3A_86 : memref<10240x128xf32, #tpu.memory_space<vmem_shared>>) offsets(%dma_start3A_83 : memref<128xi32, #tpu.memory_space<vmem>>) semaphore(%run_scoped3A_80 : memref<!tpu.dma_semaphore, #tpu.memory_space<semaphore_mem>>) {add = true}
      %dma_wait3A_87 = arith.constant 0 : i32
      %dma_wait3A_88 = tpu.memref_slice %arg8[%run_scoped3A, %dma_wait3A_87] : memref<40x128xi32, #tpu.memory_space<vmem>> -> memref<1x128xi32, #tpu.memory_space<vmem>>
      %dma_wait3A_89 = tpu.memref_squeeze %dma_wait3A_88 : memref<1x128xi32, #tpu.memory_space<vmem>> -> memref<128xi32, #tpu.memory_space<vmem>>
      %dma_wait3A_90 = arith.constant 0 : i32
      %dma_wait3A_91 = arith.constant 0 : i32
      %dma_wait3A_92 = tpu.memref_slice %arg11[%dma_wait3A_90, %dma_wait3A_91] : memref<10240x128xf32, #tpu.memory_space<vmem_shared>> -> memref<10240x128xf32, #tpu.memory_space<vmem_shared>>
      tpu.wait_indirect_dma semaphore(%run_scoped3A_80 : memref<!tpu.dma_semaphore, #tpu.memory_space<semaphore_mem>>) src(%arg9 : memref<128x128xf32, #tpu.memory_space<vmem>>) dst(%dma_wait3A_92 : memref<10240x128xf32, #tpu.memory_space<vmem_shared>>)
      tpu.yield
    }) : () -> ()
    %dma_wait3A_36 = arith.constant 39 : i32
    %dma_wait3A_37 = arith.constant 0 : i32
    %dma_wait3A_38 = tpu.memref_slice %arg7[%dma_wait3A_36, %dma_wait3A_37] : memref<40x128xi32, #tpu.memory_space<vmem>> -> memref<1x128xi32, #tpu.memory_space<vmem>>
    %dma_wait3A_39 = tpu.memref_squeeze %dma_wait3A_38 : memref<1x128xi32, #tpu.memory_space<vmem>> -> memref<128xi32, #tpu.memory_space<vmem>>
    %dma_wait3A_40 = arith.constant 0 : i32
    %dma_wait3A_41 = arith.constant 0 : i32
    %dma_wait3A_42 = tpu.memref_slice %arg4[%dma_wait3A_40, %dma_wait3A_41] : memref<10000x128xf32, #tpu.memory_space<hbm>> -> memref<10000x128xf32, #tpu.memory_space<hbm>>
    tpu.wait_indirect_dma semaphore(%arg13 : memref<!tpu.dma_semaphore, #tpu.memory_space<semaphore_mem>>) src(%dma_wait3A_42 : memref<10000x128xf32, #tpu.memory_space<hbm>>) dst(%arg10 : memref<128x128xf32, #tpu.memory_space<vmem>>)
    %run_scoped3A_43 = arith.constant 39 : i32
    "tpu.region"() ({
      %run_scoped3A_80 = tpu.sem_alloc : memref<!tpu.dma_semaphore, #tpu.memory_space<semaphore_mem>>
      %dma_start3A_81 = arith.constant 0 : i32
      %dma_start3A_82 = tpu.memref_slice %arg8[%run_scoped3A_43, %dma_start3A_81] : memref<40x128xi32, #tpu.memory_space<vmem>> -> memref<1x128xi32, #tpu.memory_space<vmem>>
      %dma_start3A_83 = tpu.memref_squeeze %dma_start3A_82 : memref<1x128xi32, #tpu.memory_space<vmem>> -> memref<128xi32, #tpu.memory_space<vmem>>
      %dma_start3A_84 = arith.constant 0 : i32
      %dma_start3A_85 = arith.constant 0 : i32
      %dma_start3A_86 = tpu.memref_slice %arg11[%dma_start3A_84, %dma_start3A_85] : memref<10240x128xf32, #tpu.memory_space<vmem_shared>> -> memref<10240x128xf32, #tpu.memory_space<vmem_shared>>
      tpu.enqueue_indirect_dma source(%arg10 : memref<128x128xf32, #tpu.memory_space<vmem>>) target(%dma_start3A_86 : memref<10240x128xf32, #tpu.memory_space<vmem_shared>>) offsets(%dma_start3A_83 : memref<128xi32, #tpu.memory_space<vmem>>) semaphore(%run_scoped3A_80 : memref<!tpu.dma_semaphore, #tpu.memory_space<semaphore_mem>>) {add = true}
      %dma_wait3A_87 = arith.constant 0 : i32
      %dma_wait3A_88 = tpu.memref_slice %arg8[%run_scoped3A_43, %dma_wait3A_87] : memref<40x128xi32, #tpu.memory_space<vmem>> -> memref<1x128xi32, #tpu.memory_space<vmem>>
      %dma_wait3A_89 = tpu.memref_squeeze %dma_wait3A_88 : memref<1x128xi32, #tpu.memory_space<vmem>> -> memref<128xi32, #tpu.memory_space<vmem>>
      %dma_wait3A_90 = arith.constant 0 : i32
      %dma_wait3A_91 = arith.constant 0 : i32
      %dma_wait3A_92 = tpu.memref_slice %arg11[%dma_wait3A_90, %dma_wait3A_91] : memref<10240x128xf32, #tpu.memory_space<vmem_shared>> -> memref<10240x128xf32, #tpu.memory_space<vmem_shared>>
      tpu.wait_indirect_dma semaphore(%run_scoped3A_80 : memref<!tpu.dma_semaphore, #tpu.memory_space<semaphore_mem>>) src(%arg10 : memref<128x128xf32, #tpu.memory_space<vmem>>) dst(%dma_wait3A_92 : memref<10240x128xf32, #tpu.memory_space<vmem_shared>>)
      tpu.yield
    }) : () -> ()
    "tpu.region"() ({
      %run_scoped3A_80 = tpu.sem_alloc : memref<!tpu.dma_semaphore, #tpu.memory_space<semaphore_mem>>
      %dma_start3A_81 = arith.constant 40 : i32
      %dma_start3A_82 = arith.constant 0 : i32
      %dma_start3A_83 = tpu.memref_slice %arg2[%add3A, %dma_start3A_81, %dma_start3A_82] : memref<32x80x128xi32, #tpu.memory_space<hbm>> -> memref<1x40x128xi32, #tpu.memory_space<hbm>>
      %dma_start3A_84 = tpu.memref_squeeze %dma_start3A_83 : memref<1x40x128xi32, #tpu.memory_space<hbm>> -> memref<40x128xi32, #tpu.memory_space<hbm>>
      %dma_start3A_85 = arith.constant 40 : i32
      %dma_start3A_86 = arith.constant 0 : i32
      %dma_start3A_87 = tpu.memref_slice %arg2[%add3A, %dma_start3A_85, %dma_start3A_86] : memref<32x80x128xi32, #tpu.memory_space<hbm>> -> memref<1x40x128xi32, #tpu.memory_space<hbm>>
      %dma_start3A_88 = tpu.memref_squeeze %dma_start3A_87 : memref<1x40x128xi32, #tpu.memory_space<hbm>> -> memref<40x128xi32, #tpu.memory_space<hbm>>
      tpu.enqueue_dma source(%dma_start3A_88 : memref<40x128xi32, #tpu.memory_space<hbm>>) target(%arg7 : memref<40x128xi32, #tpu.memory_space<vmem>>) target_semaphore(%run_scoped3A_80 : memref<!tpu.dma_semaphore, #tpu.memory_space<semaphore_mem>>)
      %dma_wait3A_89 = arith.constant 40 : i32
      %dma_wait3A_90 = arith.constant 0 : i32
      %dma_wait3A_91 = tpu.memref_slice %arg2[%add3A, %dma_wait3A_89, %dma_wait3A_90] : memref<32x80x128xi32, #tpu.memory_space<hbm>> -> memref<1x40x128xi32, #tpu.memory_space<hbm>>
      %dma_wait3A_92 = tpu.memref_squeeze %dma_wait3A_91 : memref<1x40x128xi32, #tpu.memory_space<hbm>> -> memref<40x128xi32, #tpu.memory_space<hbm>>
      %dma_wait3A_93 = arith.constant 40 : i32
      %dma_wait3A_94 = arith.constant 0 : i32
      %dma_wait3A_95 = tpu.memref_slice %arg2[%add3A, %dma_wait3A_93, %dma_wait3A_94] : memref<32x80x128xi32, #tpu.memory_space<hbm>> -> memref<1x40x128xi32, #tpu.memory_space<hbm>>
      %dma_wait3A_96 = tpu.memref_squeeze %dma_wait3A_95 : memref<1x40x128xi32, #tpu.memory_space<hbm>> -> memref<40x128xi32, #tpu.memory_space<hbm>>
      tpu.wait_dma2 semaphore(%run_scoped3A_80 : memref<!tpu.dma_semaphore, #tpu.memory_space<semaphore_mem>>) src(%dma_wait3A_96 : memref<40x128xi32, #tpu.memory_space<hbm>>) dst(%arg7 : memref<40x128xi32, #tpu.memory_space<vmem>>)
      tpu.yield
    }) : () -> ()
    "tpu.region"() ({
      %run_scoped3A_80 = tpu.sem_alloc : memref<!tpu.dma_semaphore, #tpu.memory_space<semaphore_mem>>
      %dma_start3A_81 = arith.constant 40 : i32
      %dma_start3A_82 = arith.constant 0 : i32
      %dma_start3A_83 = tpu.memref_slice %arg3[%add3A, %dma_start3A_81, %dma_start3A_82] : memref<32x80x128xi32, #tpu.memory_space<hbm>> -> memref<1x40x128xi32, #tpu.memory_space<hbm>>
      %dma_start3A_84 = tpu.memref_squeeze %dma_start3A_83 : memref<1x40x128xi32, #tpu.memory_space<hbm>> -> memref<40x128xi32, #tpu.memory_space<hbm>>
      %dma_start3A_85 = arith.constant 40 : i32
      %dma_start3A_86 = arith.constant 0 : i32
      %dma_start3A_87 = tpu.memref_slice %arg3[%add3A, %dma_start3A_85, %dma_start3A_86] : memref<32x80x128xi32, #tpu.memory_space<hbm>> -> memref<1x40x128xi32, #tpu.memory_space<hbm>>
      %dma_start3A_88 = tpu.memref_squeeze %dma_start3A_87 : memref<1x40x128xi32, #tpu.memory_space<hbm>> -> memref<40x128xi32, #tpu.memory_space<hbm>>
      tpu.enqueue_dma source(%dma_start3A_88 : memref<40x128xi32, #tpu.memory_space<hbm>>) target(%arg8 : memref<40x128xi32, #tpu.memory_space<vmem>>) target_semaphore(%run_scoped3A_80 : memref<!tpu.dma_semaphore, #tpu.memory_space<semaphore_mem>>)
      %dma_wait3A_89 = arith.constant 40 : i32
      %dma_wait3A_90 = arith.constant 0 : i32
      %dma_wait3A_91 = tpu.memref_slice %arg3[%add3A, %dma_wait3A_89, %dma_wait3A_90] : memref<32x80x128xi32, #tpu.memory_space<hbm>> -> memref<1x40x128xi32, #tpu.memory_space<hbm>>
      %dma_wait3A_92 = tpu.memref_squeeze %dma_wait3A_91 : memref<1x40x128xi32, #tpu.memory_space<hbm>> -> memref<40x128xi32, #tpu.memory_space<hbm>>
      %dma_wait3A_93 = arith.constant 40 : i32
      %dma_wait3A_94 = arith.constant 0 : i32
      %dma_wait3A_95 = tpu.memref_slice %arg3[%add3A, %dma_wait3A_93, %dma_wait3A_94] : memref<32x80x128xi32, #tpu.memory_space<hbm>> -> memref<1x40x128xi32, #tpu.memory_space<hbm>>
      %dma_wait3A_96 = tpu.memref_squeeze %dma_wait3A_95 : memref<1x40x128xi32, #tpu.memory_space<hbm>> -> memref<40x128xi32, #tpu.memory_space<hbm>>
      tpu.wait_dma2 semaphore(%run_scoped3A_80 : memref<!tpu.dma_semaphore, #tpu.memory_space<semaphore_mem>>) src(%dma_wait3A_96 : memref<40x128xi32, #tpu.memory_space<hbm>>) dst(%arg8 : memref<40x128xi32, #tpu.memory_space<vmem>>)
      tpu.yield
    }) : () -> ()
    %dma_start3A_44 = arith.constant 0 : i32
    %dma_start3A_45 = arith.constant 0 : i32
    %dma_start3A_46 = tpu.memref_slice %arg7[%dma_start3A_44, %dma_start3A_45] : memref<40x128xi32, #tpu.memory_space<vmem>> -> memref<1x128xi32, #tpu.memory_space<vmem>>
    %dma_start3A_47 = tpu.memref_squeeze %dma_start3A_46 : memref<1x128xi32, #tpu.memory_space<vmem>> -> memref<128xi32, #tpu.memory_space<vmem>>
    %dma_start3A_48 = arith.constant 0 : i32
    %dma_start3A_49 = arith.constant 0 : i32
    %dma_start3A_50 = tpu.memref_slice %arg4[%dma_start3A_48, %dma_start3A_49] : memref<10000x128xf32, #tpu.memory_space<hbm>> -> memref<10000x128xf32, #tpu.memory_space<hbm>>
    tpu.enqueue_indirect_dma source(%dma_start3A_50 : memref<10000x128xf32, #tpu.memory_space<hbm>>) target(%arg9 : memref<128x128xf32, #tpu.memory_space<vmem>>) offsets(%dma_start3A_47 : memref<128xi32, #tpu.memory_space<vmem>>) semaphore(%arg12 : memref<!tpu.dma_semaphore, #tpu.memory_space<semaphore_mem>>)
    %scan3A_51 = arith.constant 0 : i32
    %scan3A_52 = arith.constant 19 : i32
    %scan3A_53 = arith.addi %scan3A_51, %scan3A_52 : i32
    %scan3A_54 = arith.constant 1 : i32
    scf.for %scan3A_80 = %scan3A_51 to %scan3A_53 step %scan3A_54  : i32 {
      %mul3A_81 = arith.constant 1 : i32
      %mul3A_82 = arith.muli %scan3A_80, %mul3A_81 : i32
      %add3A_83 = arith.constant 0 : i32
      %add3A_84 = arith.addi %add3A_83, %mul3A_82 : i32
      %mul3A_85 = arith.constant 2 : i32
      %mul3A_86 = arith.muli %mul3A_85, %add3A_84 : i32
      %add3A_87 = arith.constant 1 : i32
      %add3A_88 = arith.addi %mul3A_86, %add3A_87 : i32
      %dma_start3A_89 = arith.constant 0 : i32
      %dma_start3A_90 = tpu.memref_slice %arg7[%add3A_88, %dma_start3A_89] : memref<40x128xi32, #tpu.memory_space<vmem>> -> memref<1x128xi32, #tpu.memory_space<vmem>>
      %dma_start3A_91 = tpu.memref_squeeze %dma_start3A_90 : memref<1x128xi32, #tpu.memory_space<vmem>> -> memref<128xi32, #tpu.memory_space<vmem>>
      %dma_start3A_92 = arith.constant 0 : i32
      %dma_start3A_93 = arith.constant 0 : i32
      %dma_start3A_94 = tpu.memref_slice %arg4[%dma_start3A_92, %dma_start3A_93] : memref<10000x128xf32, #tpu.memory_space<hbm>> -> memref<10000x128xf32, #tpu.memory_space<hbm>>
      tpu.enqueue_indirect_dma source(%dma_start3A_94 : memref<10000x128xf32, #tpu.memory_space<hbm>>) target(%arg10 : memref<128x128xf32, #tpu.memory_space<vmem>>) offsets(%dma_start3A_91 : memref<128xi32, #tpu.memory_space<vmem>>) semaphore(%arg13 : memref<!tpu.dma_semaphore, #tpu.memory_space<semaphore_mem>>)
      %dma_wait3A_95 = arith.constant 0 : i32
      %dma_wait3A_96 = tpu.memref_slice %arg7[%mul3A_86, %dma_wait3A_95] : memref<40x128xi32, #tpu.memory_space<vmem>> -> memref<1x128xi32, #tpu.memory_space<vmem>>
      %dma_wait3A_97 = tpu.memref_squeeze %dma_wait3A_96 : memref<1x128xi32, #tpu.memory_space<vmem>> -> memref<128xi32, #tpu.memory_space<vmem>>
      %dma_wait3A_98 = arith.constant 0 : i32
      %dma_wait3A_99 = arith.constant 0 : i32
      %dma_wait3A_100 = tpu.memref_slice %arg4[%dma_wait3A_98, %dma_wait3A_99] : memref<10000x128xf32, #tpu.memory_space<hbm>> -> memref<10000x128xf32, #tpu.memory_space<hbm>>
      tpu.wait_indirect_dma semaphore(%arg12 : memref<!tpu.dma_semaphore, #tpu.memory_space<semaphore_mem>>) src(%dma_wait3A_100 : memref<10000x128xf32, #tpu.memory_space<hbm>>) dst(%arg9 : memref<128x128xf32, #tpu.memory_space<vmem>>)
      "tpu.region"() ({
        %run_scoped3A_119 = tpu.sem_alloc : memref<!tpu.dma_semaphore, #tpu.memory_space<semaphore_mem>>
        %dma_start3A_120 = arith.constant 0 : i32
        %dma_start3A_121 = tpu.memref_slice %arg8[%mul3A_86, %dma_start3A_120] : memref<40x128xi32, #tpu.memory_space<vmem>> -> memref<1x128xi32, #tpu.memory_space<vmem>>
        %dma_start3A_122 = tpu.memref_squeeze %dma_start3A_121 : memref<1x128xi32, #tpu.memory_space<vmem>> -> memref<128xi32, #tpu.memory_space<vmem>>
        %dma_start3A_123 = arith.constant 0 : i32
        %dma_start3A_124 = arith.constant 0 : i32
        %dma_start3A_125 = tpu.memref_slice %arg11[%dma_start3A_123, %dma_start3A_124] : memref<10240x128xf32, #tpu.memory_space<vmem_shared>> -> memref<10240x128xf32, #tpu.memory_space<vmem_shared>>
        tpu.enqueue_indirect_dma source(%arg9 : memref<128x128xf32, #tpu.memory_space<vmem>>) target(%dma_start3A_125 : memref<10240x128xf32, #tpu.memory_space<vmem_shared>>) offsets(%dma_start3A_122 : memref<128xi32, #tpu.memory_space<vmem>>) semaphore(%run_scoped3A_119 : memref<!tpu.dma_semaphore, #tpu.memory_space<semaphore_mem>>) {add = true}
        %dma_wait3A_126 = arith.constant 0 : i32
        %dma_wait3A_127 = tpu.memref_slice %arg8[%mul3A_86, %dma_wait3A_126] : memref<40x128xi32, #tpu.memory_space<vmem>> -> memref<1x128xi32, #tpu.memory_space<vmem>>
        %dma_wait3A_128 = tpu.memref_squeeze %dma_wait3A_127 : memref<1x128xi32, #tpu.memory_space<vmem>> -> memref<128xi32, #tpu.memory_space<vmem>>
        %dma_wait3A_129 = arith.constant 0 : i32
        %dma_wait3A_130 = arith.constant 0 : i32
        %dma_wait3A_131 = tpu.memref_slice %arg11[%dma_wait3A_129, %dma_wait3A_130] : memref<10240x128xf32, #tpu.memory_space<vmem_shared>> -> memref<10240x128xf32, #tpu.memory_space<vmem_shared>>
        tpu.wait_indirect_dma semaphore(%run_scoped3A_119 : memref<!tpu.dma_semaphore, #tpu.memory_space<semaphore_mem>>) src(%arg9 : memref<128x128xf32, #tpu.memory_space<vmem>>) dst(%dma_wait3A_131 : memref<10240x128xf32, #tpu.memory_space<vmem_shared>>)
        tpu.yield
      }) : () -> ()
      %add3A_101 = arith.constant 2 : i32
      %add3A_102 = arith.addi %mul3A_86, %add3A_101 : i32
      %dma_start3A_103 = arith.constant 0 : i32
      %dma_start3A_104 = tpu.memref_slice %arg7[%add3A_102, %dma_start3A_103] : memref<40x128xi32, #tpu.memory_space<vmem>> -> memref<1x128xi32, #tpu.memory_space<vmem>>
      %dma_start3A_105 = tpu.memref_squeeze %dma_start3A_104 : memref<1x128xi32, #tpu.memory_space<vmem>> -> memref<128xi32, #tpu.memory_space<vmem>>
      %dma_start3A_106 = arith.constant 0 : i32
      %dma_start3A_107 = arith.constant 0 : i32
      %dma_start3A_108 = tpu.memref_slice %arg4[%dma_start3A_106, %dma_start3A_107] : memref<10000x128xf32, #tpu.memory_space<hbm>> -> memref<10000x128xf32, #tpu.memory_space<hbm>>
      tpu.enqueue_indirect_dma source(%dma_start3A_108 : memref<10000x128xf32, #tpu.memory_space<hbm>>) target(%arg9 : memref<128x128xf32, #tpu.memory_space<vmem>>) offsets(%dma_start3A_105 : memref<128xi32, #tpu.memory_space<vmem>>) semaphore(%arg12 : memref<!tpu.dma_semaphore, #tpu.memory_space<semaphore_mem>>)
      %add3A_109 = arith.constant 1 : i32
      %add3A_110 = arith.addi %mul3A_86, %add3A_109 : i32
      %dma_wait3A_111 = arith.constant 0 : i32
      %dma_wait3A_112 = tpu.memref_slice %arg7[%add3A_110, %dma_wait3A_111] : memref<40x128xi32, #tpu.memory_space<vmem>> -> memref<1x128xi32, #tpu.memory_space<vmem>>
      %dma_wait3A_113 = tpu.memref_squeeze %dma_wait3A_112 : memref<1x128xi32, #tpu.memory_space<vmem>> -> memref<128xi32, #tpu.memory_space<vmem>>
      %dma_wait3A_114 = arith.constant 0 : i32
      %dma_wait3A_115 = arith.constant 0 : i32
      %dma_wait3A_116 = tpu.memref_slice %arg4[%dma_wait3A_114, %dma_wait3A_115] : memref<10000x128xf32, #tpu.memory_space<hbm>> -> memref<10000x128xf32, #tpu.memory_space<hbm>>
      tpu.wait_indirect_dma semaphore(%arg13 : memref<!tpu.dma_semaphore, #tpu.memory_space<semaphore_mem>>) src(%dma_wait3A_116 : memref<10000x128xf32, #tpu.memory_space<hbm>>) dst(%arg10 : memref<128x128xf32, #tpu.memory_space<vmem>>)
      %add3A_117 = arith.constant 1 : i32
      %add3A_118 = arith.addi %mul3A_86, %add3A_117 : i32
      "tpu.region"() ({
        %run_scoped3A_119 = tpu.sem_alloc : memref<!tpu.dma_semaphore, #tpu.memory_space<semaphore_mem>>
        %dma_start3A_120 = arith.constant 0 : i32
        %dma_start3A_121 = tpu.memref_slice %arg8[%add3A_118, %dma_start3A_120] : memref<40x128xi32, #tpu.memory_space<vmem>> -> memref<1x128xi32, #tpu.memory_space<vmem>>
        %dma_start3A_122 = tpu.memref_squeeze %dma_start3A_121 : memref<1x128xi32, #tpu.memory_space<vmem>> -> memref<128xi32, #tpu.memory_space<vmem>>
        %dma_start3A_123 = arith.constant 0 : i32
        %dma_start3A_124 = arith.constant 0 : i32
        %dma_start3A_125 = tpu.memref_slice %arg11[%dma_start3A_123, %dma_start3A_124] : memref<10240x128xf32, #tpu.memory_space<vmem_shared>> -> memref<10240x128xf32, #tpu.memory_space<vmem_shared>>
        tpu.enqueue_indirect_dma source(%arg10 : memref<128x128xf32, #tpu.memory_space<vmem>>) target(%dma_start3A_125 : memref<10240x128xf32, #tpu.memory_space<vmem_shared>>) offsets(%dma_start3A_122 : memref<128xi32, #tpu.memory_space<vmem>>) semaphore(%run_scoped3A_119 : memref<!tpu.dma_semaphore, #tpu.memory_space<semaphore_mem>>) {add = true}
        %dma_wait3A_126 = arith.constant 0 : i32
        %dma_wait3A_127 = tpu.memref_slice %arg8[%add3A_118, %dma_wait3A_126] : memref<40x128xi32, #tpu.memory_space<vmem>> -> memref<1x128xi32, #tpu.memory_space<vmem>>
        %dma_wait3A_128 = tpu.memref_squeeze %dma_wait3A_127 : memref<1x128xi32, #tpu.memory_space<vmem>> -> memref<128xi32, #tpu.memory_space<vmem>>
        %dma_wait3A_129 = arith.constant 0 : i32
        %dma_wait3A_130 = arith.constant 0 : i32
        %dma_wait3A_131 = tpu.memref_slice %arg11[%dma_wait3A_129, %dma_wait3A_130] : memref<10240x128xf32, #tpu.memory_space<vmem_shared>> -> memref<10240x128xf32, #tpu.memory_space<vmem_shared>>
        tpu.wait_indirect_dma semaphore(%run_scoped3A_119 : memref<!tpu.dma_semaphore, #tpu.memory_space<semaphore_mem>>) src(%arg10 : memref<128x128xf32, #tpu.memory_space<vmem>>) dst(%dma_wait3A_131 : memref<10240x128xf32, #tpu.memory_space<vmem_shared>>)
        tpu.yield
      }) : () -> ()
    }
    %scan3A_55 = arith.constant 19 : i32
    %dma_start3A_56 = arith.constant 39 : i32
    %dma_start3A_57 = arith.constant 0 : i32
    %dma_start3A_58 = tpu.memref_slice %arg7[%dma_start3A_56, %dma_start3A_57] : memref<40x128xi32, #tpu.memory_space<vmem>> -> memref<1x128xi32, #tpu.memory_space<vmem>>
    %dma_start3A_59 = tpu.memref_squeeze %dma_start3A_58 : memref<1x128xi32, #tpu.memory_space<vmem>> -> memref<128xi32, #tpu.memory_space<vmem>>
    %dma_start3A_60 = arith.constant 0 : i32
    %dma_start3A_61 = arith.constant 0 : i32
    %dma_start3A_62 = tpu.memref_slice %arg4[%dma_start3A_60, %dma_start3A_61] : memref<10000x128xf32, #tpu.memory_space<hbm>> -> memref<10000x128xf32, #tpu.memory_space<hbm>>
    tpu.enqueue_indirect_dma source(%dma_start3A_62 : memref<10000x128xf32, #tpu.memory_space<hbm>>) target(%arg10 : memref<128x128xf32, #tpu.memory_space<vmem>>) offsets(%dma_start3A_59 : memref<128xi32, #tpu.memory_space<vmem>>) semaphore(%arg13 : memref<!tpu.dma_semaphore, #tpu.memory_space<semaphore_mem>>)
    %dma_wait3A_63 = arith.constant 38 : i32
    %dma_wait3A_64 = arith.constant 0 : i32
    %dma_wait3A_65 = tpu.memref_slice %arg7[%dma_wait3A_63, %dma_wait3A_64] : memref<40x128xi32, #tpu.memory_space<vmem>> -> memref<1x128xi32, #tpu.memory_space<vmem>>
    %dma_wait3A_66 = tpu.memref_squeeze %dma_wait3A_65 : memref<1x128xi32, #tpu.memory_space<vmem>> -> memref<128xi32, #tpu.memory_space<vmem>>
    %dma_wait3A_67 = arith.constant 0 : i32
    %dma_wait3A_68 = arith.constant 0 : i32
    %dma_wait3A_69 = tpu.memref_slice %arg4[%dma_wait3A_67, %dma_wait3A_68] : memref<10000x128xf32, #tpu.memory_space<hbm>> -> memref<10000x128xf32, #tpu.memory_space<hbm>>
    tpu.wait_indirect_dma semaphore(%arg12 : memref<!tpu.dma_semaphore, #tpu.memory_space<semaphore_mem>>) src(%dma_wait3A_69 : memref<10000x128xf32, #tpu.memory_space<hbm>>) dst(%arg9 : memref<128x128xf32, #tpu.memory_space<vmem>>)
    %run_scoped3A_70 = arith.constant 38 : i32
    "tpu.region"() ({
      %run_scoped3A_80 = tpu.sem_alloc : memref<!tpu.dma_semaphore, #tpu.memory_space<semaphore_mem>>
      %dma_start3A_81 = arith.constant 0 : i32
      %dma_start3A_82 = tpu.memref_slice %arg8[%run_scoped3A_70, %dma_start3A_81] : memref<40x128xi32, #tpu.memory_space<vmem>> -> memref<1x128xi32, #tpu.memory_space<vmem>>
      %dma_start3A_83 = tpu.memref_squeeze %dma_start3A_82 : memref<1x128xi32, #tpu.memory_space<vmem>> -> memref<128xi32, #tpu.memory_space<vmem>>
      %dma_start3A_84 = arith.constant 0 : i32
      %dma_start3A_85 = arith.constant 0 : i32
      %dma_start3A_86 = tpu.memref_slice %arg11[%dma_start3A_84, %dma_start3A_85] : memref<10240x128xf32, #tpu.memory_space<vmem_shared>> -> memref<10240x128xf32, #tpu.memory_space<vmem_shared>>
      tpu.enqueue_indirect_dma source(%arg9 : memref<128x128xf32, #tpu.memory_space<vmem>>) target(%dma_start3A_86 : memref<10240x128xf32, #tpu.memory_space<vmem_shared>>) offsets(%dma_start3A_83 : memref<128xi32, #tpu.memory_space<vmem>>) semaphore(%run_scoped3A_80 : memref<!tpu.dma_semaphore, #tpu.memory_space<semaphore_mem>>) {add = true}
      %dma_wait3A_87 = arith.constant 0 : i32
      %dma_wait3A_88 = tpu.memref_slice %arg8[%run_scoped3A_70, %dma_wait3A_87] : memref<40x128xi32, #tpu.memory_space<vmem>> -> memref<1x128xi32, #tpu.memory_space<vmem>>
      %dma_wait3A_89 = tpu.memref_squeeze %dma_wait3A_88 : memref<1x128xi32, #tpu.memory_space<vmem>> -> memref<128xi32, #tpu.memory_space<vmem>>
      %dma_wait3A_90 = arith.constant 0 : i32
      %dma_wait3A_91 = arith.constant 0 : i32
      %dma_wait3A_92 = tpu.memref_slice %arg11[%dma_wait3A_90, %dma_wait3A_91] : memref<10240x128xf32, #tpu.memory_space<vmem_shared>> -> memref<10240x128xf32, #tpu.memory_space<vmem_shared>>
      tpu.wait_indirect_dma semaphore(%run_scoped3A_80 : memref<!tpu.dma_semaphore, #tpu.memory_space<semaphore_mem>>) src(%arg9 : memref<128x128xf32, #tpu.memory_space<vmem>>) dst(%dma_wait3A_92 : memref<10240x128xf32, #tpu.memory_space<vmem_shared>>)
      tpu.yield
    }) : () -> ()
    %dma_wait3A_71 = arith.constant 39 : i32
    %dma_wait3A_72 = arith.constant 0 : i32
    %dma_wait3A_73 = tpu.memref_slice %arg7[%dma_wait3A_71, %dma_wait3A_72] : memref<40x128xi32, #tpu.memory_space<vmem>> -> memref<1x128xi32, #tpu.memory_space<vmem>>
    %dma_wait3A_74 = tpu.memref_squeeze %dma_wait3A_73 : memref<1x128xi32, #tpu.memory_space<vmem>> -> memref<128xi32, #tpu.memory_space<vmem>>
    %dma_wait3A_75 = arith.constant 0 : i32
    %dma_wait3A_76 = arith.constant 0 : i32
    %dma_wait3A_77 = tpu.memref_slice %arg4[%dma_wait3A_75, %dma_wait3A_76] : memref<10000x128xf32, #tpu.memory_space<hbm>> -> memref<10000x128xf32, #tpu.memory_space<hbm>>
    tpu.wait_indirect_dma semaphore(%arg13 : memref<!tpu.dma_semaphore, #tpu.memory_space<semaphore_mem>>) src(%dma_wait3A_77 : memref<10000x128xf32, #tpu.memory_space<hbm>>) dst(%arg10 : memref<128x128xf32, #tpu.memory_space<vmem>>)
    %run_scoped3A_78 = arith.constant 39 : i32
    "tpu.region"() ({
      %run_scoped3A_80 = tpu.sem_alloc : memref<!tpu.dma_semaphore, #tpu.memory_space<semaphore_mem>>
      %dma_start3A_81 = arith.constant 0 : i32
      %dma_start3A_82 = tpu.memref_slice %arg8[%run_scoped3A_78, %dma_start3A_81] : memref<40x128xi32, #tpu.memory_space<vmem>> -> memref<1x128xi32, #tpu.memory_space<vmem>>
      %dma_start3A_83 = tpu.memref_squeeze %dma_start3A_82 : memref<1x128xi32, #tpu.memory_space<vmem>> -> memref<128xi32, #tpu.memory_space<vmem>>
      %dma_start3A_84 = arith.constant 0 : i32
      %dma_start3A_85 = arith.constant 0 : i32
      %dma_start3A_86 = tpu.memref_slice %arg11[%dma_start3A_84, %dma_start3A_85] : memref<10240x128xf32, #tpu.memory_space<vmem_shared>> -> memref<10240x128xf32, #tpu.memory_space<vmem_shared>>
      tpu.enqueue_indirect_dma source(%arg10 : memref<128x128xf32, #tpu.memory_space<vmem>>) target(%dma_start3A_86 : memref<10240x128xf32, #tpu.memory_space<vmem_shared>>) offsets(%dma_start3A_83 : memref<128xi32, #tpu.memory_space<vmem>>) semaphore(%run_scoped3A_80 : memref<!tpu.dma_semaphore, #tpu.memory_space<semaphore_mem>>) {add = true}
      %dma_wait3A_87 = arith.constant 0 : i32
      %dma_wait3A_88 = tpu.memref_slice %arg8[%run_scoped3A_78, %dma_wait3A_87] : memref<40x128xi32, #tpu.memory_space<vmem>> -> memref<1x128xi32, #tpu.memory_space<vmem>>
      %dma_wait3A_89 = tpu.memref_squeeze %dma_wait3A_88 : memref<1x128xi32, #tpu.memory_space<vmem>> -> memref<128xi32, #tpu.memory_space<vmem>>
      %dma_wait3A_90 = arith.constant 0 : i32
      %dma_wait3A_91 = arith.constant 0 : i32
      %dma_wait3A_92 = tpu.memref_slice %arg11[%dma_wait3A_90, %dma_wait3A_91] : memref<10240x128xf32, #tpu.memory_space<vmem_shared>> -> memref<10240x128xf32, #tpu.memory_space<vmem_shared>>
      tpu.wait_indirect_dma semaphore(%run_scoped3A_80 : memref<!tpu.dma_semaphore, #tpu.memory_space<semaphore_mem>>) src(%arg10 : memref<128x128xf32, #tpu.memory_space<vmem>>) dst(%dma_wait3A_92 : memref<10240x128xf32, #tpu.memory_space<vmem_shared>>)
      tpu.yield
    }) : () -> ()
    %barrier3A_79 = arith.constant 0 : index
    tpu.barrier barrier_id(%barrier3A_79)
    "tpu.region"() ({
      %run_scoped3A_80 = tpu.sem_alloc : memref<!tpu.dma_semaphore, #tpu.memory_space<semaphore_mem>>
      %dma_start3A_81 = arith.constant 0 : i32
      %dma_start3A_82 = tpu.memref_slice %arg6[%arg0, %mul3A_2, %dma_start3A_81] : memref<2x10240x128xf32, #tpu.memory_space<hbm>> -> memref<1x640x128xf32, #tpu.memory_space<hbm>>
      %dma_start3A_83 = tpu.memref_squeeze %dma_start3A_82 : memref<1x640x128xf32, #tpu.memory_space<hbm>> -> memref<640x128xf32, #tpu.memory_space<hbm>>
      %dma_start3A_84 = arith.constant 0 : i32
      %dma_start3A_85 = tpu.memref_slice %arg11[%mul3A_2, %dma_start3A_84] : memref<10240x128xf32, #tpu.memory_space<vmem_shared>> -> memref<640x128xf32, #tpu.memory_space<vmem_shared>>
      tpu.enqueue_dma source(%dma_start3A_85 : memref<640x128xf32, #tpu.memory_space<vmem_shared>>) target(%dma_start3A_83 : memref<640x128xf32, #tpu.memory_space<hbm>>) target_semaphore(%run_scoped3A_80 : memref<!tpu.dma_semaphore, #tpu.memory_space<semaphore_mem>>)
      %dma_wait3A_86 = arith.constant 0 : i32
      %dma_wait3A_87 = tpu.memref_slice %arg6[%arg0, %mul3A_2, %dma_wait3A_86] : memref<2x10240x128xf32, #tpu.memory_space<hbm>> -> memref<1x640x128xf32, #tpu.memory_space<hbm>>
      %dma_wait3A_88 = tpu.memref_squeeze %dma_wait3A_87 : memref<1x640x128xf32, #tpu.memory_space<hbm>> -> memref<640x128xf32, #tpu.memory_space<hbm>>
      %dma_wait3A_89 = arith.constant 0 : i32
      %dma_wait3A_90 = tpu.memref_slice %arg11[%mul3A_2, %dma_wait3A_89] : memref<10240x128xf32, #tpu.memory_space<vmem_shared>> -> memref<640x128xf32, #tpu.memory_space<vmem_shared>>
      tpu.wait_dma2 semaphore(%run_scoped3A_80 : memref<!tpu.dma_semaphore, #tpu.memory_space<semaphore_mem>>) src(%dma_wait3A_90 : memref<640x128xf32, #tpu.memory_space<vmem_shared>>) dst(%dma_wait3A_88 : memref<640x128xf32, #tpu.memory_space<hbm>>)
      tpu.yield
    }) : () -> ()
    return
  }
}

module attributes {stable_mosaic.version = 14 : i64} {
  func.func @_mm1_body(%arg0: i32, %arg1: memref<2x1000x16xf32, #tpu.memory_space<vmem>>, %arg2: memref<1000x128xf32, #tpu.memory_space<vmem>>, %arg3: memref<128x128xf32, #tpu.memory_space<vmem>>, %arg4: memref<1000x128xf32, #tpu.memory_space<vmem>>) attributes {dimension_semantics = [#tpu.dimension_semantics<arbitrary>], iteration_bounds = array<i64: 10>, scalar_prefetch = 0 : i64, scratch_operands = 0 : i64, tpu.core_type = #tpu.core_type<tc>, window_params = [{transform_indices = @transform_0, window_bounds = array<i64: 2, 1000, 16>}, {transform_indices = @transform_1, window_bounds = array<i64: 1000, 128>}, {pipeline_mode = #tpu.pipeline_mode<synchronous>, transform_indices = @transform_2, window_bounds = array<i64: 128, 128>}, {transform_indices = @transform_3, window_bounds = array<i64: 1000, 128>}]} {
    %get3A = arith.constant 0 : index
    %get3A_0 = arith.constant 0 : index
    %get3A_1 = arith.constant 0 : index
    %get3A_2 = vector.load %arg1[%get3A, %get3A_0, %get3A_1] : memref<2x1000x16xf32, #tpu.memory_space<vmem>>, vector<2x1000x16xf32>
    %slice3A = vector.extract_strided_slice %get3A_2 {offsets = [0, 0, 0], sizes = [1, 1000, 1], strides = [1, 1, 1]} : vector<2x1000x16xf32> to vector<1x1000x1xf32>
    %squeeze3A = vector.shape_cast %slice3A : vector<1x1000x1xf32> to vector<1000x1xf32>
    %slice3A_3 = vector.extract_strided_slice %get3A_2 {offsets = [1, 0, 0], sizes = [1, 1000, 1], strides = [1, 1, 1]} : vector<2x1000x16xf32> to vector<1x1000x1xf32>
    %squeeze3A_4 = vector.shape_cast %slice3A_3 : vector<1x1000x1xf32> to vector<1000x1xf32>
    %add3A = arith.addf %squeeze3A, %squeeze3A_4 : vector<1000x1xf32>
    %add3A_5 = arith.constant 1.000000e+00 : f32
    %add3A_6 = vector.broadcast %add3A_5 : f32 to vector<1000x1xf32>
    %add3A_7 = arith.addf %add3A, %add3A_6 : vector<1000x1xf32>
    %rsqrt3A = math.rsqrt %add3A_7 : vector<1000x1xf32>
    %get3A_8 = arith.constant 0 : index
    %get3A_9 = arith.constant 0 : index
    %get3A_10 = vector.load %arg2[%get3A_8, %get3A_9] : memref<1000x128xf32, #tpu.memory_space<vmem>>, vector<1000x128xf32>
    %get3A_11 = arith.constant 0 : index
    %get3A_12 = arith.constant 0 : index
    %get3A_13 = vector.load %arg3[%get3A_11, %get3A_12] : memref<128x128xf32, #tpu.memory_space<vmem>>, vector<128x128xf32>
    %dot_general3A = arith.constant dense<0.000000e+00> : vector<1000x128xf32>
    %dot_general3A_14 = tpu.matmul %get3A_10, %get3A_13, %dot_general3A {dimension_numbers = #tpu.dot_dimension_numbers<[1], [0], [0], [1], [0, 0, 1, 1], [], []>, transpose_lhs_hint = false} : vector<1000x128xf32>, vector<128x128xf32>, vector<1000x128xf32> -> vector<1000x128xf32>
    %mul3A = vector.broadcast %rsqrt3A : vector<1000x1xf32> to vector<1000x128xf32>
    %mul3A_15 = arith.mulf %dot_general3A_14, %mul3A : vector<1000x128xf32>
    %swap3A = arith.constant 0 : index
    %swap3A_16 = arith.constant 0 : index
    %swap3A_17 = vector.load %arg4[%swap3A, %swap3A_16] : memref<1000x128xf32, #tpu.memory_space<vmem>>, vector<1000x128xf32>
    tpu.vector_store %arg4[%swap3A, %swap3A_16], %mul3A_15 {strides = array<i32>} : memref<1000x128xf32, #tpu.memory_space<vmem>>, vector<1000x128xf32>,
    return
  }
  func.func @transform_0(%arg0: i32) -> (i32, i32, i32) {
    %c0_i32 = arith.constant 0 : i32
    %c0_i32_0 = arith.constant 0 : i32
    %c0_i32_1 = arith.constant 0 : i32
    return %c0_i32, %arg0, %c0_i32_0 : i32, i32, i32
  }
  func.func @transform_1(%arg0: i32) -> (i32, i32) {
    %c0_i32 = arith.constant 0 : i32
    %c0_i32_0 = arith.constant 0 : i32
    return %arg0, %c0_i32 : i32, i32
  }
  func.func @transform_2(%arg0: i32) -> (i32, i32) {
    %c0_i32 = arith.constant 0 : i32
    %c0_i32_0 = arith.constant 0 : i32
    %c0_i32_1 = arith.constant 0 : i32
    return %c0_i32, %c0_i32_0 : i32, i32
  }
  func.func @transform_3(%arg0: i32) -> (i32, i32) {
    %c0_i32 = arith.constant 0 : i32
    %c0_i32_0 = arith.constant 0 : i32
    return %arg0, %c0_i32 : i32, i32
  }
}

module attributes {stable_mosaic.version = 14 : i64} {
  func.func @_mid_body(%arg0: i32, %arg1: memref<2x1000x16xf32, #tpu.memory_space<vmem>>, %arg2: memref<2x1000x128xf32, #tpu.memory_space<vmem>>, %arg3: memref<1000x128xf32, #tpu.memory_space<vmem>>, %arg4: memref<1x128xf32, #tpu.memory_space<vmem>>, %arg5: memref<128x128xf32, #tpu.memory_space<vmem>>, %arg6: memref<1000x128xf32, #tpu.memory_space<vmem>>) attributes {dimension_semantics = [#tpu.dimension_semantics<arbitrary>], iteration_bounds = array<i64: 10>, scalar_prefetch = 0 : i64, scratch_operands = 0 : i64, tpu.core_type = #tpu.core_type<tc>, window_params = [{transform_indices = @transform_0, window_bounds = array<i64: 2, 1000, 16>}, {transform_indices = @transform_1, window_bounds = array<i64: 2, 1000, 128>}, {transform_indices = @transform_2, window_bounds = array<i64: 1000, 128>}, {pipeline_mode = #tpu.pipeline_mode<synchronous>, transform_indices = @transform_3, window_bounds = array<i64: 1, 128>}, {pipeline_mode = #tpu.pipeline_mode<synchronous>, transform_indices = @transform_4, window_bounds = array<i64: 128, 128>}, {transform_indices = @transform_5, window_bounds = array<i64: 1000, 128>}]} {
    %get3A = arith.constant 0 : index
    %get3A_0 = arith.constant 0 : index
    %get3A_1 = arith.constant 0 : index
    %get3A_2 = vector.load %arg1[%get3A, %get3A_0, %get3A_1] : memref<2x1000x16xf32, #tpu.memory_space<vmem>>, vector<2x1000x16xf32>
    %slice3A = vector.extract_strided_slice %get3A_2 {offsets = [0, 0, 0], sizes = [1, 1000, 1], strides = [1, 1, 1]} : vector<2x1000x16xf32> to vector<1x1000x1xf32>
    %squeeze3A = vector.shape_cast %slice3A : vector<1x1000x1xf32> to vector<1000x1xf32>
    %slice3A_3 = vector.extract_strided_slice %get3A_2 {offsets = [1, 0, 0], sizes = [1, 1000, 1], strides = [1, 1, 1]} : vector<2x1000x16xf32> to vector<1x1000x1xf32>
    %squeeze3A_4 = vector.shape_cast %slice3A_3 : vector<1x1000x1xf32> to vector<1000x1xf32>
    %add3A = arith.addf %squeeze3A, %squeeze3A_4 : vector<1000x1xf32>
    %add3A_5 = arith.constant 1.000000e+00 : f32
    %add3A_6 = vector.broadcast %add3A_5 : f32 to vector<1000x1xf32>
    %add3A_7 = arith.addf %add3A, %add3A_6 : vector<1000x1xf32>
    %rsqrt3A = math.rsqrt %add3A_7 : vector<1000x1xf32>
    %get3A_8 = arith.constant 0 : index
    %get3A_9 = arith.constant 0 : index
    %get3A_10 = arith.constant 0 : index
    %get3A_11 = vector.load %arg2[%get3A_8, %get3A_9, %get3A_10] : memref<2x1000x128xf32, #tpu.memory_space<vmem>>, vector<1x1000x128xf32>
    %get3A_12 = vector.shape_cast %get3A_11 : vector<1x1000x128xf32> to vector<1000x128xf32>
    %get3A_13 = arith.constant 1 : index
    %get3A_14 = arith.constant 0 : index
    %get3A_15 = arith.constant 0 : index
    %get3A_16 = vector.load %arg2[%get3A_13, %get3A_14, %get3A_15] : memref<2x1000x128xf32, #tpu.memory_space<vmem>>, vector<1x1000x128xf32>
    %get3A_17 = vector.shape_cast %get3A_16 : vector<1x1000x128xf32> to vector<1000x128xf32>
    %add3A_18 = arith.addf %get3A_12, %get3A_17 : vector<1000x128xf32>
    %get3A_19 = arith.constant 0 : index
    %get3A_20 = arith.constant 0 : index
    %get3A_21 = vector.load %arg3[%get3A_19, %get3A_20] : memref<1000x128xf32, #tpu.memory_space<vmem>>, vector<1000x128xf32>
    %add3A_22 = arith.addf %add3A_18, %get3A_21 : vector<1000x128xf32>
    %mul3A = vector.broadcast %rsqrt3A : vector<1000x1xf32> to vector<1000x128xf32>
    %mul3A_23 = arith.mulf %mul3A, %add3A_22 : vector<1000x128xf32>
    %get3A_24 = arith.constant 0 : index
    %get3A_25 = arith.constant 0 : index
    %get3A_26 = vector.load %arg4[%get3A_24, %get3A_25] : memref<1x128xf32, #tpu.memory_space<vmem>>, vector<1x128xf32>
    %add3A_27 = vector.broadcast %get3A_26 : vector<1x128xf32> to vector<1000x128xf32>
    %add3A_28 = arith.addf %mul3A_23, %add3A_27 : vector<1000x128xf32>
    %max3A = arith.constant 0.000000e+00 : f32
    %max3A_29 = vector.broadcast %max3A : f32 to vector<1000x128xf32>
    %max3A_30 = arith.maximumf %add3A_28, %max3A_29 : vector<1000x128xf32>
    %get3A_31 = arith.constant 0 : index
    %get3A_32 = arith.constant 0 : index
    %get3A_33 = vector.load %arg5[%get3A_31, %get3A_32] : memref<128x128xf32, #tpu.memory_space<vmem>>, vector<128x128xf32>
    %dot_general3A = arith.constant dense<0.000000e+00> : vector<1000x128xf32>
    %dot_general3A_34 = tpu.matmul %max3A_30, %get3A_33, %dot_general3A {dimension_numbers = #tpu.dot_dimension_numbers<[1], [0], [0], [1], [0, 0, 1, 1], [], []>, transpose_lhs_hint = false} : vector<1000x128xf32>, vector<128x128xf32>, vector<1000x128xf32> -> vector<1000x128xf32>
    %mul3A_35 = vector.broadcast %rsqrt3A : vector<1000x1xf32> to vector<1000x128xf32>
    %mul3A_36 = arith.mulf %dot_general3A_34, %mul3A_35 : vector<1000x128xf32>
    %swap3A = arith.constant 0 : index
    %swap3A_37 = arith.constant 0 : index
    %swap3A_38 = vector.load %arg6[%swap3A, %swap3A_37] : memref<1000x128xf32, #tpu.memory_space<vmem>>, vector<1000x128xf32>
    tpu.vector_store %arg6[%swap3A, %swap3A_37], %mul3A_36 {strides = array<i32>} : memref<1000x128xf32, #tpu.memory_space<vmem>>, vector<1000x128xf32>,
    return
  }
  func.func @transform_0(%arg0: i32) -> (i32, i32, i32) {
    %c0_i32 = arith.constant 0 : i32
    %c0_i32_0 = arith.constant 0 : i32
    %c0_i32_1 = arith.constant 0 : i32
    return %c0_i32, %arg0, %c0_i32_0 : i32, i32, i32
  }
  func.func @transform_1(%arg0: i32) -> (i32, i32, i32) {
    %c0_i32 = arith.constant 0 : i32
    %c0_i32_0 = arith.constant 0 : i32
    %c0_i32_1 = arith.constant 0 : i32
    return %c0_i32, %arg0, %c0_i32_0 : i32, i32, i32
  }
  func.func @transform_2(%arg0: i32) -> (i32, i32) {
    %c0_i32 = arith.constant 0 : i32
    %c0_i32_0 = arith.constant 0 : i32
    return %arg0, %c0_i32 : i32, i32
  }
  func.func @transform_3(%arg0: i32) -> (i32, i32) {
    %c0_i32 = arith.constant 0 : i32
    %c0_i32_0 = arith.constant 0 : i32
    %c0_i32_1 = arith.constant 0 : i32
    return %c0_i32, %c0_i32_0 : i32, i32
  }
  func.func @transform_4(%arg0: i32) -> (i32, i32) {
    %c0_i32 = arith.constant 0 : i32
    %c0_i32_0 = arith.constant 0 : i32
    %c0_i32_1 = arith.constant 0 : i32
    return %c0_i32, %c0_i32_0 : i32, i32
  }
  func.func @transform_5(%arg0: i32) -> (i32, i32) {
    %c0_i32 = arith.constant 0 : i32
    %c0_i32_0 = arith.constant 0 : i32
    return %arg0, %c0_i32 : i32, i32
  }
}

module attributes {stable_mosaic.version = 14 : i64} {
  func.func @_fin_body(%arg0: i32, %arg1: memref<2x1000x16xf32, #tpu.memory_space<vmem>>, %arg2: memref<2x1000x128xf32, #tpu.memory_space<vmem>>, %arg3: memref<1000x128xf32, #tpu.memory_space<vmem>>, %arg4: memref<1x128xf32, #tpu.memory_space<vmem>>, %arg5: memref<1000x128xf32, #tpu.memory_space<vmem>>) attributes {dimension_semantics = [#tpu.dimension_semantics<arbitrary>], iteration_bounds = array<i64: 10>, scalar_prefetch = 0 : i64, scratch_operands = 0 : i64, tpu.core_type = #tpu.core_type<tc>, window_params = [{transform_indices = @transform_0, window_bounds = array<i64: 2, 1000, 16>}, {transform_indices = @transform_1, window_bounds = array<i64: 2, 1000, 128>}, {transform_indices = @transform_2, window_bounds = array<i64: 1000, 128>}, {pipeline_mode = #tpu.pipeline_mode<synchronous>, transform_indices = @transform_3, window_bounds = array<i64: 1, 128>}, {transform_indices = @transform_4, window_bounds = array<i64: 1000, 128>}]} {
    %get3A = arith.constant 0 : index
    %get3A_0 = arith.constant 0 : index
    %get3A_1 = arith.constant 0 : index
    %get3A_2 = vector.load %arg1[%get3A, %get3A_0, %get3A_1] : memref<2x1000x16xf32, #tpu.memory_space<vmem>>, vector<2x1000x16xf32>
    %slice3A = vector.extract_strided_slice %get3A_2 {offsets = [0, 0, 0], sizes = [1, 1000, 1], strides = [1, 1, 1]} : vector<2x1000x16xf32> to vector<1x1000x1xf32>
    %squeeze3A = vector.shape_cast %slice3A : vector<1x1000x1xf32> to vector<1000x1xf32>
    %slice3A_3 = vector.extract_strided_slice %get3A_2 {offsets = [1, 0, 0], sizes = [1, 1000, 1], strides = [1, 1, 1]} : vector<2x1000x16xf32> to vector<1x1000x1xf32>
    %squeeze3A_4 = vector.shape_cast %slice3A_3 : vector<1x1000x1xf32> to vector<1000x1xf32>
    %add3A = arith.addf %squeeze3A, %squeeze3A_4 : vector<1000x1xf32>
    %add3A_5 = arith.constant 1.000000e+00 : f32
    %add3A_6 = vector.broadcast %add3A_5 : f32 to vector<1000x1xf32>
    %add3A_7 = arith.addf %add3A, %add3A_6 : vector<1000x1xf32>
    %rsqrt3A = math.rsqrt %add3A_7 : vector<1000x1xf32>
    %get3A_8 = arith.constant 0 : index
    %get3A_9 = arith.constant 0 : index
    %get3A_10 = arith.constant 0 : index
    %get3A_11 = vector.load %arg2[%get3A_8, %get3A_9, %get3A_10] : memref<2x1000x128xf32, #tpu.memory_space<vmem>>, vector<1x1000x128xf32>
    %get3A_12 = vector.shape_cast %get3A_11 : vector<1x1000x128xf32> to vector<1000x128xf32>
    %get3A_13 = arith.constant 1 : index
    %get3A_14 = arith.constant 0 : index
    %get3A_15 = arith.constant 0 : index
    %get3A_16 = vector.load %arg2[%get3A_13, %get3A_14, %get3A_15] : memref<2x1000x128xf32, #tpu.memory_space<vmem>>, vector<1x1000x128xf32>
    %get3A_17 = vector.shape_cast %get3A_16 : vector<1x1000x128xf32> to vector<1000x128xf32>
    %add3A_18 = arith.addf %get3A_12, %get3A_17 : vector<1000x128xf32>
    %get3A_19 = arith.constant 0 : index
    %get3A_20 = arith.constant 0 : index
    %get3A_21 = vector.load %arg3[%get3A_19, %get3A_20] : memref<1000x128xf32, #tpu.memory_space<vmem>>, vector<1000x128xf32>
    %add3A_22 = arith.addf %add3A_18, %get3A_21 : vector<1000x128xf32>
    %mul3A = vector.broadcast %rsqrt3A : vector<1000x1xf32> to vector<1000x128xf32>
    %mul3A_23 = arith.mulf %mul3A, %add3A_22 : vector<1000x128xf32>
    %get3A_24 = arith.constant 0 : index
    %get3A_25 = arith.constant 0 : index
    %get3A_26 = vector.load %arg4[%get3A_24, %get3A_25] : memref<1x128xf32, #tpu.memory_space<vmem>>, vector<1x128xf32>
    %add3A_27 = vector.broadcast %get3A_26 : vector<1x128xf32> to vector<1000x128xf32>
    %add3A_28 = arith.addf %mul3A_23, %add3A_27 : vector<1000x128xf32>
    %swap3A = arith.constant 0 : index
    %swap3A_29 = arith.constant 0 : index
    %swap3A_30 = vector.load %arg5[%swap3A, %swap3A_29] : memref<1000x128xf32, #tpu.memory_space<vmem>>, vector<1000x128xf32>
    tpu.vector_store %arg5[%swap3A, %swap3A_29], %add3A_28 {strides = array<i32>} : memref<1000x128xf32, #tpu.memory_space<vmem>>, vector<1000x128xf32>,
    return
  }
  func.func @transform_0(%arg0: i32) -> (i32, i32, i32) {
    %c0_i32 = arith.constant 0 : i32
    %c0_i32_0 = arith.constant 0 : i32
    %c0_i32_1 = arith.constant 0 : i32
    return %c0_i32, %arg0, %c0_i32_0 : i32, i32, i32
  }
  func.func @transform_1(%arg0: i32) -> (i32, i32, i32) {
    %c0_i32 = arith.constant 0 : i32
    %c0_i32_0 = arith.constant 0 : i32
    %c0_i32_1 = arith.constant 0 : i32
    return %c0_i32, %arg0, %c0_i32_0 : i32, i32, i32
  }
  func.func @transform_2(%arg0: i32) -> (i32, i32) {
    %c0_i32 = arith.constant 0 : i32
    %c0_i32_0 = arith.constant 0 : i32
    return %arg0, %c0_i32 : i32, i32
  }
  func.func @transform_3(%arg0: i32) -> (i32, i32) {
    %c0_i32 = arith.constant 0 : i32
    %c0_i32_0 = arith.constant 0 : i32
    %c0_i32_1 = arith.constant 0 : i32
    return %c0_i32, %c0_i32_0 : i32, i32
  }
  func.func @transform_4(%arg0: i32) -> (i32, i32) {
    %c0_i32 = arith.constant 0 : i32
    %c0_i32_0 = arith.constant 0 : i32
    return %arg0, %c0_i32 : i32, i32
  }
}

</mosaic_0001>

<sc_bundles>
// kernel: kernel.11.cloned.1.call-start
scs
__scs_entry_jumppad:
0x0: {  	(pc) =	sbr.rel $0x88, $3  }
0x1: {  	(tag) =	ssettag $0x0;
	lr =	simm.s32 $0x1  }
0x2: {  	[smem:$0x3F9B] =	sst lr;
	_ =	strace $0xD0000000  }
0x3: {  	_ = 	snop  }
0x4: {  	_ = 	snop  }
0x5: {  	_ = 	snop  }
0x6: {  	_ = 	snop  }
0x7: {  	_ = 	snop  }
__scs_overlays_trampoline_lowered:
0x8: {  	[smem:$0x3FAA] =	sst s0  }
0x9: {  	[smem:$0x3FAB] =	sst s1  }
0xa: {  	[smem:$0x3FAC] =	sst s2  }
0xb: {  	[smem:$0x3FAD] =	sst s3  }
0xc: {  	[smem:$0x3FAE] =	sst s4  }
0xd: {  	[smem:$0x3FAF] =	sst s5  }
0xe: {  	[smem:$0x3FB0] =	sst s6  }
0xf: {  	[smem:$0x3FB1] =	sst s7  }
0x10: {  	[smem:$0x3FB2] =	sst s8  }
0x11: {  	[smem:$0x3FB3] =	sst s9;
	s0 =	simm.s32 @!p0 $0x0  }
0x12: {  	s1 =	sld [smem:$0x3F99];
	s0 =	simm.s32 @p0 $0x1  }
0x13: {  	[smem:$0x3FB4] =	sst s0;
	s0 =	simm.s32 @!p1 $0x0  }
0x14: {  	s2 =	sld [smem:$0x3F98];
	s0 =	simm.s32 @p1 $0x1  }
0x15: {  	[smem:$0x3FB5] =	sst s0;
	s0 =	simm.s32 @!p2 $0x0  }
0x16: {  	s3 =	sld [smem:$0x3FDB];
	s0 =	simm.s32 @p2 $0x1  }
0x17: {  	s4 =	simm.s32 $0x1BF5;
	[smem:$0x3FB7] =	sst s0  }
0x18: {  	s0 =	sld [smem:$0x3F9A];
	_ =	swait.ge [sflag:s4], $0x0  }
0x19: {  	s7 =	sld [smem:$0x3F9B]  }
0x1a: {  	s8 =	sadd.s32 $0xFFFFE003, lr  }
0x1b: {  	s9 =	sadd.s32 $0xFFFFFEF7, lr;
	s5 =	simm.s32 $0xFFFFFFFF;
	p2 =	slt.u32 s8, $0xFFFFF086  }
0x1c: {  	p1 =	slt.u32 s9, $0xF7A;
	s5 =	simm.s32 @!p2 $0x0  }
0x1d: {  	s5 =	simm.s32 @p1 $0x1;
	p0 =	seq.s32 s7, s2  }
0x1e: {  	s7 =	smul.u32 @!p0 $0xF7A, s2;
	p2 =	seq.s32 @!p0 s5, $0x0  }
0x1f: {  	s9 =	smul.u32 $0xF7A, s1;
	s8 =	simm.s32 @!p0 $0x1BF5;
	p2 =	por !p2, p0  }
0x20: {  	[sflag:s8] =	ssyncset.s32 @!p0 $0xFFFFF086;
	s6 =	sadd.s32 @!p0 s3, s7;
	s7 =	simm.s32 @!p0 $0x108  }
0x21: {  	s3 =	sadd.s32 s3, s9;
	s6 =	sadd.s32 @!p0 $0x88, s6;
	s7 =	simm.s32 @p2 $0x1082  }
0x22: {  	[simem:s7], [sflag:s8] =	dma.local @!p0 [hbm:s6], $0xF7A  }
0x23: {  	s9 =	sor.u32 $0xD0000000, s2;
	s6 =	simm.s32 $0x108;
	_ =	swait.ge @!p0 [sflag:s8], $0x0  }
0x24: {  	s3 =	sadd.s32 $0x88, s3;
	s6 =	simm.s32 @!p1 $0x1082;
	[sflag:s4] =	ssyncset.s32 $0xFFFFF086  }
0x25: {  	[simem:s6], [sflag:s4] =	dma.local [hbm:s3], $0xF7A  }
0x26: {  	[smem:$0x3F9B] =	sst s1;
	(tag) =	ssettag s2;
	_ =	strace s9  }
0x27: {  	s1 =	sld [smem:$0x3FAB]  }
0x28: {  	s2 =	sld [smem:$0x3FAC]  }
0x29: {  	s4 =	sld [smem:$0x3FAE]  }
0x2a: {  	p0 =	seq.s32 s5, $0x0;
	s5 =	sld [smem:$0x3FAF]  }
0x2b: {  	s6 =	sld [smem:$0x3FB0]  }
0x2c: {  	s7 =	sld [smem:$0x3FB1]  }
0x2d: {  	s3 =	simm.s32 $0x108;
	s8 =	sld [smem:$0x3FB2]  }
0x2e: {  	s3 =	simm.s32 @!p0 $0x1082;
	s9 =	sld [smem:$0x3FB3]  }
0x2f: {  	lr =	sadd.s32 s0, s3;
	s0 =	sld [smem:$0x3FAA]  }
0x30: {  	s3 =	sld [smem:$0x3FAD]  }
0x31: {  	[smem:$0x3FB6] =	sst s10  }
0x32: {  	s10 =	sld [smem:$0x3FB4];
	_ =	sdelay $0x3  }
0x33: {  	p0 =	seq.s32 s10, $0x1;
	s10 =	sld [smem:$0x3FB6];
	_ =	sdelay $0x3  }
0x34: {  	[smem:$0x3FB6] =	sst s10  }
0x35: {  	s10 =	sld [smem:$0x3FB5];
	_ =	sdelay $0x3  }
0x36: {  	p1 =	seq.s32 s10, $0x1;
	s10 =	sld [smem:$0x3FB6];
	_ =	sdelay $0x3  }
0x37: {  	[smem:$0x3FB6] =	sst s10  }
0x38: {  	s10 =	sld [smem:$0x3FB7]  }
0x39: {  	_ = 	snop;
	(pc) =	sbr.ind lr, $3  }
0x3a: {  	_ = 	snop  }
0x3b: {  	_ = 	snop  }
0x3c: {  	p2 =	seq.s32 s10, $0x1;
	s10 =	sld [smem:$0x3FB6]  }
0x3d: {  	_ =	shalt  }
0x3e: {  	_ =	shalt  }
0x3f: {  	_ =	shalt  }
0x40: {  	_ =	shalt  }
0x41: {  	_ =	shalt  }
0x42: {  	_ =	shalt  }
0x43: {  	_ =	shalt  }
0x44: {  	_ =	shalt  }
0x45: {  	_ =	shalt  }
0x46: {  	_ =	shalt  }
0x47: {  	_ =	shalt  }
0x48: {  	_ =	shalt  }
0x49: {  	_ =	shalt  }
0x4a: {  	_ =	shalt  }
0x4b: {  	_ =	shalt  }
0x4c: {  	_ =	shalt  }
0x4d: {  	_ =	shalt  }
0x4e: {  	_ =	shalt  }
0x4f: {  	_ =	shalt  }
0x50: {  	_ =	shalt  }
0x51: {  	_ =	shalt  }
0x52: {  	_ =	shalt  }
0x53: {  	_ =	shalt  }
0x54: {  	_ =	shalt  }
0x55: {  	_ =	shalt  }
0x56: {  	_ =	shalt  }
0x57: {  	_ =	shalt  }
0x58: {  	_ =	shalt  }
0x59: {  	_ =	shalt  }
0x5a: {  	_ =	shalt  }
0x5b: {  	_ =	shalt  }
0x5c: {  	_ =	shalt  }
0x5d: {  	_ =	shalt  }
0x5e: {  	_ =	shalt  }
0x5f: {  	_ =	shalt  }
0x60: {  	_ =	shalt  }
0x61: {  	_ =	shalt  }
0x62: {  	_ =	shalt  }
0x63: {  	_ =	shalt  }
0x64: {  	_ =	shalt  }
0x65: {  	_ =	shalt  }
0x66: {  	_ =	shalt  }
0x67: {  	_ =	shalt  }
0x68: {  	_ =	shalt  }
0x69: {  	_ =	shalt  }
0x6a: {  	_ =	shalt  }
0x6b: {  	_ =	shalt  }
0x6c: {  	_ =	shalt  }
0x6d: {  	_ =	shalt  }
0x6e: {  	_ =	shalt  }
0x6f: {  	_ =	shalt  }
0x70: {  	_ =	shalt  }
0x71: {  	_ =	shalt  }
0x72: {  	_ =	shalt  }
0x73: {  	_ =	shalt  }
0x74: {  	_ =	shalt  }
0x75: {  	_ =	shalt  }
0x76: {  	_ =	shalt  }
0x77: {  	_ =	shalt  }
0x78: {  	_ =	shalt  }
0x79: {  	_ =	shalt  }
0x7a: {  	_ =	shalt  }
0x7b: {  	_ =	shalt  }
0x7c: {  	_ =	shalt  }
0x7d: {  	_ =	shalt  }
0x7e: {  	_ =	shalt  }
0x7f: {  	_ =	shalt  }
0x80: {  	_ =	shalt  }
0x81: {  	_ =	shalt  }
0x82: {  	_ =	shalt  }
0x83: {  	_ =	shalt  }
0x84: {  	_ =	shalt  }
0x85: {  	_ =	shalt  }
0x86: {  	_ =	shalt  }
0x87: {  	_ =	shalt  }
.Lfunc_end0:
.L_simem_size_0:
called_computation.1_lowered:
.L_overlay_start_0:
0x88: {  	s2 =	sld [smem:$0x3FD9]  }
0x89: {  	s3 =	sld [smem:$0x3FFE];
	_ =	sdelay $0x1  }
0x8a: {  	s1 =	srdreg.scid  }
0x8b: {  	s0 =	sand.u32 $0x1, s1  }
0x8c: {  	s17 =	sshll.u32 s0, $0xA;
	s2 =	sadd.s32 s3, s2  }
0x8d: {  	s2 =	sadd.s32 s2, s17  }
0x8e: {  	[smem:$0x3FC2] =	sst s2  }
0x8f: {  	_ = 	snop  }
0x90: {  	s2 =	sld [smem:$0x3FD0];
	(tm) =	ssettm $0x1  }
0x91: {  	s18 =	sld [smem:$0x3FFB];
	_ =	sdelay $0x3  }
0x92: {  	_ =	strace s18  }
0x93: {  	s3 =	sld [smem:$0x3FFC];
	_ =	sdelay $0x3  }
0x94: {  	_ =	strace s3  }
0x95: {  	s3 =	sld [smem:$0x3FFD];
	_ =	sdelay $0x3  }
0x96: {  	_ =	strace s3  }
0x97: {  	_ =	strace $0x8FFFFFFF  }
0x98: {  	s19 =	sld [smem:$0x3FDB];
	_ =	sdelay $0x1  }
0x99: {  	s4 =	simm.s32 $_scs_section_size  }
0x9a: {  	s5 =	simm.s32 $_size__tile_overlayer_lowered;
	s6 =	simm.s32 $_tile_overlayer_lowered  }
0x9b: {  	s22 =	simm.s32 $0x1BFF;
	s21 =	sshll.u32 s6, $0x1;
	s3 =	sadd.s32 s4, s19  }
0x9c: {  	s7 =	simm.s32 $0x0;
	s20 =	sshll.u32 s5, $0x1;
	s5 =	sadd.s32 s21, s3  }
0x9d: {  	[timem:s7], [sflag:s22] =	dma.local [hbm:s5], s20  }
0x9e: {  	_ =	swait.ge [sflag:s22], s20  }
0x9f: {  	s4 =	ssub.s32 $0x0, s20;
	[sflag:s22] =	ssyncset.done $0x0  }
0xa0: {  	[sflag:s22] =	ssyncadd.s32 s4;
	_ =	sdelay $0x1  }
0xa1: {  	s23 =	simm.s32 $0x1B8B  }
0xa2: {  	_ =	swait.ge [sflag:s23], $0x1  }
0xa3: {  	[sflag:s23] =	ssyncset.done $0x0  }
0xa4: {  	s25 =	simm.s32 $0x1B8E;
	s24 =	sld [smem:$0x3FFE];
	[sflag:s23] =	ssyncadd.s32 $0xFFFFFFFF  }
0xa5: {  	s26 =	simm.s32 $execute0_lowered;
	[smem:$0x3FD2] =	sst s25  }
0xa6: {  	s5 =	sshll.u32 s26, $0x1;
	_ =	strace $0x80000049;
	[dreg:$0x1] =	wrdreg $0xFFFFFFFF  }
0xa7: {  	s28 =	simm.s32 $_size_execute0_lowered;
	s3 =	sadd.s32 s3, s5;
	[dreg:$0x0] =	wrdreg $0x0  }
0xa8: {  	s5 =	sshll.u32 s28, $0x1;
	[dreg:$0x2] =	wrdreg s3  }
0xa9: {  	[dreg:$0x3] =	wrdreg s5  }
0xaa: {  	[dreg:$0x4] =	wrdreg $0xC0  }
0xab: {  	_ =	task [dreg:s7], $0x5FFFF  }
0xac: {  	[dreg:$0x1] =	wrdreg $0xFFFFFFFF  }
0xad: {  	[dreg:$0x0] =	wrdreg $0x60  }
0xae: {  	[dreg:$0x2] =	wrdreg s24  }
0xaf: {  	[dreg:$0x3] =	wrdreg s2  }
0xb0: {  	[dreg:$0x4] =	wrdreg $0xA8000  }
0xb1: {  	[dreg:$0x5] =	wrdreg $0x9  }
0xb2: {  	_ =	task.clear_ibuf [dreg:s7], $0x6FFFF;
	_ =	strace $0x90000049  }
0xb3: {  	s29 =	simm.s32 $0x9;
	_ =	strace $0x8000004B  }
0xb4: {  	_ =	swait.ge [sflag:s29], $0x1  }
0xb5: {  	[sflag:s29] =	ssyncadd.s32 $0xFFFFFFFF  }
0xb6: {  	_ =	strace $0x9000004B  }
0xb7: {  	_ =	sfence  }
0xb8: {  	s30 =	sld [smem:$0x0];
	_ =	sdelay $0x2  }
0xb9: {  	s31 =	sshll.u32 s1, $0xD;
	s1 =	sshrl.u32 s1, $0x2  }
0xba: {  	s3 =	sand.u32 $0x4000, s31;
	s1 =	sadd.s32 s1, s30  }
0xbb: {  	s0 =	sor.u32 s3, s0;
	s1 =	sshll.u32 s1, $0x11  }
0xbc: {  	s0 =	sor.u32 s1, s0  }
0xbd: {  	s0 =	sadd.s32 $0x8F2B, s0  }
0xbe: {  	[sflag:s0] =	ssyncadd.remote.s32 $0x1  }
0xbf: {  	_ =	sfence.sel $0xFFFF  }
0xc0: {  	[dreg:$0x0] =	wrdreg $0xFFFFFFFF;
	(pc) =	sbr.abs _section_cstart, $3  }
0xc1: {  	[dreg:$0x1] =	wrdreg $0xFFFFFFFF  }
0xc2: {  	_ =	task.clear_ibuf [dreg:s7], $0x2FFFF;
	_ =	strace $0x9FFFFFFF  }
0xc3: {  	(tm) =	ssettm $0x7FFFFFFF  }
tec
execute0_lowered:
.L_overlay_start_1:
0x0: {  	(tag) =	ssettag $0x1  }
0x1: {  	s6 =	rddreg [dreg:$0x0]  }
0x2: {  	s1 =	rddreg [dreg:$0x1]  }
0x3: {  	s2 =	rddreg [dreg:$0x2]  }
0x4: {  	s3 =	srdreg.scid;
	s4 =	simm.s32 $0x0;
	s0 =	stileid.u32  }
0x5: {  	s19 =	simm.s32 $0x1400;
	s20 =	simm.s32 $0x80;
	s21 =	simm.s32 $0x2800  }
0x6: {  	s28 =	simm.s32 $0x2780;
	s29 =	simm.s32 $0x0;
	s7 =	sand.u32 $0x1, s3  }
0x7: {  	[smem:$0x7FF] =	sst s4;
	s8 =	smul.u32 $0x14000, s0;
	s9 =	sadd.s32 $0xC600, s6  }
0x8: {  	s10 =	sadd.s32 $0x2600, s6;
	s11 =	smul.u32 $0x50000, s0;
	s23 =	sshll.u32 s0, $0x1  }
0x9: {  	s25 =	sshll.u32 s0, $0x6;
	s5 =	smul.u32 $0x140000, s7;
	_ =	strace $0x8000004A  }
0xa: {  	s22 =	ssub.s32 $0x2, s7;
	s7 =	sor.u32 s7, s23;
	s23 =	simm.s32 $0x1  }
0xb: {  	s13 =	sshrl.u32 s22, $0x1;
	s24 =	sshrl.u32 s11, $0x2;
	s7 =	smul.u32 $0x2800, s7  }
0xc: {  	s8 =	sadd.s32 s8, s5;
	s5 =	sadd.s32 $0x16600, s6;
	s14 =	sadd.s32 s24, s2  }
0xd: {  	s13 =	ssub.s32 s22, s13;
	s22 =	simm.s32 $0x6800;
	s24 =	simm.s32 $0x2  }
0xe: {  	s8 =	sshrl.u32 s8, $0x3;
	s15 =	sadd.s32 $0x4000, s14;
	s16 =	sadd.s32 $0x8000, s14  }
0xf: {  	s17 =	sadd.s32 $0xC000, s14;
	s26 =	sshrl.u32 s7, $0x3;
	s18 =	sadd.s32 $0x10000, s14  }
0x10: {  	s12 =	sadd.s32 s8, s6;
	s6 =	sor.u32 $0x1C03, s25;
	s30 =	sadd.s32 s9, s26  }
0x11: {  	s31 =	sadd.s32 $0x280, s26;
	s8 =	sadd.s32 s10, s26;
	s15 =	sshrl.u32 s15, $0x3  }
0x12: {  	s16 =	sshrl.u32 s16, $0x3;
	s17 =	sshrl.u32 s17, $0x3;
	s18 =	sshrl.u32 s18, $0x3  }
0x13: {  	s25 =	simm.s32 $0x1380;
	s26 =	simm.s32 $0x2700;
	[dreg:$0x4] =	wrdreg s30  }
0x14: {  	s9 =	sadd.s32 s9, s31;
	s10 =	sadd.s32 s10, s31;
	s11 =	sadd.s32 $0x16E00, s12  }
0x15: {  	s12 =	smax.u32 s13, $0x1;
	s13 =	sshrl.u32 s14, $0x3;
	s14 =	simm.s32 $0x3  }
.LBB2_1:
0x16: {  	[spmem:s13], [sflag:s6] =	dma.local [hbm:s5], $0x800  }
0x17: {  	_ =	swait.ge [sflag:s14], $0x800  }
0x18: {  	[sflag:s14] =	ssyncset.done $0x0  }
0x19: {  	[sflag:s14] =	ssyncadd.s32 $0xFFFFF800  }
0x1a: {  	[spmem:s15], [sflag:s6] =	dma.local [hbm:s5], $0x800  }
0x1b: {  	_ =	swait.ge [sflag:s14], $0x800  }
0x1c: {  	[sflag:s14] =	ssyncset.done $0x0  }
0x1d: {  	[sflag:s14] =	ssyncadd.s32 $0xFFFFF800  }
0x1e: {  	[spmem:s16], [sflag:s6] =	dma.local [hbm:s5], $0x800  }
0x1f: {  	_ =	swait.ge [sflag:s14], $0x800  }
0x20: {  	[sflag:s14] =	ssyncset.done $0x0  }
0x21: {  	[sflag:s14] =	ssyncadd.s32 $0xFFFFF800  }
0x22: {  	[spmem:s17], [sflag:s6] =	dma.local [hbm:s5], $0x800  }
0x23: {  	_ =	swait.ge [sflag:s14], $0x800  }
0x24: {  	[sflag:s14] =	ssyncset.done $0x0  }
0x25: {  	[sflag:s14] =	ssyncadd.s32 $0xFFFFF800  }
0x26: {  	[spmem:s18], [sflag:s6] =	dma.local [hbm:s5], $0x800  }
0x27: {  	_ =	swait.ge [sflag:s14], $0x800  }
0x28: {  	[sflag:s14] =	ssyncset.done $0x0  }
0x29: {  	[sflag:s14] =	ssyncadd.s32 $0xFFFFF800  }
0x2a: {  	[bflag:$0x0] =	sbarrier.arrive $0xFFFF  }
0x2b: {  	s0 =	rddreg [dreg:$0x4]  }
0x2c: {  	[tilespmem:s4], [sflag:$0x3] =	stream.linear.gather [hbm4b:s0+s4], $0x1400, $0x38;
	[tilespmem:$0x1E800] =	vst v63  }
0x2d: {  	_ =	swait.ge [sflag:s14], $0x1400  }
0x2e: {  	[sflag:s14] =	ssyncset.done $0x0  }
0x2f: {  	[sflag:s14] =	ssyncadd.s32 $0xFFFFEC00  }
0x30: {  	[tilespmem:s19], [sflag:$0x3] =	stream.linear.gather [hbm4b:s8+s4], $0x1400, $0x38;
	[tilespmem:$0x1E800] =	vst v63  }
0x31: {  	_ =	swait.ge [sflag:s14], $0x1400  }
0x32: {  	[sflag:s14] =	ssyncset.done $0x0  }
0x33: {  	[sflag:s14] =	ssyncadd.s32 $0xFFFFEC00  }
0x34: {  	[tilespmem:s21], [sflag:$0x1] =	stream.indirect.gather [hbm4b:s1+s20], $0x80, s4, s20, $0xb8;
	[tilespmem:$0x1E800] =	vst v63  }
0x35: {  	s30 =	simm.s32 $0x80  }
0x36: {  	[tilespmem:s22], [sflag:$0x2] =	stream.indirect.gather [hbm4b:s1+s20], $0x80, s30, s20, $0xb8;
	[tilespmem:$0x1E800] =	vst v63  }
0x37: {  	_ =	swait.ge [sflag:s23], $0x4000  }
0x38: {  	[sflag:s23] =	ssyncset.done $0x0  }
0x39: {  	s30 =	simm.s32 $0x1400;
	[sflag:s23] =	ssyncadd.s32 $0xFFFFC000  }
0x3a: {  	[spmem:s2] =	stream.indirect.scatter.add.f32 [tilespmem:s21], [sflag:$0x3], $0x80, s30, s20, $0xb8;
	[tilespmem:$0x1E800] =	vst v63  }
0x3b: {  	_ =	swait.ge [sflag:s14], $0x4000  }
0x3c: {  	[sflag:s14] =	ssyncset.done $0x0  }
0x3d: {  	s30 =	simm.s32 $0x100;
	[sflag:s14] =	ssyncadd.s32 $0xFFFFC000  }
0x3e: {  	[tilespmem:s21], [sflag:$0x1] =	stream.indirect.gather [hbm4b:s1+s20], $0x80, s30, s20, $0xb8;
	[tilespmem:$0x1E800] =	vst v63  }
0x3f: {  	_ =	swait.ge [sflag:s24], $0x4000  }
0x40: {  	[sflag:s24] =	ssyncset.done $0x0  }
0x41: {  	s30 =	simm.s32 $0x1480;
	[sflag:s24] =	ssyncadd.s32 $0xFFFFC000  }
0x42: {  	[spmem:s2] =	stream.indirect.scatter.add.f32 [tilespmem:s22], [sflag:$0x3], $0x80, s30, s20, $0xb8;
	[tilespmem:$0x1E800] =	vst v63  }
0x43: {  	_ =	swait.ge [sflag:s14], $0x4000  }
0x44: {  	s31 =	simm.s32 $0x800;
	s30 =	simm.s32 $0x100;
	[sflag:s14] =	ssyncset.done $0x0  }
.LBB2_2:
0x45: {  	s0 =	sadd.s32 $0x80, s30  }
0x46: {  	[sflag:s14] =	ssyncadd.s32 $0xFFFFC000;
	s3 =	smov.u32 s31;
	s7 =	sadd.s32 $0x400, s31  }
0x47: {  	[tilespmem:s22], [sflag:$0x2] =	stream.indirect.gather [hbm4b:s1+s20], $0x80, s0, s20, $0xb8;
	[tilespmem:$0x1E800] =	vst v63  }
0x48: {  	p0 =	sne.s32 s31, $0x4800;
	_ =	swait.ge [sflag:s23], $0x4000  }
0x49: {  	[sflag:s23] =	ssyncset.done $0x0  }
0x4a: {  	s0 =	sadd.s32 $0x1400, s30;
	[sflag:s23] =	ssyncadd.s32 $0xFFFFC000  }
0x4b: {  	[spmem:s2] =	stream.indirect.scatter.add.f32 [tilespmem:s21], [sflag:$0x3], $0x80, s0, s20, $0xb8;
	[tilespmem:$0x1E800] =	vst v63  }
0x4c: {  	_ =	swait.ge [sflag:s14], $0x4000  }
0x4d: {  	[sflag:s14] =	ssyncset.done $0x0  }
0x4e: {  	s0 =	sadd.s32 $0x100, s30;
	[sflag:s14] =	ssyncadd.s32 $0xFFFFC000  }
0x4f: {  	[tilespmem:s21], [sflag:$0x1] =	stream.indirect.gather [hbm4b:s1+s20], $0x80, s0, s20, $0xb8;
	[tilespmem:$0x1E800] =	vst v63  }
0x50: {  	_ =	swait.ge [sflag:s24], $0x4000  }
.Ltmp0:
0x51: {  	[sflag:s24] =	ssyncset.done $0x0;
	(pc) =	sbr.rel @p0 .LBB2_2-.Ltmp0, $4  }
0x52: {  	s0 =	sadd.s32 $0x1480, s30;
	[sflag:s24] =	ssyncadd.s32 $0xFFFFC000  }
0x53: {  	[spmem:s2] =	stream.indirect.scatter.add.f32 [tilespmem:s22], [sflag:$0x3], $0x80, s0, s20, $0xb8;
	[tilespmem:$0x1E800] =	vst v63  }
0x54: {  	_ =	swait.ge [sflag:s14], $0x4000  }
0x55: {  	s31 =	smov.u32 s7;
	s30 =	sshra.s32 s3, $0x2;
	[sflag:s14] =	ssyncset.done $0x0  }
0x56: {  	s0 =	sadd.s32 $0x80, s30;
	[sflag:s14] =	ssyncadd.s32 $0xFFFFC000  }
0x57: {  	[tilespmem:s22], [sflag:$0x2] =	stream.indirect.gather [hbm4b:s1+s20], $0x80, s0, s20, $0xb8;
	[tilespmem:$0x1E800] =	vst v63  }
0x58: {  	_ =	swait.ge [sflag:s23], $0x4000  }
0x59: {  	[sflag:s23] =	ssyncset.done $0x0  }
0x5a: {  	s3 =	sadd.s32 $0x1400, s30;
	[sflag:s23] =	ssyncadd.s32 $0xFFFFC000  }
0x5b: {  	[spmem:s2] =	stream.indirect.scatter.add.f32 [tilespmem:s21], [sflag:$0x3], $0x80, s3, s20, $0xb8;
	[tilespmem:$0x1E800] =	vst v63  }
0x5c: {  	_ =	swait.ge [sflag:s14], $0x4000  }
0x5d: {  	[sflag:s14] =	ssyncset.done $0x0  }
0x5e: {  	s7 =	sadd.s32 $0x100, s30;
	[sflag:s14] =	ssyncadd.s32 $0xFFFFC000  }
0x5f: {  	[tilespmem:s21], [sflag:$0x1] =	stream.indirect.gather [hbm4b:s1+s20], $0x80, s7, s20, $0xb8;
	[tilespmem:$0x1E800] =	vst v63  }
0x60: {  	_ =	swait.ge [sflag:s24], $0x4000  }
0x61: {  	[sflag:s24] =	ssyncset.done $0x0  }
0x62: {  	s3 =	sadd.s32 $0x1480, s30;
	[sflag:s24] =	ssyncadd.s32 $0xFFFFC000  }
0x63: {  	[spmem:s2] =	stream.indirect.scatter.add.f32 [tilespmem:s22], [sflag:$0x3], $0x80, s3, s20, $0xb8;
	[tilespmem:$0x1E800] =	vst v63  }
0x64: {  	_ =	swait.ge [sflag:s14], $0x4000  }
0x65: {  	[sflag:s14] =	ssyncset.done $0x0  }
0x66: {  	[sflag:s14] =	ssyncadd.s32 $0xFFFFC000  }
0x67: {  	[tilespmem:s22], [sflag:$0x2] =	stream.indirect.gather [hbm4b:s1+s20], $0x80, s25, s20, $0xb8;
	[tilespmem:$0x1E800] =	vst v63  }
0x68: {  	_ =	swait.ge [sflag:s23], $0x4000  }
0x69: {  	[sflag:s23] =	ssyncset.done $0x0  }
0x6a: {  	[sflag:s23] =	ssyncadd.s32 $0xFFFFC000  }
0x6b: {  	[spmem:s2] =	stream.indirect.scatter.add.f32 [tilespmem:s21], [sflag:$0x3], $0x80, s26, s20, $0xb8;
	[tilespmem:$0x1E800] =	vst v63  }
0x6c: {  	_ =	swait.ge [sflag:s14], $0x4000  }
0x6d: {  	[sflag:s14] =	ssyncset.done $0x0  }
0x6e: {  	[sflag:s14] =	ssyncadd.s32 $0xFFFFC000  }
0x6f: {  	_ =	swait.ge [sflag:s24], $0x4000  }
0x70: {  	[sflag:s24] =	ssyncset.done $0x0  }
0x71: {  	[sflag:s24] =	ssyncadd.s32 $0xFFFFC000  }
0x72: {  	[spmem:s2] =	stream.indirect.scatter.add.f32 [tilespmem:s22], [sflag:$0x3], $0x80, s28, s20, $0xb8;
	[tilespmem:$0x1E800] =	vst v63  }
0x73: {  	_ =	swait.ge [sflag:s14], $0x4000  }
0x74: {  	[sflag:s14] =	ssyncset.done $0x0  }
0x75: {  	s7 =	simm.s32 $0x0;
	[sflag:s14] =	ssyncadd.s32 $0xFFFFC000  }
0x76: {  	[tilespmem:s7], [sflag:$0x3] =	stream.linear.gather [hbm4b:s9+s7], $0x1400, $0x38;
	[tilespmem:$0x1E800] =	vst v63  }
0x77: {  	_ =	swait.ge [sflag:s14], $0x1400  }
0x78: {  	[sflag:s14] =	ssyncset.done $0x0  }
0x79: {  	[sflag:s14] =	ssyncadd.s32 $0xFFFFEC00  }
0x7a: {  	[tilespmem:s19], [sflag:$0x3] =	stream.linear.gather [hbm4b:s10+s7], $0x1400, $0x38;
	[tilespmem:$0x1E800] =	vst v63  }
0x7b: {  	_ =	swait.ge [sflag:s14], $0x1400  }
0x7c: {  	[sflag:s14] =	ssyncset.done $0x0  }
0x7d: {  	[sflag:s14] =	ssyncadd.s32 $0xFFFFEC00  }
0x7e: {  	[tilespmem:s21], [sflag:$0x1] =	stream.indirect.gather [hbm4b:s1+s20], $0x80, s7, s20, $0xb8;
	[tilespmem:$0x1E800] =	vst v63  }
0x7f: {  	s3 =	simm.s32 $0x80  }
0x80: {  	[tilespmem:s22], [sflag:$0x2] =	stream.indirect.gather [hbm4b:s1+s20], $0x80, s3, s20, $0xb8;
	[tilespmem:$0x1E800] =	vst v63  }
0x81: {  	_ =	swait.ge [sflag:s23], $0x4000  }
0x82: {  	[sflag:s23] =	ssyncset.done $0x0  }
0x83: {  	s7 =	simm.s32 $0x1400;
	[sflag:s23] =	ssyncadd.s32 $0xFFFFC000  }
0x84: {  	[spmem:s2] =	stream.indirect.scatter.add.f32 [tilespmem:s21], [sflag:$0x3], $0x80, s7, s20, $0xb8;
	[tilespmem:$0x1E800] =	vst v63  }
0x85: {  	_ =	swait.ge [sflag:s14], $0x4000  }
0x86: {  	[sflag:s14] =	ssyncset.done $0x0  }
0x87: {  	s3 =	simm.s32 $0x100;
	[sflag:s14] =	ssyncadd.s32 $0xFFFFC000  }
0x88: {  	[tilespmem:s21], [sflag:$0x1] =	stream.indirect.gather [hbm4b:s1+s20], $0x80, s3, s20, $0xb8;
	[tilespmem:$0x1E800] =	vst v63  }
0x89: {  	_ =	swait.ge [sflag:s24], $0x4000  }
0x8a: {  	[sflag:s24] =	ssyncset.done $0x0  }
0x8b: {  	s7 =	simm.s32 $0x1480;
	[sflag:s24] =	ssyncadd.s32 $0xFFFFC000  }
0x8c: {  	[spmem:s2] =	stream.indirect.scatter.add.f32 [tilespmem:s22], [sflag:$0x3], $0x80, s7, s20, $0xb8;
	[tilespmem:$0x1E800] =	vst v63  }
0x8d: {  	_ =	swait.ge [sflag:s14], $0x4000  }
0x8e: {  	s31 =	simm.s32 $0x800;
	s30 =	simm.s32 $0x100;
	[sflag:s14] =	ssyncset.done $0x0  }
.LBB2_4:
0x8f: {  	s0 =	sadd.s32 $0x80, s30  }
0x90: {  	[sflag:s14] =	ssyncadd.s32 $0xFFFFC000;
	s3 =	smov.u32 s31;
	s7 =	sadd.s32 $0x400, s31  }
0x91: {  	[tilespmem:s22], [sflag:$0x2] =	stream.indirect.gather [hbm4b:s1+s20], $0x80, s0, s20, $0xb8;
	[tilespmem:$0x1E800] =	vst v63  }
0x92: {  	p0 =	sne.s32 s31, $0x4800;
	_ =	swait.ge [sflag:s23], $0x4000  }
0x93: {  	[sflag:s23] =	ssyncset.done $0x0  }
0x94: {  	s0 =	sadd.s32 $0x1400, s30;
	[sflag:s23] =	ssyncadd.s32 $0xFFFFC000  }
0x95: {  	[spmem:s2] =	stream.indirect.scatter.add.f32 [tilespmem:s21], [sflag:$0x3], $0x80, s0, s20, $0xb8;
	[tilespmem:$0x1E800] =	vst v63  }
0x96: {  	_ =	swait.ge [sflag:s14], $0x4000  }
0x97: {  	[sflag:s14] =	ssyncset.done $0x0  }
0x98: {  	s0 =	sadd.s32 $0x100, s30;
	[sflag:s14] =	ssyncadd.s32 $0xFFFFC000  }
0x99: {  	[tilespmem:s21], [sflag:$0x1] =	stream.indirect.gather [hbm4b:s1+s20], $0x80, s0, s20, $0xb8;
	[tilespmem:$0x1E800] =	vst v63  }
0x9a: {  	_ =	swait.ge [sflag:s24], $0x4000  }
.Ltmp1:
0x9b: {  	[sflag:s24] =	ssyncset.done $0x0;
	(pc) =	sbr.rel @p0 .LBB2_4-.Ltmp1, $4  }
0x9c: {  	s0 =	sadd.s32 $0x1480, s30;
	[sflag:s24] =	ssyncadd.s32 $0xFFFFC000  }
0x9d: {  	[spmem:s2] =	stream.indirect.scatter.add.f32 [tilespmem:s22], [sflag:$0x3], $0x80, s0, s20, $0xb8;
	[tilespmem:$0x1E800] =	vst v63  }
0x9e: {  	_ =	swait.ge [sflag:s14], $0x4000  }
0x9f: {  	s31 =	smov.u32 s7;
	s30 =	sshra.s32 s3, $0x2;
	[sflag:s14] =	ssyncset.done $0x0  }
0xa0: {  	s0 =	sadd.s32 $0x80, s30;
	[sflag:s14] =	ssyncadd.s32 $0xFFFFC000  }
0xa1: {  	[tilespmem:s22], [sflag:$0x2] =	stream.indirect.gather [hbm4b:s1+s20], $0x80, s0, s20, $0xb8;
	[tilespmem:$0x1E800] =	vst v63  }
0xa2: {  	_ =	swait.ge [sflag:s23], $0x4000  }
0xa3: {  	[sflag:s23] =	ssyncset.done $0x0  }
0xa4: {  	s3 =	sadd.s32 $0x1400, s30;
	[sflag:s23] =	ssyncadd.s32 $0xFFFFC000  }
0xa5: {  	[spmem:s2] =	stream.indirect.scatter.add.f32 [tilespmem:s21], [sflag:$0x3], $0x80, s3, s20, $0xb8;
	[tilespmem:$0x1E800] =	vst v63  }
0xa6: {  	_ =	swait.ge [sflag:s14], $0x4000  }
0xa7: {  	[sflag:s14] =	ssyncset.done $0x0  }
0xa8: {  	s7 =	sadd.s32 $0x100, s30;
	[sflag:s14] =	ssyncadd.s32 $0xFFFFC000  }
0xa9: {  	[tilespmem:s21], [sflag:$0x1] =	stream.indirect.gather [hbm4b:s1+s20], $0x80, s7, s20, $0xb8;
	[tilespmem:$0x1E800] =	vst v63  }
0xaa: {  	_ =	swait.ge [sflag:s24], $0x4000  }
0xab: {  	[sflag:s24] =	ssyncset.done $0x0  }
0xac: {  	s31 =	sadd.s32 $0x1480, s30;
	[sflag:s24] =	ssyncadd.s32 $0xFFFFC000  }
0xad: {  	[spmem:s2] =	stream.indirect.scatter.add.f32 [tilespmem:s22], [sflag:$0x3], $0x80, s31, s20, $0xb8;
	[tilespmem:$0x1E800] =	vst v63  }
0xae: {  	_ =	swait.ge [sflag:s14], $0x4000  }
0xaf: {  	[sflag:s14] =	ssyncset.done $0x0  }
0xb0: {  	[sflag:s14] =	ssyncadd.s32 $0xFFFFC000  }
0xb1: {  	[tilespmem:s22], [sflag:$0x2] =	stream.indirect.gather [hbm4b:s1+s20], $0x80, s25, s20, $0xb8;
	[tilespmem:$0x1E800] =	vst v63  }
0xb2: {  	_ =	swait.ge [sflag:s23], $0x4000  }
0xb3: {  	[sflag:s23] =	ssyncset.done $0x0  }
0xb4: {  	[sflag:s23] =	ssyncadd.s32 $0xFFFFC000  }
0xb5: {  	[spmem:s2] =	stream.indirect.scatter.add.f32 [tilespmem:s21], [sflag:$0x3], $0x80, s26, s20, $0xb8;
	[tilespmem:$0x1E800] =	vst v63  }
0xb6: {  	_ =	swait.ge [sflag:s14], $0x4000  }
0xb7: {  	[sflag:s14] =	ssyncset.done $0x0  }
0xb8: {  	[sflag:s14] =	ssyncadd.s32 $0xFFFFC000  }
0xb9: {  	_ =	swait.ge [sflag:s24], $0x4000  }
0xba: {  	[sflag:s24] =	ssyncset.done $0x0  }
0xbb: {  	[sflag:s24] =	ssyncadd.s32 $0xFFFFC000  }
0xbc: {  	[spmem:s2] =	stream.indirect.scatter.add.f32 [tilespmem:s22], [sflag:$0x3], $0x80, s28, s20, $0xb8;
	[tilespmem:$0x1E800] =	vst v63  }
0xbd: {  	_ =	swait.ge [sflag:s14], $0x4000  }
0xbe: {  	s29 =	sadd.s32 $0x1, s29;
	[sflag:s14] =	ssyncset.done $0x0  }
0xbf: {  	p0 =	sne.s32 s29, s12;
	[sflag:s14] =	ssyncadd.s32 $0xFFFFC000  }
.Ltmp2:
0xc0: {  	[bflag:$0x0] =	sbarrier.arrive $0xFFFF;
	(pc) =	sbr.rel @p0 .LBB2_1-.Ltmp2, $4  }
0xc1: {  	[hbm:s11], [sflag:s6] =	dma.local [spmem:s13], $0x2800  }
0xc2: {  	_ =	swait.ge [sflag:s14], $0x2800  }
0xc3: {  	[sflag:s14] =	ssyncset.done $0x0  }
0xc4: {  	[sflag:s14] =	ssyncadd.s32 $0xFFFFD800  }
0xc5: {  	_ =	sfence.sel $0x180000  }
0xc6: {  	[bflag:$0x0] =	sbarrier.arrive $0xFFFF  }
0xc7: {  	_ =	strace $0x9000004A  }
0xc8: {  	s0 =	stileid.u32;
	[bflag:$0x2] =	sbarrier.arrive $0xFFFF  }
0xc9: {  	p0 =	sne.s32 s0, $0x0;
	s0 =	rddreg [dreg:$0x3]  }
0xca: {  	s0 =	sadd.s32 @!p0 $0x100000, s0  }
0xcb: {  	[sflag:s0] =	ssyncadd.tile.s32 @!p0 $0x1;
	_ =	shalt  }
.Lfunc_end2:
_tile_overlayer_lowered:
.L_overlay_start_2:
0xcc: {  	(tag) =	ssettag $0x2  }
0xcd: {  	s0 =	rddreg [dreg:$0x0];
	s2 =	stileid.u32  }
0xce: {  	s1 =	rddreg [dreg:$0x1];
	p0 =	sne.s32 s2, $0x0  }
0xcf: {  	s3 =	rddreg [dreg:$0x2];
	[bflag:$0x3] =	sbarrier.arrive $0xFFFF;
	s2 =	simm.s32 @!p0 $0x1C03  }
0xd0: {  	[timem:s3], [sflag:s2] =	dma.local @!p0 [hbm:s0], s1  }
0xd1: {  	s0 =	simm.s32 @!p0 $0x3  }
0xd2: {  	_ =	swait.ge @!p0 [sflag:s0], s1  }
0xd3: {  	s1 =	ssub.s32 @!p0 $0x0, s1;
	[sflag:s0] =	ssyncset.done @!p0 $0x0  }
0xd4: {  	[sflag:s0] =	ssyncadd.s32 @!p0 s1  }
0xd5: {  	[bflag:$0x3] =	sbarrier.arrive $0xFFFF  }
0xd6: {  	_ =	shalt  }

// kernel: kernel.14.cloned.1.call-start
scs
__scs_entry_jumppad:
0x0: {  	(pc) =	sbr.rel $0x88, $3  }
0x1: {  	(tag) =	ssettag $0x0;
	lr =	simm.s32 $0x1  }
0x2: {  	[smem:$0x3F9B] =	sst lr;
	_ =	strace $0xD0000000  }
0x3: {  	_ = 	snop  }
0x4: {  	_ = 	snop  }
0x5: {  	_ = 	snop  }
0x6: {  	_ = 	snop  }
0x7: {  	_ = 	snop  }
__scs_overlays_trampoline_lowered:
0x8: {  	[smem:$0x3FAA] =	sst s0  }
0x9: {  	[smem:$0x3FAB] =	sst s1  }
0xa: {  	[smem:$0x3FAC] =	sst s2  }
0xb: {  	[smem:$0x3FAD] =	sst s3  }
0xc: {  	[smem:$0x3FAE] =	sst s4  }
0xd: {  	[smem:$0x3FAF] =	sst s5  }
0xe: {  	[smem:$0x3FB0] =	sst s6  }
0xf: {  	[smem:$0x3FB1] =	sst s7  }
0x10: {  	[smem:$0x3FB2] =	sst s8  }
0x11: {  	[smem:$0x3FB3] =	sst s9;
	s0 =	simm.s32 @!p0 $0x0  }
0x12: {  	s1 =	sld [smem:$0x3F99];
	s0 =	simm.s32 @p0 $0x1  }
0x13: {  	[smem:$0x3FB4] =	sst s0;
	s0 =	simm.s32 @!p1 $0x0  }
0x14: {  	s2 =	sld [smem:$0x3F98];
	s0 =	simm.s32 @p1 $0x1  }
0x15: {  	[smem:$0x3FB5] =	sst s0;
	s0 =	simm.s32 @!p2 $0x0  }
0x16: {  	s3 =	sld [smem:$0x3FDB];
	s0 =	simm.s32 @p2 $0x1  }
0x17: {  	s4 =	simm.s32 $0x1BF5;
	[smem:$0x3FB7] =	sst s0  }
0x18: {  	s0 =	sld [smem:$0x3F9A];
	_ =	swait.ge [sflag:s4], $0x0  }
0x19: {  	s7 =	sld [smem:$0x3F9B]  }
0x1a: {  	s8 =	sadd.s32 $0xFFFFE003, lr  }
0x1b: {  	s9 =	sadd.s32 $0xFFFFFEF7, lr;
	s5 =	simm.s32 $0xFFFFFFFF;
	p2 =	slt.u32 s8, $0xFFFFF086  }
0x1c: {  	p1 =	slt.u32 s9, $0xF7A;
	s5 =	simm.s32 @!p2 $0x0  }
0x1d: {  	s5 =	simm.s32 @p1 $0x1;
	p0 =	seq.s32 s7, s2  }
0x1e: {  	s7 =	smul.u32 @!p0 $0xF7A, s2;
	p2 =	seq.s32 @!p0 s5, $0x0  }
0x1f: {  	s9 =	smul.u32 $0xF7A, s1;
	s8 =	simm.s32 @!p0 $0x1BF5;
	p2 =	por !p2, p0  }
0x20: {  	[sflag:s8] =	ssyncset.s32 @!p0 $0xFFFFF086;
	s6 =	sadd.s32 @!p0 s3, s7;
	s7 =	simm.s32 @!p0 $0x108  }
0x21: {  	s3 =	sadd.s32 s3, s9;
	s6 =	sadd.s32 @!p0 $0x88, s6;
	s7 =	simm.s32 @p2 $0x1082  }
0x22: {  	[simem:s7], [sflag:s8] =	dma.local @!p0 [hbm:s6], $0xF7A  }
0x23: {  	s9 =	sor.u32 $0xD0000000, s2;
	s6 =	simm.s32 $0x108;
	_ =	swait.ge @!p0 [sflag:s8], $0x0  }
0x24: {  	s3 =	sadd.s32 $0x88, s3;
	s6 =	simm.s32 @!p1 $0x1082;
	[sflag:s4] =	ssyncset.s32 $0xFFFFF086  }
0x25: {  	[simem:s6], [sflag:s4] =	dma.local [hbm:s3], $0xF7A  }
0x26: {  	[smem:$0x3F9B] =	sst s1;
	(tag) =	ssettag s2;
	_ =	strace s9  }
0x27: {  	s1 =	sld [smem:$0x3FAB]  }
0x28: {  	s2 =	sld [smem:$0x3FAC]  }
0x29: {  	s4 =	sld [smem:$0x3FAE]  }
0x2a: {  	p0 =	seq.s32 s5, $0x0;
	s5 =	sld [smem:$0x3FAF]  }
0x2b: {  	s6 =	sld [smem:$0x3FB0]  }
0x2c: {  	s7 =	sld [smem:$0x3FB1]  }
0x2d: {  	s3 =	simm.s32 $0x108;
	s8 =	sld [smem:$0x3FB2]  }
0x2e: {  	s3 =	simm.s32 @!p0 $0x1082;
	s9 =	sld [smem:$0x3FB3]  }
0x2f: {  	lr =	sadd.s32 s0, s3;
	s0 =	sld [smem:$0x3FAA]  }
0x30: {  	s3 =	sld [smem:$0x3FAD]  }
0x31: {  	[smem:$0x3FB6] =	sst s10  }
0x32: {  	s10 =	sld [smem:$0x3FB4];
	_ =	sdelay $0x3  }
0x33: {  	p0 =	seq.s32 s10, $0x1;
	s10 =	sld [smem:$0x3FB6];
	_ =	sdelay $0x3  }
0x34: {  	[smem:$0x3FB6] =	sst s10  }
0x35: {  	s10 =	sld [smem:$0x3FB5];
	_ =	sdelay $0x3  }
0x36: {  	p1 =	seq.s32 s10, $0x1;
	s10 =	sld [smem:$0x3FB6];
	_ =	sdelay $0x3  }
0x37: {  	[smem:$0x3FB6] =	sst s10  }
0x38: {  	s10 =	sld [smem:$0x3FB7]  }
0x39: {  	_ = 	snop;
	(pc) =	sbr.ind lr, $3  }
0x3a: {  	_ = 	snop  }
0x3b: {  	_ = 	snop  }
0x3c: {  	p2 =	seq.s32 s10, $0x1;
	s10 =	sld [smem:$0x3FB6]  }
0x3d: {  	_ =	shalt  }
0x3e: {  	_ =	shalt  }
0x3f: {  	_ =	shalt  }
0x40: {  	_ =	shalt  }
0x41: {  	_ =	shalt  }
0x42: {  	_ =	shalt  }
0x43: {  	_ =	shalt  }
0x44: {  	_ =	shalt  }
0x45: {  	_ =	shalt  }
0x46: {  	_ =	shalt  }
0x47: {  	_ =	shalt  }
0x48: {  	_ =	shalt  }
0x49: {  	_ =	shalt  }
0x4a: {  	_ =	shalt  }
0x4b: {  	_ =	shalt  }
0x4c: {  	_ =	shalt  }
0x4d: {  	_ =	shalt  }
0x4e: {  	_ =	shalt  }
0x4f: {  	_ =	shalt  }
0x50: {  	_ =	shalt  }
0x51: {  	_ =	shalt  }
0x52: {  	_ =	shalt  }
0x53: {  	_ =	shalt  }
0x54: {  	_ =	shalt  }
0x55: {  	_ =	shalt  }
0x56: {  	_ =	shalt  }
0x57: {  	_ =	shalt  }
0x58: {  	_ =	shalt  }
0x59: {  	_ =	shalt  }
0x5a: {  	_ =	shalt  }
0x5b: {  	_ =	shalt  }
0x5c: {  	_ =	shalt  }
0x5d: {  	_ =	shalt  }
0x5e: {  	_ =	shalt  }
0x5f: {  	_ =	shalt  }
0x60: {  	_ =	shalt  }
0x61: {  	_ =	shalt  }
0x62: {  	_ =	shalt  }
0x63: {  	_ =	shalt  }
0x64: {  	_ =	shalt  }
0x65: {  	_ =	shalt  }
0x66: {  	_ =	shalt  }
0x67: {  	_ =	shalt  }
0x68: {  	_ =	shalt  }
0x69: {  	_ =	shalt  }
0x6a: {  	_ =	shalt  }
0x6b: {  	_ =	shalt  }
0x6c: {  	_ =	shalt  }
0x6d: {  	_ =	shalt  }
0x6e: {  	_ =	shalt  }
0x6f: {  	_ =	shalt  }
0x70: {  	_ =	shalt  }
0x71: {  	_ =	shalt  }
0x72: {  	_ =	shalt  }
0x73: {  	_ =	shalt  }
0x74: {  	_ =	shalt  }
0x75: {  	_ =	shalt  }
0x76: {  	_ =	shalt  }
0x77: {  	_ =	shalt  }
0x78: {  	_ =	shalt  }
0x79: {  	_ =	shalt  }
0x7a: {  	_ =	shalt  }
0x7b: {  	_ =	shalt  }
0x7c: {  	_ =	shalt  }
0x7d: {  	_ =	shalt  }
0x7e: {  	_ =	shalt  }
0x7f: {  	_ =	shalt  }
0x80: {  	_ =	shalt  }
0x81: {  	_ =	shalt  }
0x82: {  	_ =	shalt  }
0x83: {  	_ =	shalt  }
0x84: {  	_ =	shalt  }
0x85: {  	_ =	shalt  }
0x86: {  	_ =	shalt  }
0x87: {  	_ =	shalt  }
.Lfunc_end0:
.L_simem_size_0:
called_computation.2_lowered:
.L_overlay_start_0:
0x88: {  	s2 =	sld [smem:$0x3FD9]  }
0x89: {  	s3 =	sld [smem:$0x3FFE];
	_ =	sdelay $0x1  }
0x8a: {  	s1 =	srdreg.scid  }
0x8b: {  	s0 =	sand.u32 $0x1, s1  }
0x8c: {  	s17 =	sshll.u32 s0, $0xA;
	s2 =	sadd.s32 s3, s2  }
0x8d: {  	s2 =	sadd.s32 s2, s17  }
0x8e: {  	[smem:$0x3FC2] =	sst s2  }
0x8f: {  	_ = 	snop  }
0x90: {  	s2 =	sld [smem:$0x3FD0];
	(tm) =	ssettm $0x1  }
0x91: {  	s18 =	sld [smem:$0x3FFB];
	_ =	sdelay $0x3  }
0x92: {  	_ =	strace s18  }
0x93: {  	s3 =	sld [smem:$0x3FFC];
	_ =	sdelay $0x3  }
0x94: {  	_ =	strace s3  }
0x95: {  	s3 =	sld [smem:$0x3FFD];
	_ =	sdelay $0x3  }
0x96: {  	_ =	strace s3  }
0x97: {  	_ =	strace $0x8FFFFFFF  }
0x98: {  	s19 =	sld [smem:$0x3FDB];
	_ =	sdelay $0x1  }
0x99: {  	s4 =	simm.s32 $_scs_section_size  }
0x9a: {  	s5 =	simm.s32 $_size__tile_overlayer_lowered;
	s6 =	simm.s32 $_tile_overlayer_lowered  }
0x9b: {  	s22 =	simm.s32 $0x1BFF;
	s21 =	sshll.u32 s6, $0x1;
	s3 =	sadd.s32 s4, s19  }
0x9c: {  	s7 =	simm.s32 $0x0;
	s20 =	sshll.u32 s5, $0x1;
	s5 =	sadd.s32 s21, s3  }
0x9d: {  	[timem:s7], [sflag:s22] =	dma.local [hbm:s5], s20  }
0x9e: {  	_ =	swait.ge [sflag:s22], s20  }
0x9f: {  	s4 =	ssub.s32 $0x0, s20;
	[sflag:s22] =	ssyncset.done $0x0  }
0xa0: {  	[sflag:s22] =	ssyncadd.s32 s4;
	_ =	sdelay $0x1  }
0xa1: {  	s23 =	simm.s32 $0x1B8B  }
0xa2: {  	_ =	swait.ge [sflag:s23], $0x1  }
0xa3: {  	[sflag:s23] =	ssyncset.done $0x0  }
0xa4: {  	s25 =	simm.s32 $0x1B8E;
	s24 =	sld [smem:$0x3FFE];
	[sflag:s23] =	ssyncadd.s32 $0xFFFFFFFF  }
0xa5: {  	s26 =	simm.s32 $execute0_lowered;
	[smem:$0x3FD2] =	sst s25  }
0xa6: {  	s5 =	sshll.u32 s26, $0x1;
	_ =	strace $0x8000004C;
	[dreg:$0x1] =	wrdreg $0xFFFFFFFF  }
0xa7: {  	s28 =	simm.s32 $_size_execute0_lowered;
	s3 =	sadd.s32 s3, s5;
	[dreg:$0x0] =	wrdreg $0x0  }
0xa8: {  	s5 =	sshll.u32 s28, $0x1;
	[dreg:$0x2] =	wrdreg s3  }
0xa9: {  	[dreg:$0x3] =	wrdreg s5  }
0xaa: {  	[dreg:$0x4] =	wrdreg $0xC0  }
0xab: {  	_ =	task [dreg:s7], $0x5FFFF  }
0xac: {  	[dreg:$0x1] =	wrdreg $0xFFFFFFFF  }
0xad: {  	[dreg:$0x0] =	wrdreg $0x60  }
0xae: {  	[dreg:$0x2] =	wrdreg s24  }
0xaf: {  	[dreg:$0x3] =	wrdreg s2  }
0xb0: {  	[dreg:$0x4] =	wrdreg $0xA8000  }
0xb1: {  	[dreg:$0x5] =	wrdreg $0x9  }
0xb2: {  	_ =	task.clear_ibuf [dreg:s7], $0x6FFFF;
	_ =	strace $0x9000004C  }
0xb3: {  	s29 =	simm.s32 $0x9;
	_ =	strace $0x8000004E  }
0xb4: {  	_ =	swait.ge [sflag:s29], $0x1  }
0xb5: {  	[sflag:s29] =	ssyncadd.s32 $0xFFFFFFFF  }
0xb6: {  	_ =	strace $0x9000004E  }
0xb7: {  	_ =	sfence  }
0xb8: {  	s30 =	sld [smem:$0x0];
	_ =	sdelay $0x2  }
0xb9: {  	s31 =	sshll.u32 s1, $0xD;
	s1 =	sshrl.u32 s1, $0x2  }
0xba: {  	s3 =	sand.u32 $0x4000, s31;
	s1 =	sadd.s32 s1, s30  }
0xbb: {  	s0 =	sor.u32 s3, s0;
	s1 =	sshll.u32 s1, $0x11  }
0xbc: {  	s0 =	sor.u32 s1, s0  }
0xbd: {  	s0 =	sadd.s32 $0x8F2B, s0  }
0xbe: {  	[sflag:s0] =	ssyncadd.remote.s32 $0x1  }
0xbf: {  	_ =	sfence.sel $0xFFFF  }
0xc0: {  	[dreg:$0x0] =	wrdreg $0xFFFFFFFF;
	(pc) =	sbr.abs _section_cstart, $3  }
0xc1: {  	[dreg:$0x1] =	wrdreg $0xFFFFFFFF  }
0xc2: {  	_ =	task.clear_ibuf [dreg:s7], $0x2FFFF;
	_ =	strace $0x9FFFFFFF  }
0xc3: {  	(tm) =	ssettm $0x7FFFFFFF  }
tec
execute0_lowered:
.L_overlay_start_1:
0x0: {  	(tag) =	ssettag $0x1  }
0x1: {  	s6 =	rddreg [dreg:$0x0]  }
0x2: {  	s1 =	rddreg [dreg:$0x1]  }
0x3: {  	s2 =	rddreg [dreg:$0x2]  }
0x4: {  	s3 =	srdreg.scid;
	s4 =	simm.s32 $0x0;
	s0 =	stileid.u32  }
0x5: {  	s19 =	simm.s32 $0x1400;
	s20 =	simm.s32 $0x80;
	s21 =	simm.s32 $0x2800  }
0x6: {  	s28 =	simm.s32 $0x2780;
	s29 =	simm.s32 $0x0;
	s7 =	sand.u32 $0x1, s3  }
0x7: {  	[smem:$0x7FF] =	sst s4;
	s8 =	smul.u32 $0x14000, s0;
	s9 =	sadd.s32 $0xC600, s6  }
0x8: {  	s10 =	sadd.s32 $0x2600, s6;
	s11 =	smul.u32 $0x50000, s0;
	s23 =	sshll.u32 s0, $0x1  }
0x9: {  	s25 =	sshll.u32 s0, $0x6;
	s5 =	smul.u32 $0x140000, s7;
	_ =	strace $0x8000004D  }
0xa: {  	s22 =	ssub.s32 $0x2, s7;
	s7 =	sor.u32 s7, s23;
	s23 =	simm.s32 $0x1  }
0xb: {  	s13 =	sshrl.u32 s22, $0x1;
	s24 =	sshrl.u32 s11, $0x2;
	s7 =	smul.u32 $0x2800, s7  }
0xc: {  	s8 =	sadd.s32 s8, s5;
	s5 =	sadd.s32 $0x16600, s6;
	s14 =	sadd.s32 s24, s2  }
0xd: {  	s13 =	ssub.s32 s22, s13;
	s22 =	simm.s32 $0x6800;
	s24 =	simm.s32 $0x2  }
0xe: {  	s8 =	sshrl.u32 s8, $0x3;
	s15 =	sadd.s32 $0x4000, s14;
	s16 =	sadd.s32 $0x8000, s14  }
0xf: {  	s17 =	sadd.s32 $0xC000, s14;
	s26 =	sshrl.u32 s7, $0x3;
	s18 =	sadd.s32 $0x10000, s14  }
0x10: {  	s12 =	sadd.s32 s8, s6;
	s6 =	sor.u32 $0x1C03, s25;
	s30 =	sadd.s32 s9, s26  }
0x11: {  	s31 =	sadd.s32 $0x280, s26;
	s8 =	sadd.s32 s10, s26;
	s15 =	sshrl.u32 s15, $0x3  }
0x12: {  	s16 =	sshrl.u32 s16, $0x3;
	s17 =	sshrl.u32 s17, $0x3;
	s18 =	sshrl.u32 s18, $0x3  }
0x13: {  	s25 =	simm.s32 $0x1380;
	s26 =	simm.s32 $0x2700;
	[dreg:$0x4] =	wrdreg s30  }
0x14: {  	s9 =	sadd.s32 s9, s31;
	s10 =	sadd.s32 s10, s31;
	s11 =	sadd.s32 $0x16E00, s12  }
0x15: {  	s12 =	smax.u32 s13, $0x1;
	s13 =	sshrl.u32 s14, $0x3;
	s14 =	simm.s32 $0x3  }
.LBB2_1:
0x16: {  	[spmem:s13], [sflag:s6] =	dma.local [hbm:s5], $0x800  }
0x17: {  	_ =	swait.ge [sflag:s14], $0x800  }
0x18: {  	[sflag:s14] =	ssyncset.done $0x0  }
0x19: {  	[sflag:s14] =	ssyncadd.s32 $0xFFFFF800  }
0x1a: {  	[spmem:s15], [sflag:s6] =	dma.local [hbm:s5], $0x800  }
0x1b: {  	_ =	swait.ge [sflag:s14], $0x800  }
0x1c: {  	[sflag:s14] =	ssyncset.done $0x0  }
0x1d: {  	[sflag:s14] =	ssyncadd.s32 $0xFFFFF800  }
0x1e: {  	[spmem:s16], [sflag:s6] =	dma.local [hbm:s5], $0x800  }
0x1f: {  	_ =	swait.ge [sflag:s14], $0x800  }
0x20: {  	[sflag:s14] =	ssyncset.done $0x0  }
0x21: {  	[sflag:s14] =	ssyncadd.s32 $0xFFFFF800  }
0x22: {  	[spmem:s17], [sflag:s6] =	dma.local [hbm:s5], $0x800  }
0x23: {  	_ =	swait.ge [sflag:s14], $0x800  }
0x24: {  	[sflag:s14] =	ssyncset.done $0x0  }
0x25: {  	[sflag:s14] =	ssyncadd.s32 $0xFFFFF800  }
0x26: {  	[spmem:s18], [sflag:s6] =	dma.local [hbm:s5], $0x800  }
0x27: {  	_ =	swait.ge [sflag:s14], $0x800  }
0x28: {  	[sflag:s14] =	ssyncset.done $0x0  }
0x29: {  	[sflag:s14] =	ssyncadd.s32 $0xFFFFF800  }
0x2a: {  	[bflag:$0x0] =	sbarrier.arrive $0xFFFF  }
0x2b: {  	s0 =	rddreg [dreg:$0x4]  }
0x2c: {  	[tilespmem:s4], [sflag:$0x3] =	stream.linear.gather [hbm4b:s0+s4], $0x1400, $0x38;
	[tilespmem:$0x1E800] =	vst v63  }
0x2d: {  	_ =	swait.ge [sflag:s14], $0x1400  }
0x2e: {  	[sflag:s14] =	ssyncset.done $0x0  }
0x2f: {  	[sflag:s14] =	ssyncadd.s32 $0xFFFFEC00  }
0x30: {  	[tilespmem:s19], [sflag:$0x3] =	stream.linear.gather [hbm4b:s8+s4], $0x1400, $0x38;
	[tilespmem:$0x1E800] =	vst v63  }
0x31: {  	_ =	swait.ge [sflag:s14], $0x1400  }
0x32: {  	[sflag:s14] =	ssyncset.done $0x0  }
0x33: {  	[sflag:s14] =	ssyncadd.s32 $0xFFFFEC00  }
0x34: {  	[tilespmem:s21], [sflag:$0x1] =	stream.indirect.gather [hbm4b:s1+s20], $0x80, s4, s20, $0xb8;
	[tilespmem:$0x1E800] =	vst v63  }
0x35: {  	s30 =	simm.s32 $0x80  }
0x36: {  	[tilespmem:s22], [sflag:$0x2] =	stream.indirect.gather [hbm4b:s1+s20], $0x80, s30, s20, $0xb8;
	[tilespmem:$0x1E800] =	vst v63  }
0x37: {  	_ =	swait.ge [sflag:s23], $0x4000  }
0x38: {  	[sflag:s23] =	ssyncset.done $0x0  }
0x39: {  	s30 =	simm.s32 $0x1400;
	[sflag:s23] =	ssyncadd.s32 $0xFFFFC000  }
0x3a: {  	[spmem:s2] =	stream.indirect.scatter.add.f32 [tilespmem:s21], [sflag:$0x3], $0x80, s30, s20, $0xb8;
	[tilespmem:$0x1E800] =	vst v63  }
0x3b: {  	_ =	swait.ge [sflag:s14], $0x4000  }
0x3c: {  	[sflag:s14] =	ssyncset.done $0x0  }
0x3d: {  	s30 =	simm.s32 $0x100;
	[sflag:s14] =	ssyncadd.s32 $0xFFFFC000  }
0x3e: {  	[tilespmem:s21], [sflag:$0x1] =	stream.indirect.gather [hbm4b:s1+s20], $0x80, s30, s20, $0xb8;
	[tilespmem:$0x1E800] =	vst v63  }
0x3f: {  	_ =	swait.ge [sflag:s24], $0x4000  }
0x40: {  	[sflag:s24] =	ssyncset.done $0x0  }
0x41: {  	s30 =	simm.s32 $0x1480;
	[sflag:s24] =	ssyncadd.s32 $0xFFFFC000  }
0x42: {  	[spmem:s2] =	stream.indirect.scatter.add.f32 [tilespmem:s22], [sflag:$0x3], $0x80, s30, s20, $0xb8;
	[tilespmem:$0x1E800] =	vst v63  }
0x43: {  	_ =	swait.ge [sflag:s14], $0x4000  }
0x44: {  	s31 =	simm.s32 $0x800;
	s30 =	simm.s32 $0x100;
	[sflag:s14] =	ssyncset.done $0x0  }
.LBB2_2:
0x45: {  	s0 =	sadd.s32 $0x80, s30  }
0x46: {  	[sflag:s14] =	ssyncadd.s32 $0xFFFFC000;
	s3 =	smov.u32 s31;
	s7 =	sadd.s32 $0x400, s31  }
0x47: {  	[tilespmem:s22], [sflag:$0x2] =	stream.indirect.gather [hbm4b:s1+s20], $0x80, s0, s20, $0xb8;
	[tilespmem:$0x1E800] =	vst v63  }
0x48: {  	p0 =	sne.s32 s31, $0x4800;
	_ =	swait.ge [sflag:s23], $0x4000  }
0x49: {  	[sflag:s23] =	ssyncset.done $0x0  }
0x4a: {  	s0 =	sadd.s32 $0x1400, s30;
	[sflag:s23] =	ssyncadd.s32 $0xFFFFC000  }
0x4b: {  	[spmem:s2] =	stream.indirect.scatter.add.f32 [tilespmem:s21], [sflag:$0x3], $0x80, s0, s20, $0xb8;
	[tilespmem:$0x1E800] =	vst v63  }
0x4c: {  	_ =	swait.ge [sflag:s14], $0x4000  }
0x4d: {  	[sflag:s14] =	ssyncset.done $0x0  }
0x4e: {  	s0 =	sadd.s32 $0x100, s30;
	[sflag:s14] =	ssyncadd.s32 $0xFFFFC000  }
0x4f: {  	[tilespmem:s21], [sflag:$0x1] =	stream.indirect.gather [hbm4b:s1+s20], $0x80, s0, s20, $0xb8;
	[tilespmem:$0x1E800] =	vst v63  }
0x50: {  	_ =	swait.ge [sflag:s24], $0x4000  }
.Ltmp0:
0x51: {  	[sflag:s24] =	ssyncset.done $0x0;
	(pc) =	sbr.rel @p0 .LBB2_2-.Ltmp0, $4  }
0x52: {  	s0 =	sadd.s32 $0x1480, s30;
	[sflag:s24] =	ssyncadd.s32 $0xFFFFC000  }
0x53: {  	[spmem:s2] =	stream.indirect.scatter.add.f32 [tilespmem:s22], [sflag:$0x3], $0x80, s0, s20, $0xb8;
	[tilespmem:$0x1E800] =	vst v63  }
0x54: {  	_ =	swait.ge [sflag:s14], $0x4000  }
0x55: {  	s31 =	smov.u32 s7;
	s30 =	sshra.s32 s3, $0x2;
	[sflag:s14] =	ssyncset.done $0x0  }
0x56: {  	s0 =	sadd.s32 $0x80, s30;
	[sflag:s14] =	ssyncadd.s32 $0xFFFFC000  }
0x57: {  	[tilespmem:s22], [sflag:$0x2] =	stream.indirect.gather [hbm4b:s1+s20], $0x80, s0, s20, $0xb8;
	[tilespmem:$0x1E800] =	vst v63  }
0x58: {  	_ =	swait.ge [sflag:s23], $0x4000  }
0x59: {  	[sflag:s23] =	ssyncset.done $0x0  }
0x5a: {  	s3 =	sadd.s32 $0x1400, s30;
	[sflag:s23] =	ssyncadd.s32 $0xFFFFC000  }
0x5b: {  	[spmem:s2] =	stream.indirect.scatter.add.f32 [tilespmem:s21], [sflag:$0x3], $0x80, s3, s20, $0xb8;
	[tilespmem:$0x1E800] =	vst v63  }
0x5c: {  	_ =	swait.ge [sflag:s14], $0x4000  }
0x5d: {  	[sflag:s14] =	ssyncset.done $0x0  }
0x5e: {  	s7 =	sadd.s32 $0x100, s30;
	[sflag:s14] =	ssyncadd.s32 $0xFFFFC000  }
0x5f: {  	[tilespmem:s21], [sflag:$0x1] =	stream.indirect.gather [hbm4b:s1+s20], $0x80, s7, s20, $0xb8;
	[tilespmem:$0x1E800] =	vst v63  }
0x60: {  	_ =	swait.ge [sflag:s24], $0x4000  }
0x61: {  	[sflag:s24] =	ssyncset.done $0x0  }
0x62: {  	s3 =	sadd.s32 $0x1480, s30;
	[sflag:s24] =	ssyncadd.s32 $0xFFFFC000  }
0x63: {  	[spmem:s2] =	stream.indirect.scatter.add.f32 [tilespmem:s22], [sflag:$0x3], $0x80, s3, s20, $0xb8;
	[tilespmem:$0x1E800] =	vst v63  }
0x64: {  	_ =	swait.ge [sflag:s14], $0x4000  }
0x65: {  	[sflag:s14] =	ssyncset.done $0x0  }
0x66: {  	[sflag:s14] =	ssyncadd.s32 $0xFFFFC000  }
0x67: {  	[tilespmem:s22], [sflag:$0x2] =	stream.indirect.gather [hbm4b:s1+s20], $0x80, s25, s20, $0xb8;
	[tilespmem:$0x1E800] =	vst v63  }
0x68: {  	_ =	swait.ge [sflag:s23], $0x4000  }
0x69: {  	[sflag:s23] =	ssyncset.done $0x0  }
0x6a: {  	[sflag:s23] =	ssyncadd.s32 $0xFFFFC000  }
0x6b: {  	[spmem:s2] =	stream.indirect.scatter.add.f32 [tilespmem:s21], [sflag:$0x3], $0x80, s26, s20, $0xb8;
	[tilespmem:$0x1E800] =	vst v63  }
0x6c: {  	_ =	swait.ge [sflag:s14], $0x4000  }
0x6d: {  	[sflag:s14] =	ssyncset.done $0x0  }
0x6e: {  	[sflag:s14] =	ssyncadd.s32 $0xFFFFC000  }
0x6f: {  	_ =	swait.ge [sflag:s24], $0x4000  }
0x70: {  	[sflag:s24] =	ssyncset.done $0x0  }
0x71: {  	[sflag:s24] =	ssyncadd.s32 $0xFFFFC000  }
0x72: {  	[spmem:s2] =	stream.indirect.scatter.add.f32 [tilespmem:s22], [sflag:$0x3], $0x80, s28, s20, $0xb8;
	[tilespmem:$0x1E800] =	vst v63  }
0x73: {  	_ =	swait.ge [sflag:s14], $0x4000  }
0x74: {  	[sflag:s14] =	ssyncset.done $0x0  }
0x75: {  	s7 =	simm.s32 $0x0;
	[sflag:s14] =	ssyncadd.s32 $0xFFFFC000  }
0x76: {  	[tilespmem:s7], [sflag:$0x3] =	stream.linear.gather [hbm4b:s9+s7], $0x1400, $0x38;
	[tilespmem:$0x1E800] =	vst v63  }
0x77: {  	_ =	swait.ge [sflag:s14], $0x1400  }
0x78: {  	[sflag:s14] =	ssyncset.done $0x0  }
0x79: {  	[sflag:s14] =	ssyncadd.s32 $0xFFFFEC00  }
0x7a: {  	[tilespmem:s19], [sflag:$0x3] =	stream.linear.gather [hbm4b:s10+s7], $0x1400, $0x38;
	[tilespmem:$0x1E800] =	vst v63  }
0x7b: {  	_ =	swait.ge [sflag:s14], $0x1400  }
0x7c: {  	[sflag:s14] =	ssyncset.done $0x0  }
0x7d: {  	[sflag:s14] =	ssyncadd.s32 $0xFFFFEC00  }
0x7e: {  	[tilespmem:s21], [sflag:$0x1] =	stream.indirect.gather [hbm4b:s1+s20], $0x80, s7, s20, $0xb8;
	[tilespmem:$0x1E800] =	vst v63  }
0x7f: {  	s3 =	simm.s32 $0x80  }
0x80: {  	[tilespmem:s22], [sflag:$0x2] =	stream.indirect.gather [hbm4b:s1+s20], $0x80, s3, s20, $0xb8;
	[tilespmem:$0x1E800] =	vst v63  }
0x81: {  	_ =	swait.ge [sflag:s23], $0x4000  }
0x82: {  	[sflag:s23] =	ssyncset.done $0x0  }
0x83: {  	s7 =	simm.s32 $0x1400;
	[sflag:s23] =	ssyncadd.s32 $0xFFFFC000  }
0x84: {  	[spmem:s2] =	stream.indirect.scatter.add.f32 [tilespmem:s21], [sflag:$0x3], $0x80, s7, s20, $0xb8;
	[tilespmem:$0x1E800] =	vst v63  }
0x85: {  	_ =	swait.ge [sflag:s14], $0x4000  }
0x86: {  	[sflag:s14] =	ssyncset.done $0x0  }
0x87: {  	s3 =	simm.s32 $0x100;
	[sflag:s14] =	ssyncadd.s32 $0xFFFFC000  }
0x88: {  	[tilespmem:s21], [sflag:$0x1] =	stream.indirect.gather [hbm4b:s1+s20], $0x80, s3, s20, $0xb8;
	[tilespmem:$0x1E800] =	vst v63  }
0x89: {  	_ =	swait.ge [sflag:s24], $0x4000  }
0x8a: {  	[sflag:s24] =	ssyncset.done $0x0  }
0x8b: {  	s7 =	simm.s32 $0x1480;
	[sflag:s24] =	ssyncadd.s32 $0xFFFFC000  }
0x8c: {  	[spmem:s2] =	stream.indirect.scatter.add.f32 [tilespmem:s22], [sflag:$0x3], $0x80, s7, s20, $0xb8;
	[tilespmem:$0x1E800] =	vst v63  }
0x8d: {  	_ =	swait.ge [sflag:s14], $0x4000  }
0x8e: {  	s31 =	simm.s32 $0x800;
	s30 =	simm.s32 $0x100;
	[sflag:s14] =	ssyncset.done $0x0  }
.LBB2_4:
0x8f: {  	s0 =	sadd.s32 $0x80, s30  }
0x90: {  	[sflag:s14] =	ssyncadd.s32 $0xFFFFC000;
	s3 =	smov.u32 s31;
	s7 =	sadd.s32 $0x400, s31  }
0x91: {  	[tilespmem:s22], [sflag:$0x2] =	stream.indirect.gather [hbm4b:s1+s20], $0x80, s0, s20, $0xb8;
	[tilespmem:$0x1E800] =	vst v63  }
0x92: {  	p0 =	sne.s32 s31, $0x4800;
	_ =	swait.ge [sflag:s23], $0x4000  }
0x93: {  	[sflag:s23] =	ssyncset.done $0x0  }
0x94: {  	s0 =	sadd.s32 $0x1400, s30;
	[sflag:s23] =	ssyncadd.s32 $0xFFFFC000  }
0x95: {  	[spmem:s2] =	stream.indirect.scatter.add.f32 [tilespmem:s21], [sflag:$0x3], $0x80, s0, s20, $0xb8;
	[tilespmem:$0x1E800] =	vst v63  }
0x96: {  	_ =	swait.ge [sflag:s14], $0x4000  }
0x97: {  	[sflag:s14] =	ssyncset.done $0x0  }
0x98: {  	s0 =	sadd.s32 $0x100, s30;
	[sflag:s14] =	ssyncadd.s32 $0xFFFFC000  }
0x99: {  	[tilespmem:s21], [sflag:$0x1] =	stream.indirect.gather [hbm4b:s1+s20], $0x80, s0, s20, $0xb8;
	[tilespmem:$0x1E800] =	vst v63  }
0x9a: {  	_ =	swait.ge [sflag:s24], $0x4000  }
.Ltmp1:
0x9b: {  	[sflag:s24] =	ssyncset.done $0x0;
	(pc) =	sbr.rel @p0 .LBB2_4-.Ltmp1, $4  }
0x9c: {  	s0 =	sadd.s32 $0x1480, s30;
	[sflag:s24] =	ssyncadd.s32 $0xFFFFC000  }
0x9d: {  	[spmem:s2] =	stream.indirect.scatter.add.f32 [tilespmem:s22], [sflag:$0x3], $0x80, s0, s20, $0xb8;
	[tilespmem:$0x1E800] =	vst v63  }
0x9e: {  	_ =	swait.ge [sflag:s14], $0x4000  }
0x9f: {  	s31 =	smov.u32 s7;
	s30 =	sshra.s32 s3, $0x2;
	[sflag:s14] =	ssyncset.done $0x0  }
0xa0: {  	s0 =	sadd.s32 $0x80, s30;
	[sflag:s14] =	ssyncadd.s32 $0xFFFFC000  }
0xa1: {  	[tilespmem:s22], [sflag:$0x2] =	stream.indirect.gather [hbm4b:s1+s20], $0x80, s0, s20, $0xb8;
	[tilespmem:$0x1E800] =	vst v63  }
0xa2: {  	_ =	swait.ge [sflag:s23], $0x4000  }
0xa3: {  	[sflag:s23] =	ssyncset.done $0x0  }
0xa4: {  	s3 =	sadd.s32 $0x1400, s30;
	[sflag:s23] =	ssyncadd.s32 $0xFFFFC000  }
0xa5: {  	[spmem:s2] =	stream.indirect.scatter.add.f32 [tilespmem:s21], [sflag:$0x3], $0x80, s3, s20, $0xb8;
	[tilespmem:$0x1E800] =	vst v63  }
0xa6: {  	_ =	swait.ge [sflag:s14], $0x4000  }
0xa7: {  	[sflag:s14] =	ssyncset.done $0x0  }
0xa8: {  	s7 =	sadd.s32 $0x100, s30;
	[sflag:s14] =	ssyncadd.s32 $0xFFFFC000  }
0xa9: {  	[tilespmem:s21], [sflag:$0x1] =	stream.indirect.gather [hbm4b:s1+s20], $0x80, s7, s20, $0xb8;
	[tilespmem:$0x1E800] =	vst v63  }
0xaa: {  	_ =	swait.ge [sflag:s24], $0x4000  }
0xab: {  	[sflag:s24] =	ssyncset.done $0x0  }
0xac: {  	s31 =	sadd.s32 $0x1480, s30;
	[sflag:s24] =	ssyncadd.s32 $0xFFFFC000  }
0xad: {  	[spmem:s2] =	stream.indirect.scatter.add.f32 [tilespmem:s22], [sflag:$0x3], $0x80, s31, s20, $0xb8;
	[tilespmem:$0x1E800] =	vst v63  }
0xae: {  	_ =	swait.ge [sflag:s14], $0x4000  }
0xaf: {  	[sflag:s14] =	ssyncset.done $0x0  }
0xb0: {  	[sflag:s14] =	ssyncadd.s32 $0xFFFFC000  }
0xb1: {  	[tilespmem:s22], [sflag:$0x2] =	stream.indirect.gather [hbm4b:s1+s20], $0x80, s25, s20, $0xb8;
	[tilespmem:$0x1E800] =	vst v63  }
0xb2: {  	_ =	swait.ge [sflag:s23], $0x4000  }
0xb3: {  	[sflag:s23] =	ssyncset.done $0x0  }
0xb4: {  	[sflag:s23] =	ssyncadd.s32 $0xFFFFC000  }
0xb5: {  	[spmem:s2] =	stream.indirect.scatter.add.f32 [tilespmem:s21], [sflag:$0x3], $0x80, s26, s20, $0xb8;
	[tilespmem:$0x1E800] =	vst v63  }
0xb6: {  	_ =	swait.ge [sflag:s14], $0x4000  }
0xb7: {  	[sflag:s14] =	ssyncset.done $0x0  }
0xb8: {  	[sflag:s14] =	ssyncadd.s32 $0xFFFFC000  }
0xb9: {  	_ =	swait.ge [sflag:s24], $0x4000  }
0xba: {  	[sflag:s24] =	ssyncset.done $0x0  }
0xbb: {  	[sflag:s24] =	ssyncadd.s32 $0xFFFFC000  }
0xbc: {  	[spmem:s2] =	stream.indirect.scatter.add.f32 [tilespmem:s22], [sflag:$0x3], $0x80, s28, s20, $0xb8;
	[tilespmem:$0x1E800] =	vst v63  }
0xbd: {  	_ =	swait.ge [sflag:s14], $0x4000  }
0xbe: {  	s29 =	sadd.s32 $0x1, s29;
	[sflag:s14] =	ssyncset.done $0x0  }
0xbf: {  	p0 =	sne.s32 s29, s12;
	[sflag:s14] =	ssyncadd.s32 $0xFFFFC000  }
.Ltmp2:
0xc0: {  	[bflag:$0x0] =	sbarrier.arrive $0xFFFF;
	(pc) =	sbr.rel @p0 .LBB2_1-.Ltmp2, $4  }
0xc1: {  	[hbm:s11], [sflag:s6] =	dma.local [spmem:s13], $0x2800  }
0xc2: {  	_ =	swait.ge [sflag:s14], $0x2800  }
0xc3: {  	[sflag:s14] =	ssyncset.done $0x0  }
0xc4: {  	[sflag:s14] =	ssyncadd.s32 $0xFFFFD800  }
0xc5: {  	_ =	sfence.sel $0x180000  }
0xc6: {  	[bflag:$0x0] =	sbarrier.arrive $0xFFFF  }
0xc7: {  	_ =	strace $0x9000004D  }
0xc8: {  	s0 =	stileid.u32;
	[bflag:$0x2] =	sbarrier.arrive $0xFFFF  }
0xc9: {  	p0 =	sne.s32 s0, $0x0;
	s0 =	rddreg [dreg:$0x3]  }
0xca: {  	s0 =	sadd.s32 @!p0 $0x100000, s0  }
0xcb: {  	[sflag:s0] =	ssyncadd.tile.s32 @!p0 $0x1;
	_ =	shalt  }
.Lfunc_end2:
_tile_overlayer_lowered:
.L_overlay_start_2:
0xcc: {  	(tag) =	ssettag $0x2  }
0xcd: {  	s0 =	rddreg [dreg:$0x0];
	s2 =	stileid.u32  }
0xce: {  	s1 =	rddreg [dreg:$0x1];
	p0 =	sne.s32 s2, $0x0  }
0xcf: {  	s3 =	rddreg [dreg:$0x2];
	[bflag:$0x3] =	sbarrier.arrive $0xFFFF;
	s2 =	simm.s32 @!p0 $0x1C03  }
0xd0: {  	[timem:s3], [sflag:s2] =	dma.local @!p0 [hbm:s0], s1  }
0xd1: {  	s0 =	simm.s32 @!p0 $0x3  }
0xd2: {  	_ =	swait.ge @!p0 [sflag:s0], s1  }
0xd3: {  	s1 =	ssub.s32 @!p0 $0x0, s1;
	[sflag:s0] =	ssyncset.done @!p0 $0x0  }
0xd4: {  	[sflag:s0] =	ssyncadd.s32 @!p0 s1  }
0xd5: {  	[bflag:$0x3] =	sbarrier.arrive $0xFFFF  }
0xd6: {  	_ =	shalt  }

// kernel: kernel.8.cloned.1.call-start
scs
__scs_entry_jumppad:
0x0: {  	(pc) =	sbr.rel $0x88, $3  }
0x1: {  	(tag) =	ssettag $0x0;
	lr =	simm.s32 $0x1  }
0x2: {  	[smem:$0x3F9B] =	sst lr;
	_ =	strace $0xD0000000  }
0x3: {  	_ = 	snop  }
0x4: {  	_ = 	snop  }
0x5: {  	_ = 	snop  }
0x6: {  	_ = 	snop  }
0x7: {  	_ = 	snop  }
__scs_overlays_trampoline_lowered:
0x8: {  	[smem:$0x3FAA] =	sst s0  }
0x9: {  	[smem:$0x3FAB] =	sst s1  }
0xa: {  	[smem:$0x3FAC] =	sst s2  }
0xb: {  	[smem:$0x3FAD] =	sst s3  }
0xc: {  	[smem:$0x3FAE] =	sst s4  }
0xd: {  	[smem:$0x3FAF] =	sst s5  }
0xe: {  	[smem:$0x3FB0] =	sst s6  }
0xf: {  	[smem:$0x3FB1] =	sst s7  }
0x10: {  	[smem:$0x3FB2] =	sst s8  }
0x11: {  	[smem:$0x3FB3] =	sst s9;
	s0 =	simm.s32 @!p0 $0x0  }
0x12: {  	s1 =	sld [smem:$0x3F99];
	s0 =	simm.s32 @p0 $0x1  }
0x13: {  	[smem:$0x3FB4] =	sst s0;
	s0 =	simm.s32 @!p1 $0x0  }
0x14: {  	s2 =	sld [smem:$0x3F98];
	s0 =	simm.s32 @p1 $0x1  }
0x15: {  	[smem:$0x3FB5] =	sst s0;
	s0 =	simm.s32 @!p2 $0x0  }
0x16: {  	s3 =	sld [smem:$0x3FDB];
	s0 =	simm.s32 @p2 $0x1  }
0x17: {  	s4 =	simm.s32 $0x1BF5;
	[smem:$0x3FB7] =	sst s0  }
0x18: {  	s0 =	sld [smem:$0x3F9A];
	_ =	swait.ge [sflag:s4], $0x0  }
0x19: {  	s7 =	sld [smem:$0x3F9B]  }
0x1a: {  	s8 =	sadd.s32 $0xFFFFE003, lr  }
0x1b: {  	s9 =	sadd.s32 $0xFFFFFEF7, lr;
	s5 =	simm.s32 $0xFFFFFFFF;
	p2 =	slt.u32 s8, $0xFFFFF086  }
0x1c: {  	p1 =	slt.u32 s9, $0xF7A;
	s5 =	simm.s32 @!p2 $0x0  }
0x1d: {  	s5 =	simm.s32 @p1 $0x1;
	p0 =	seq.s32 s7, s2  }
0x1e: {  	s7 =	smul.u32 @!p0 $0xF7A, s2;
	p2 =	seq.s32 @!p0 s5, $0x0  }
0x1f: {  	s9 =	smul.u32 $0xF7A, s1;
	s8 =	simm.s32 @!p0 $0x1BF5;
	p2 =	por !p2, p0  }
0x20: {  	[sflag:s8] =	ssyncset.s32 @!p0 $0xFFFFF086;
	s6 =	sadd.s32 @!p0 s3, s7;
	s7 =	simm.s32 @!p0 $0x108  }
0x21: {  	s3 =	sadd.s32 s3, s9;
	s6 =	sadd.s32 @!p0 $0x88, s6;
	s7 =	simm.s32 @p2 $0x1082  }
0x22: {  	[simem:s7], [sflag:s8] =	dma.local @!p0 [hbm:s6], $0xF7A  }
0x23: {  	s9 =	sor.u32 $0xD0000000, s2;
	s6 =	simm.s32 $0x108;
	_ =	swait.ge @!p0 [sflag:s8], $0x0  }
0x24: {  	s3 =	sadd.s32 $0x88, s3;
	s6 =	simm.s32 @!p1 $0x1082;
	[sflag:s4] =	ssyncset.s32 $0xFFFFF086  }
0x25: {  	[simem:s6], [sflag:s4] =	dma.local [hbm:s3], $0xF7A  }
0x26: {  	[smem:$0x3F9B] =	sst s1;
	(tag) =	ssettag s2;
	_ =	strace s9  }
0x27: {  	s1 =	sld [smem:$0x3FAB]  }
0x28: {  	s2 =	sld [smem:$0x3FAC]  }
0x29: {  	s4 =	sld [smem:$0x3FAE]  }
0x2a: {  	p0 =	seq.s32 s5, $0x0;
	s5 =	sld [smem:$0x3FAF]  }
0x2b: {  	s6 =	sld [smem:$0x3FB0]  }
0x2c: {  	s7 =	sld [smem:$0x3FB1]  }
0x2d: {  	s3 =	simm.s32 $0x108;
	s8 =	sld [smem:$0x3FB2]  }
0x2e: {  	s3 =	simm.s32 @!p0 $0x1082;
	s9 =	sld [smem:$0x3FB3]  }
0x2f: {  	lr =	sadd.s32 s0, s3;
	s0 =	sld [smem:$0x3FAA]  }
0x30: {  	s3 =	sld [smem:$0x3FAD]  }
0x31: {  	[smem:$0x3FB6] =	sst s10  }
0x32: {  	s10 =	sld [smem:$0x3FB4];
	_ =	sdelay $0x3  }
0x33: {  	p0 =	seq.s32 s10, $0x1;
	s10 =	sld [smem:$0x3FB6];
	_ =	sdelay $0x3  }
0x34: {  	[smem:$0x3FB6] =	sst s10  }
0x35: {  	s10 =	sld [smem:$0x3FB5];
	_ =	sdelay $0x3  }
0x36: {  	p1 =	seq.s32 s10, $0x1;
	s10 =	sld [smem:$0x3FB6];
	_ =	sdelay $0x3  }
0x37: {  	[smem:$0x3FB6] =	sst s10  }
0x38: {  	s10 =	sld [smem:$0x3FB7]  }
0x39: {  	_ = 	snop;
	(pc) =	sbr.ind lr, $3  }
0x3a: {  	_ = 	snop  }
0x3b: {  	_ = 	snop  }
0x3c: {  	p2 =	seq.s32 s10, $0x1;
	s10 =	sld [smem:$0x3FB6]  }
0x3d: {  	_ =	shalt  }
0x3e: {  	_ =	shalt  }
0x3f: {  	_ =	shalt  }
0x40: {  	_ =	shalt  }
0x41: {  	_ =	shalt  }
0x42: {  	_ =	shalt  }
0x43: {  	_ =	shalt  }
0x44: {  	_ =	shalt  }
0x45: {  	_ =	shalt  }
0x46: {  	_ =	shalt  }
0x47: {  	_ =	shalt  }
0x48: {  	_ =	shalt  }
0x49: {  	_ =	shalt  }
0x4a: {  	_ =	shalt  }
0x4b: {  	_ =	shalt  }
0x4c: {  	_ =	shalt  }
0x4d: {  	_ =	shalt  }
0x4e: {  	_ =	shalt  }
0x4f: {  	_ =	shalt  }
0x50: {  	_ =	shalt  }
0x51: {  	_ =	shalt  }
0x52: {  	_ =	shalt  }
0x53: {  	_ =	shalt  }
0x54: {  	_ =	shalt  }
0x55: {  	_ =	shalt  }
0x56: {  	_ =	shalt  }
0x57: {  	_ =	shalt  }
0x58: {  	_ =	shalt  }
0x59: {  	_ =	shalt  }
0x5a: {  	_ =	shalt  }
0x5b: {  	_ =	shalt  }
0x5c: {  	_ =	shalt  }
0x5d: {  	_ =	shalt  }
0x5e: {  	_ =	shalt  }
0x5f: {  	_ =	shalt  }
0x60: {  	_ =	shalt  }
0x61: {  	_ =	shalt  }
0x62: {  	_ =	shalt  }
0x63: {  	_ =	shalt  }
0x64: {  	_ =	shalt  }
0x65: {  	_ =	shalt  }
0x66: {  	_ =	shalt  }
0x67: {  	_ =	shalt  }
0x68: {  	_ =	shalt  }
0x69: {  	_ =	shalt  }
0x6a: {  	_ =	shalt  }
0x6b: {  	_ =	shalt  }
0x6c: {  	_ =	shalt  }
0x6d: {  	_ =	shalt  }
0x6e: {  	_ =	shalt  }
0x6f: {  	_ =	shalt  }
0x70: {  	_ =	shalt  }
0x71: {  	_ =	shalt  }
0x72: {  	_ =	shalt  }
0x73: {  	_ =	shalt  }
0x74: {  	_ =	shalt  }
0x75: {  	_ =	shalt  }
0x76: {  	_ =	shalt  }
0x77: {  	_ =	shalt  }
0x78: {  	_ =	shalt  }
0x79: {  	_ =	shalt  }
0x7a: {  	_ =	shalt  }
0x7b: {  	_ =	shalt  }
0x7c: {  	_ =	shalt  }
0x7d: {  	_ =	shalt  }
0x7e: {  	_ =	shalt  }
0x7f: {  	_ =	shalt  }
0x80: {  	_ =	shalt  }
0x81: {  	_ =	shalt  }
0x82: {  	_ =	shalt  }
0x83: {  	_ =	shalt  }
0x84: {  	_ =	shalt  }
0x85: {  	_ =	shalt  }
0x86: {  	_ =	shalt  }
0x87: {  	_ =	shalt  }
.Lfunc_end0:
.L_simem_size_0:
called_computation_lowered:
.L_overlay_start_0:
0x88: {  	s2 =	sld [smem:$0x3FD9]  }
0x89: {  	s3 =	sld [smem:$0x3FFE];
	_ =	sdelay $0x1  }
0x8a: {  	s1 =	srdreg.scid  }
0x8b: {  	s0 =	sand.u32 $0x1, s1  }
0x8c: {  	s17 =	sshll.u32 s0, $0xA;
	s2 =	sadd.s32 s3, s2  }
0x8d: {  	s2 =	sadd.s32 s2, s17  }
0x8e: {  	[smem:$0x3FC2] =	sst s2  }
0x8f: {  	_ = 	snop  }
0x90: {  	s2 =	sld [smem:$0x3FD0];
	(tm) =	ssettm $0x1  }
0x91: {  	s18 =	sld [smem:$0x3FFB];
	_ =	sdelay $0x3  }
0x92: {  	_ =	strace s18  }
0x93: {  	s3 =	sld [smem:$0x3FFC];
	_ =	sdelay $0x3  }
0x94: {  	_ =	strace s3  }
0x95: {  	s3 =	sld [smem:$0x3FFD];
	_ =	sdelay $0x3  }
0x96: {  	_ =	strace s3  }
0x97: {  	_ =	strace $0x8FFFFFFF  }
0x98: {  	s19 =	sld [smem:$0x3FDB];
	_ =	sdelay $0x1  }
0x99: {  	s4 =	simm.s32 $_scs_section_size  }
0x9a: {  	s5 =	simm.s32 $_size__tile_overlayer_lowered;
	s6 =	simm.s32 $_tile_overlayer_lowered  }
0x9b: {  	s22 =	simm.s32 $0x1BFF;
	s21 =	sshll.u32 s6, $0x1;
	s3 =	sadd.s32 s4, s19  }
0x9c: {  	s7 =	simm.s32 $0x0;
	s20 =	sshll.u32 s5, $0x1;
	s5 =	sadd.s32 s21, s3  }
0x9d: {  	[timem:s7], [sflag:s22] =	dma.local [hbm:s5], s20  }
0x9e: {  	_ =	swait.ge [sflag:s22], s20  }
0x9f: {  	s4 =	ssub.s32 $0x0, s20;
	[sflag:s22] =	ssyncset.done $0x0  }
0xa0: {  	[sflag:s22] =	ssyncadd.s32 s4;
	_ =	sdelay $0x1  }
0xa1: {  	s23 =	simm.s32 $0x1B8B  }
0xa2: {  	_ =	swait.ge [sflag:s23], $0x1  }
0xa3: {  	[sflag:s23] =	ssyncset.done $0x0  }
0xa4: {  	s25 =	simm.s32 $0x1B8E;
	s24 =	sld [smem:$0x3FFE];
	[sflag:s23] =	ssyncadd.s32 $0xFFFFFFFF  }
0xa5: {  	s26 =	simm.s32 $execute0_lowered;
	[smem:$0x3FD2] =	sst s25  }
0xa6: {  	s5 =	sshll.u32 s26, $0x1;
	_ =	strace $0x80000046;
	[dreg:$0x1] =	wrdreg $0xFFFFFFFF  }
0xa7: {  	s28 =	simm.s32 $_size_execute0_lowered;
	s3 =	sadd.s32 s3, s5;
	[dreg:$0x0] =	wrdreg $0x0  }
0xa8: {  	s5 =	sshll.u32 s28, $0x1;
	[dreg:$0x2] =	wrdreg s3  }
0xa9: {  	[dreg:$0x3] =	wrdreg s5  }
0xaa: {  	[dreg:$0x4] =	wrdreg $0xC0  }
0xab: {  	_ =	task [dreg:s7], $0x5FFFF  }
0xac: {  	[dreg:$0x1] =	wrdreg $0xFFFFFFFF  }
0xad: {  	[dreg:$0x0] =	wrdreg $0x60  }
0xae: {  	[dreg:$0x2] =	wrdreg s24  }
0xaf: {  	[dreg:$0x3] =	wrdreg s2  }
0xb0: {  	[dreg:$0x4] =	wrdreg $0x68000  }
0xb1: {  	[dreg:$0x5] =	wrdreg $0x9  }
0xb2: {  	_ =	task.clear_ibuf [dreg:s7], $0x6FFFF;
	_ =	strace $0x90000046  }
0xb3: {  	s29 =	simm.s32 $0x9;
	_ =	strace $0x80000048  }
0xb4: {  	_ =	swait.ge [sflag:s29], $0x1  }
0xb5: {  	[sflag:s29] =	ssyncadd.s32 $0xFFFFFFFF  }
0xb6: {  	_ =	strace $0x90000048  }
0xb7: {  	_ =	sfence  }
0xb8: {  	s30 =	sld [smem:$0x0];
	_ =	sdelay $0x2  }
0xb9: {  	s31 =	sshll.u32 s1, $0xD;
	s1 =	sshrl.u32 s1, $0x2  }
0xba: {  	s3 =	sand.u32 $0x4000, s31;
	s1 =	sadd.s32 s1, s30  }
0xbb: {  	s0 =	sor.u32 s3, s0;
	s1 =	sshll.u32 s1, $0x11  }
0xbc: {  	s0 =	sor.u32 s1, s0  }
0xbd: {  	s0 =	sadd.s32 $0x8F2B, s0  }
0xbe: {  	[sflag:s0] =	ssyncadd.remote.s32 $0x1  }
0xbf: {  	_ =	sfence.sel $0xFFFF  }
0xc0: {  	[dreg:$0x0] =	wrdreg $0xFFFFFFFF;
	(pc) =	sbr.abs _section_cstart, $3  }
0xc1: {  	[dreg:$0x1] =	wrdreg $0xFFFFFFFF  }
0xc2: {  	_ =	task.clear_ibuf [dreg:s7], $0x2FFFF;
	_ =	strace $0x9FFFFFFF  }
0xc3: {  	(tm) =	ssettm $0x7FFFFFFF  }
tec
execute0_lowered:
.L_overlay_start_1:
0x0: {  	(tag) =	ssettag $0x1  }
0x1: {  	s6 =	rddreg [dreg:$0x0]  }
0x2: {  	s1 =	srdreg.scid;
	s2 =	rddreg [dreg:$0x1]  }
0x3: {  	s0 =	stileid.u32;
	s3 =	rddreg [dreg:$0x2]  }
0x4: {  	s4 =	simm.s32 $0x0;
	s16 =	simm.s32 $0x2800;
	s17 =	simm.s32 $0x80  }
0x5: {  	s18 =	simm.s32 $0x0;
	s7 =	sand.u32 $0x1, s1;
	s9 =	smul.u32 $0x14000, s0  }
0x6: {  	s29 =	sshll.u32 s0, $0x1;
	[smem:$0x7FF] =	sst s4;
	s11 =	smul.u32 $0x50000, s0  }
0x7: {  	s31 =	sshll.u32 s0, $0x6;
	s1 =	sor.u32 s7, s29;
	s8 =	smul.u32 $0x140000, s7  }
0x8: {  	s7 =	ssub.s32 $0x2, s7;
	s5 =	smul.u32 $0x500, s1;
	s1 =	rddreg [dreg:$0x3]  }
0x9: {  	_ =	strace $0x80000047;
	s30 =	sshrl.u32 s7, $0x1;
	s11 =	sshrl.u32 s11, $0x2  }
0xa: {  	s8 =	sadd.s32 s9, s8;
	s9 =	ssub.s32 s7, s30;
	s11 =	sadd.s32 s11, s3  }
0xb: {  	s10 =	sadd.s32 s5, s6;
	s5 =	sadd.s32 $0x16600, s6;
	s8 =	sshrl.u32 s8, $0x3  }
0xc: {  	s12 =	sadd.s32 $0x4000, s11;
	s13 =	sadd.s32 $0x8000, s11;
	s14 =	sadd.s32 $0xC000, s11  }
0xd: {  	s15 =	sadd.s32 $0x10000, s11;
	s11 =	sshrl.u32 s11, $0x3;
	s8 =	sadd.s32 s8, s6  }
0xe: {  	s6 =	sadd.s32 $0x2600, s10;
	s10 =	sor.u32 $0x1C01, s31;
	s12 =	sshrl.u32 s12, $0x3  }
0xf: {  	s13 =	sshrl.u32 s13, $0x3;
	s14 =	sshrl.u32 s14, $0x3;
	s15 =	sshrl.u32 s15, $0x3  }
0x10: {  	s7 =	sadd.s32 $0x16E00, s8;
	s8 =	smax.u32 s9, $0x1;
	s9 =	simm.s32 $0x1  }
.LBB2_1:
0x11: {  	[tilespmem:s4], [sflag:$0x1] =	stream.linear.gather [hbm4b:s6+s4], $0x2800, $0x38;
	[tilespmem:$0x1A800] =	vst v63  }
0x12: {  	_ =	swait.ge [sflag:s9], $0x2800  }
0x13: {  	[sflag:s9] =	ssyncset.done $0x0  }
0x14: {  	[sflag:s9] =	ssyncadd.s32 $0xFFFFD800  }
0x15: {  	[spmem:s11], [sflag:s10] =	dma.local [hbm:s5], $0x800  }
0x16: {  	_ =	swait.ge [sflag:s9], $0x800  }
0x17: {  	[sflag:s9] =	ssyncset.done $0x0  }
0x18: {  	[sflag:s9] =	ssyncadd.s32 $0xFFFFF800  }
0x19: {  	[spmem:s12], [sflag:s10] =	dma.local [hbm:s5], $0x800  }
0x1a: {  	_ =	swait.ge [sflag:s9], $0x800  }
0x1b: {  	[sflag:s9] =	ssyncset.done $0x0  }
0x1c: {  	[sflag:s9] =	ssyncadd.s32 $0xFFFFF800  }
0x1d: {  	[spmem:s13], [sflag:s10] =	dma.local [hbm:s5], $0x800  }
0x1e: {  	_ =	swait.ge [sflag:s9], $0x800  }
0x1f: {  	[sflag:s9] =	ssyncset.done $0x0  }
0x20: {  	[sflag:s9] =	ssyncadd.s32 $0xFFFFF800  }
0x21: {  	[spmem:s14], [sflag:s10] =	dma.local [hbm:s5], $0x800  }
0x22: {  	_ =	swait.ge [sflag:s9], $0x800  }
0x23: {  	[sflag:s9] =	ssyncset.done $0x0  }
0x24: {  	[sflag:s9] =	ssyncadd.s32 $0xFFFFF800  }
0x25: {  	[spmem:s15], [sflag:s10] =	dma.local [hbm:s5], $0x800  }
0x26: {  	_ =	swait.ge [sflag:s9], $0x800  }
0x27: {  	[sflag:s9] =	ssyncset.done $0x0  }
0x28: {  	[sflag:s9] =	ssyncadd.s32 $0xFFFFF800  }
0x29: {  	[tilespmem:s16], [sflag:$0x1] =	stream.linear.gather [hbm4b:s2+s4], $0x4000, $0x38;
	[tilespmem:$0x1A800] =	vst v63  }
0x2a: {  	_ =	swait.ge [sflag:s9], $0x4000  }
0x2b: {  	[sflag:s9] =	ssyncset.done $0x0  }
0x2c: {  	[sflag:s9] =	ssyncadd.s32 $0xFFFFC000  }
0x2d: {  	s19 =	simm.s32 $0x0;
	[bflag:$0x0] =	sbarrier.arrive $0xFFFF  }
0x2e: {  	[spmem:s3] =	stream.indirect.scatter.add.f32 [tilespmem:s16], [sflag:$0x1], $0x80, s19, s17, $0xb8;
	[tilespmem:$0x1A800] =	vst v63  }
0x2f: {  	_ =	swait.ge [sflag:s9], $0x4000  }
0x30: {  	s19 =	simm.s32 $0x200;
	[sflag:s9] =	ssyncset.done $0x0  }
.LBB2_2:
0x31: {  	s20 =	sshra.s32 s19, $0x2;
	[sflag:s9] =	ssyncadd.s32 $0xFFFFC000;
	p0 =	sne.s32 s19, $0x9E00  }
0x32: {  	[spmem:s3] =	stream.indirect.scatter.add.f32 [tilespmem:s16], [sflag:$0x1], $0x80, s20, s17, $0xb8;
	[tilespmem:$0x1A800] =	vst v63  }
.Ltmp0:
0x33: {  	_ = 	snop;
	(pc) =	sbr.rel @p0 .LBB2_2-.Ltmp0, $4  }
0x34: {  	_ = 	snop  }
0x35: {  	s19 =	sadd.s32 $0x200, s19  }
0x36: {  	_ =	swait.ge [sflag:s9], $0x4000  }
0x37: {  	[sflag:s9] =	ssyncset.done $0x0  }
0x38: {  	s18 =	sadd.s32 $0x1, s18  }
0x39: {  	[sflag:s9] =	ssyncadd.s32 $0xFFFFC000;
	p0 =	sne.s32 s18, s8  }
.Ltmp1:
0x3a: {  	[bflag:$0x0] =	sbarrier.arrive $0xFFFF;
	(pc) =	sbr.rel @p0 .LBB2_1-.Ltmp1, $4  }
0x3b: {  	[hbm:s7], [sflag:s10] =	dma.local [spmem:s11], $0x2800  }
0x3c: {  	_ =	swait.ge [sflag:s9], $0x2800  }
0x3d: {  	[sflag:s9] =	ssyncset.done $0x0  }
0x3e: {  	[sflag:s9] =	ssyncadd.s32 $0xFFFFD800  }
0x3f: {  	_ =	sfence.sel $0x180000  }
0x40: {  	[bflag:$0x0] =	sbarrier.arrive $0xFFFF  }
0x41: {  	p0 =	sne.s32 s0, $0x0;
	_ =	strace $0x90000047  }
0x42: {  	s0 =	sadd.s32 @!p0 $0x100000, s1;
	[bflag:$0x2] =	sbarrier.arrive $0xFFFF  }
0x43: {  	[sflag:s0] =	ssyncadd.tile.s32 @!p0 $0x1;
	_ =	shalt  }
.Lfunc_end2:
_tile_overlayer_lowered:
.L_overlay_start_2:
0x44: {  	(tag) =	ssettag $0x2  }
0x45: {  	s0 =	rddreg [dreg:$0x0];
	s2 =	stileid.u32  }
0x46: {  	s1 =	rddreg [dreg:$0x1];
	p0 =	sne.s32 s2, $0x0  }
0x47: {  	s3 =	rddreg [dreg:$0x2];
	[bflag:$0x3] =	sbarrier.arrive $0xFFFF;
	s2 =	simm.s32 @!p0 $0x1C01  }
0x48: {  	[timem:s3], [sflag:s2] =	dma.local @!p0 [hbm:s0], s1  }
0x49: {  	s0 =	simm.s32 @!p0 $0x1  }
0x4a: {  	_ =	swait.ge @!p0 [sflag:s0], s1  }
0x4b: {  	s1 =	ssub.s32 @!p0 $0x0, s1;
	[sflag:s0] =	ssyncset.done @!p0 $0x0  }
0x4c: {  	[sflag:s0] =	ssyncadd.s32 @!p0 s1  }
0x4d: {  	[bflag:$0x3] =	sbarrier.arrive $0xFFFF  }
0x4e: {  	_ =	shalt  }

</sc_bundles>
